<compile_context>
chip_gen: v7x
topology: tpu7x:2x2x1
jax: 0.10.2.dev20260603
libtpu: 0.0.44.dev20260713+nightly
codegen_flags: <defaults>
</compile_context>

<pallas_src>
import functools

import jax
import jax.numpy as jnp
from jax import lax
from jax.experimental import pallas as pl
from jax.experimental.pallas import tpu as pltpu
from jax.experimental.pallas import tpu_sc as plsc

N_EMAIL = 50000
H = 128
NROWS = 52000
ROWS_PER_SUB = NROWS // 16
CH = 128
NW = 32
NBUF = 8
UE_CHUNKS = 64
SE_CHUNKS = 28
UE_PAD = NW * UE_CHUNKS * CH
SE_PAD = NW * SE_CHUNKS * CH

def _seg_body(ue_src, ue_dst, se_src, se_dst, xurl, xs, zrows, out,
              iue_src, iue_dst, ise_src, ise_dst, rows,
              g0, g1, g2, g3, g4, g5, g6, g7,
              s0, s1, s2, s3, s4, s5, s6, s7, acc):
    gsems = [g0, g1, g2, g3, g4, g5, g6, g7]
    ssems = [s0, s1, s2, s3, s4, s5, s6, s7]
    c = lax.axis_index("c")
    s = lax.axis_index("s")
    wid = s * 2 + c

    pltpu.sync_copy(zrows, acc.at[pl.ds(s * ROWS_PER_SUB, ROWS_PER_SUB)])
    pltpu.sync_copy(ue_src.at[wid], iue_src)
    pltpu.sync_copy(ue_dst.at[wid], iue_dst)
    pltpu.sync_copy(se_src.at[wid], ise_src)
    pltpu.sync_copy(se_dst.at[wid], ise_dst)
    plsc.subcore_barrier()

    def _run(isrc, idst, table_hbm, nchunks, nbuf):
        for b in range(nbuf):
            pltpu.async_copy(table_hbm.at[isrc.at[b]], rows.at[b], gsems[b])

        def group(g, carry):
            jb = g * nbuf
            for b in range(nbuf):
                pltpu.make_async_copy(table_hbm.at[isrc.at[0]],
                                      rows.at[b], gsems[b]).wait()
                pltpu.async_copy(rows.at[b], acc.at[idst.at[jb + b]],
                                 ssems[b], add=True)
            for b in range(nbuf):
                @pl.when(jb + nbuf + b < nchunks)
                def _():
                    pltpu.make_async_copy(rows.at[b],
                                          acc.at[idst.at[0]], ssems[b]).wait()
                    pltpu.async_copy(table_hbm.at[isrc.at[jb + nbuf + b]],
                                     rows.at[b], gsems[b])
            return carry

        lax.fori_loop(0, nchunks // nbuf, group, 0)
        for b in range(nbuf):
            pltpu.make_async_copy(rows.at[b], acc.at[idst.at[0]],
                                  ssems[b]).wait()

    _run(iue_src, iue_dst, xurl, UE_CHUNKS, 8)
    _run(ise_src, ise_dst, xs, SE_CHUNKS, 4)

    plsc.subcore_barrier()
    pltpu.sync_copy(acc.at[pl.ds(s * ROWS_PER_SUB, ROWS_PER_SUB)],
                    out.at[c, pl.ds(s * ROWS_PER_SUB, ROWS_PER_SUB)])


@functools.lru_cache(maxsize=1)
def _seg_kernel():
    return functools.partial(
        pl.kernel,
        out_type=jax.ShapeDtypeStruct((2, NROWS, 16), jnp.float32),
        mesh=plsc.VectorSubcoreMesh(core_axis_name="c", subcore_axis_name="s",
                                    num_cores=2, num_subcores=16),
        compiler_params=pltpu.CompilerParams(use_tc_tiling_on_sc=False),
        scratch_types=(
            [
                pltpu.VMEM((UE_CHUNKS, CH), jnp.int32),
                pltpu.VMEM((UE_CHUNKS, CH), jnp.int32),
                pltpu.VMEM((SE_CHUNKS, CH), jnp.int32),
                pltpu.VMEM((SE_CHUNKS, CH), jnp.int32),
                pltpu.VMEM((NBUF, CH, 16), jnp.float32),
            ]
            + [pltpu.SemaphoreType.DMA] * (2 * NBUF)
            + [pltpu.VMEM_SHARED((NROWS, 16), jnp.float32)]
        ),
    )(_seg_body)


BLK = 2000


def _tc_body(xe_ref, pp_ref, wet_ref, be_ref, wr_ref, bl_ref, m_ref,
             bwt_ref, swt_ref, out_ref):
    he = jnp.dot(xe_ref[...], wet_ref[...],
                 preferred_element_type=jnp.float32) + be_ref[...]

    p = pp_ref[0, 0] + pp_ref[1, 0]
    col = lax.broadcasted_iota(jnp.int32, (BLK // 8, 16), 1)
    ws = []
    for q in range(8):
        sq = p[:, 16 * q:16 * q + 16]
        dq_ue = jnp.maximum(sq[:, 8:9], 1.0)
        dq_se = jnp.maximum(sq[:, 10:11], 1.0)
        denom = jnp.where(col <= 8, dq_ue, jnp.where(col <= 10, dq_se, 1.0))
        ws.append(sq / denom)
    w = jnp.stack(ws, axis=1).reshape(BLK, 16)

    m_e = jnp.dot(w, m_ref[...], preferred_element_type=jnp.float32)
    m_e = m_e + jnp.dot(he, wr_ref[...], preferred_element_type=jnp.float32)
    m_e = (m_e + bl_ref[...]) * 0.5
    h = jnp.where(m_e > 0, m_e, 0.2 * m_e) + he

    sig = 1.0 / (1.0 + jnp.exp(-h))
    acc = jnp.dot(h * sig, bwt_ref[...], preferred_element_type=jnp.float32)

    y = h * 2.5
    for k in range(8):
        m = y + (3.5 - k)
        rc = jnp.maximum(2.0 - jnp.abs(m), 0.0)
        p1 = (rc * rc) * rc * (1.0 / 6.0)
        p2 = ((-0.5 * rc + 2.0) * rc - 2.0) * rc + (2.0 / 3.0)
        bk = jnp.where(rc < 1.0, p1, p2)
        acc = acc + jnp.dot(bk, swt_ref[k], preferred_element_type=jnp.float32)

    out_ref[...] = acc


def _pad_edges(ei, total, chunks):
    pad = total - ei.shape[1]
    src = jnp.pad(ei[0], (0, pad))
    dst = jnp.pad(ei[1], (0, pad), constant_values=N_EMAIL)
    return src.reshape(NW, chunks, CH), dst.reshape(NW, chunks, CH)


def _prep_body(xu_ref, xs_ref, xu_out, xs_out):
    xu_out[:, 0:8] = xu_ref[...]
    xu_out[:, 8:9] = jnp.ones((2000, 1), jnp.float32)
    xu_out[:, 9:16] = jnp.zeros((2000, 7), jnp.float32)
    xs_out[:, 0:9] = jnp.zeros((400, 9), jnp.float32)
    xs_out[:, 9:10] = xs_ref[...]
    xs_out[:, 10:11] = jnp.ones((400, 1), jnp.float32)
    xs_out[:, 11:16] = jnp.zeros((400, 5), jnp.float32)


def _build_tables(x_url, x_sender):
    return pl.pallas_call(
        _prep_body,
        grid=(25,),
        in_specs=[
            pl.BlockSpec((2000, 8), lambda i: (i, 0)),
            pl.BlockSpec((400, 1), lambda i: (i, 0)),
        ],
        out_specs=[
            pl.BlockSpec((2000, 16), lambda i: (i, 0)),
            pl.BlockSpec((400, 16), lambda i: (i, 0)),
        ],
        out_shape=[
            jax.ShapeDtypeStruct((50000, 16), jnp.float32),
            jax.ShapeDtypeStruct((10000, 16), jnp.float32),
        ],
    )(x_url, x_sender)


def kernel(x_email, x_url, x_sender, ei_sender_email, ei_url_email,
           ei_email_url, We, be, Wu, bu, Ws, bs,
           Wl_se, bl_se, Wr_se, Wl_ue, bl_ue, Wr_ue, Wl_eu, bl_eu, Wr_eu,
           base_w, spline_w):
    ue_src, ue_dst = _pad_edges(ei_url_email, UE_PAD, UE_CHUNKS)
    se_src, se_dst = _pad_edges(ei_sender_email, SE_PAD, SE_CHUNKS)

    xurl_pad, xs_pad = _build_tables(x_url, x_sender)
    zrows = jnp.zeros((ROWS_PER_SUB, 16), jnp.float32)

    partials = _seg_kernel()(ue_src, ue_dst, se_src, se_dst,
                             xurl_pad, xs_pad, zrows)

    m_mat = jnp.zeros((16, H), jnp.float32)
    m_mat = m_mat.at[0:8].set((Wl_ue @ Wu).T)
    m_mat = m_mat.at[8].set(Wl_ue @ bu)
    m_mat = m_mat.at[9].set(Wl_se @ Ws[:, 0])
    m_mat = m_mat.at[10].set(Wl_se @ bs)

    wet = We.T
    wr = (Wr_se + Wr_ue).T
    bl2 = (bl_se + bl_ue).reshape(1, H)
    be2 = be.reshape(1, H)
    bwt = base_w.T
    swt = jnp.transpose(spline_w, (2, 1, 0))

    partials_packed = partials.reshape(2, NROWS * 16 // (BLK * 16), BLK // 8, 128)

    grid = N_EMAIL // BLK
    out = pl.pallas_call(
        _tc_body,
        grid=(grid,),
        in_specs=[
            pl.BlockSpec((BLK, 768), lambda i: (i, 0)),
            pl.BlockSpec((2, 1, BLK // 8, 128), lambda i: (0, i, 0, 0)),
            pl.BlockSpec((768, H), lambda i: (0, 0)),
            pl.BlockSpec((1, H), lambda i: (0, 0)),
            pl.BlockSpec((H, H), lambda i: (0, 0)),
            pl.BlockSpec((1, H), lambda i: (0, 0)),
            pl.BlockSpec((16, H), lambda i: (0, 0)),
            pl.BlockSpec((H, 2), lambda i: (0, 0)),
            pl.BlockSpec((8, H, 2), lambda i: (0, 0, 0)),
        ],
        out_specs=pl.BlockSpec((BLK, 2), lambda i: (i, 0)),
        out_shape=jax.ShapeDtypeStruct((N_EMAIL, 2), jnp.float32),
    )(x_email, partials_packed, wet, be2, wr, bl2, m_mat, bwt, swt)
    return out

# --- scband reference (transcript-rebuilt; emitter-appended) ---
"""Pipeline reference for scband-hkangnn-9259949490519 (READ-ONLY COPY).

The authoritative reference and input builder live on the scoring server;
editing this copy changes nothing except your own understanding.
"""

import jax, jax.numpy as jnp
import numpy as np

N_EMAIL, N_URL, N_SENDER = 50000, 50000, 10000
H, OUT = 128, 2
GRID, K = 5, 3

GRID_PTS = jnp.tile((jnp.arange(-K, GRID + K + 1, dtype=jnp.float32) * (2.0 / GRID) - 1.0)[None, :], (H, 1))


def _w(key, shape, scale):
    return jax.random.normal(key, shape, jnp.float32) * scale


def setup_inputs(seed: int = 0) -> dict:
    key = jax.random.key(seed)
    ks = jax.random.split(key, 32)
    inp = {}
    inp["x_email"] = jax.random.normal(ks[0], (N_EMAIL, 768), jnp.float32)
    inp["x_url"] = jax.random.normal(ks[1], (N_URL, 8), jnp.float32)
    inp["x_sender"] = jax.random.normal(ks[2], (N_SENDER, 1), jnp.float32)
    inp["ei_sender_email"] = jnp.stack([
        jax.random.randint(ks[3], (100000,), 0, N_SENDER),
        jax.random.randint(ks[4], (100000,), 0, N_EMAIL)]).astype(jnp.int32)
    inp["ei_url_email"] = jnp.stack([
        jax.random.randint(ks[5], (250000,), 0, N_URL),
        jax.random.randint(ks[6], (250000,), 0, N_EMAIL)]).astype(jnp.int32)
    inp["ei_email_url"] = jnp.stack([
        jax.random.randint(ks[7], (250000,), 0, N_EMAIL),
        jax.random.randint(ks[8], (250000,), 0, N_URL)]).astype(jnp.int32)
    inp["We"] = _w(ks[9], (H, 768), 768 ** -0.5)
    inp["be"] = jnp.zeros((H,), jnp.float32)
    inp["Wu"] = _w(ks[10], (H, 8), 8 ** -0.5)
    inp["bu"] = jnp.zeros((H,), jnp.float32)
    inp["Ws"] = _w(ks[11], (H, 1), 1.0)
    inp["bs"] = jnp.zeros((H,), jnp.float32)
    for i, tag in enumerate(["se", "ue", "eu"]):
        inp["Wl_" + tag] = _w(ks[12 + 3 * i], (H, H), H ** -0.5)
        inp["bl_" + tag] = jnp.zeros((H,), jnp.float32)
        inp["Wr_" + tag] = _w(ks[13 + 3 * i], (H, H), H ** -0.5)
    inp["base_w"] = _w(ks[21], (OUT, H), H ** -0.5)
    inp["spline_w"] = _w(ks[22], (OUT, H, GRID + K), 0.1)
    return inp


def _b_splines(x):
    xx = x[..., None]
    g = GRID_PTS
    bases = ((xx >= g[:, :-1]) & (xx < g[:, 1:])).astype(x.dtype)
    for j in range(1, K + 1):
        bases = ((xx - g[:, :-(j + 1)]) / (g[:, j:-1] - g[:, :-(j + 1)]) * bases[..., :-1]
                 + (g[:, j + 1:] - xx) / (g[:, j + 1:] - g[:, 1:-j]) * bases[..., 1:])
    return bases


def _sage(x_src, x_dst, ei, Wl, bl, Wr):
    src, dst = ei[0], ei[1]
    n_dst = x_dst.shape[0]
    s = jax.ops.segment_sum(x_src[src], dst, num_segments=n_dst)
    cnt = jax.ops.segment_sum(jnp.ones((ei.shape[1],), x_src.dtype), dst, num_segments=n_dst)
    mean = s / jnp.maximum(cnt, 1.0)[:, None]
    return mean @ Wl.T + bl + x_dst @ Wr.T


def reference(x_email, x_url, x_sender, ei_sender_email, ei_url_email, ei_email_url,
              We, be, Wu, bu, Ws, bs,
              Wl_se, bl_se, Wr_se, Wl_ue, bl_ue, Wr_ue, Wl_eu, bl_eu, Wr_eu,
              base_w, spline_w):
    he = x_email @ We.T + be
    hu = x_url @ Wu.T + bu
    hs = x_sender @ Ws.T + bs
    res = he
    m_e = (_sage(hs, he, ei_sender_email, Wl_se, bl_se, Wr_se)
           + _sage(hu, he, ei_url_email, Wl_ue, bl_ue, Wr_ue)) / 2.0
    m_u = _sage(he, hu, ei_email_url, Wl_eu, bl_eu, Wr_eu)
    h_e = jax.nn.leaky_relu(m_e, 0.2)
    _ = jax.nn.leaky_relu(m_u, 0.2)
    h = h_e + res
    out = jax.nn.silu(h) @ base_w.T + jnp.einsum('nik,oik->no', _b_splines(h), spline_w)
    return out

if __name__ == "__main__":
    import jax
    _d = setup_inputs()
    print(jax.jit(kernel)(*tuple(_d.values())))

</pallas_src>

<mosaic_0001>
#map = affine_map<(d0, d1) -> (0, 0, 0)>
#map1 = affine_map<(d0, d1) -> (0, 0)>
module attributes {stable_mosaic.version = 14 : i64} {
  func.func @_seg_body(%arg0: i32, %arg1: i32, %arg2: memref<32x64x128xi32, #tpu.memory_space<hbm>>, %arg3: memref<32x64x128xi32, #tpu.memory_space<hbm>>, %arg4: memref<32x28x128xi32, #tpu.memory_space<hbm>>, %arg5: memref<32x28x128xi32, #tpu.memory_space<hbm>>, %arg6: memref<50000x16xf32, #tpu.memory_space<hbm>>, %arg7: memref<10000x16xf32, #tpu.memory_space<hbm>>, %arg8: memref<3250x16xf32, #tpu.memory_space<hbm>>, %arg9: memref<2x52000x16xf32, #tpu.memory_space<hbm>>, %arg10: memref<64x128xi32, #tpu.memory_space<vmem>>, %arg11: memref<64x128xi32, #tpu.memory_space<vmem>>, %arg12: memref<28x128xi32, #tpu.memory_space<vmem>>, %arg13: memref<28x128xi32, #tpu.memory_space<vmem>>, %arg14: memref<8x128x16xf32, #tpu.memory_space<vmem>>, %arg15: memref<!tpu.dma_semaphore, #tpu.memory_space<semaphore_mem>>, %arg16: memref<!tpu.dma_semaphore, #tpu.memory_space<semaphore_mem>>, %arg17: memref<!tpu.dma_semaphore, #tpu.memory_space<semaphore_mem>>, %arg18: memref<!tpu.dma_semaphore, #tpu.memory_space<semaphore_mem>>, %arg19: memref<!tpu.dma_semaphore, #tpu.memory_space<semaphore_mem>>, %arg20: memref<!tpu.dma_semaphore, #tpu.memory_space<semaphore_mem>>, %arg21: memref<!tpu.dma_semaphore, #tpu.memory_space<semaphore_mem>>, %arg22: memref<!tpu.dma_semaphore, #tpu.memory_space<semaphore_mem>>, %arg23: memref<!tpu.dma_semaphore, #tpu.memory_space<semaphore_mem>>, %arg24: memref<!tpu.dma_semaphore, #tpu.memory_space<semaphore_mem>>, %arg25: memref<!tpu.dma_semaphore, #tpu.memory_space<semaphore_mem>>, %arg26: memref<!tpu.dma_semaphore, #tpu.memory_space<semaphore_mem>>, %arg27: memref<!tpu.dma_semaphore, #tpu.memory_space<semaphore_mem>>, %arg28: memref<!tpu.dma_semaphore, #tpu.memory_space<semaphore_mem>>, %arg29: memref<!tpu.dma_semaphore, #tpu.memory_space<semaphore_mem>>, %arg30: memref<!tpu.dma_semaphore, #tpu.memory_space<semaphore_mem>>, %arg31: memref<52000x16xf32, #tpu.memory_space<vmem_shared>>) attributes {dimension_semantics = [#tpu.dimension_semantics<core_parallel>, #tpu.dimension_semantics<subcore_parallel>], iteration_bounds = array<i64: 2, 16>, scalar_prefetch = 0 : i64, scratch_operands = 22 : i64, tpu.core_type = #tpu.core_type<sc_vector_subcore>, window_params = [{transform_indices = #map}, {transform_indices = #map}, {transform_indices = #map}, {transform_indices = #map}, {transform_indices = #map1}, {transform_indices = #map1}, {transform_indices = #map1}, {transform_indices = #map}]} {
    %mul3A = arith.constant 2 : i32
    %mul3A_0 = arith.muli %arg1, %mul3A : i32
    %add3A = arith.addi %mul3A_0, %arg0 : i32
    %mul3A_1 = arith.constant 3250 : i32
    %mul3A_2 = arith.muli %arg1, %mul3A_1 : i32
    "tpu.region"() ({
      %run_scoped3A = tpu.sem_alloc : memref<!tpu.dma_semaphore, #tpu.memory_space<semaphore_mem>>
      %dma_start3A_305 = arith.constant 0 : i32
      %dma_start3A_306 = tpu.memref_slice %arg31[%mul3A_2, %dma_start3A_305] : memref<52000x16xf32, #tpu.memory_space<vmem_shared>> -> memref<3250x16xf32, #tpu.memory_space<vmem_shared>>
      tpu.enqueue_dma source(%arg8 : memref<3250x16xf32, #tpu.memory_space<hbm>>) target(%dma_start3A_306 : memref<3250x16xf32, #tpu.memory_space<vmem_shared>>) target_semaphore(%run_scoped3A : memref<!tpu.dma_semaphore, #tpu.memory_space<semaphore_mem>>)
      %dma_wait3A_307 = arith.constant 0 : i32
      %dma_wait3A_308 = tpu.memref_slice %arg31[%mul3A_2, %dma_wait3A_307] : memref<52000x16xf32, #tpu.memory_space<vmem_shared>> -> memref<3250x16xf32, #tpu.memory_space<vmem_shared>>
      tpu.wait_dma2 semaphore(%run_scoped3A : memref<!tpu.dma_semaphore, #tpu.memory_space<semaphore_mem>>) src(%arg8 : memref<3250x16xf32, #tpu.memory_space<hbm>>) dst(%dma_wait3A_308 : memref<3250x16xf32, #tpu.memory_space<vmem_shared>>)
      tpu.yield
    }) : () -> ()
    "tpu.region"() ({
      %run_scoped3A = tpu.sem_alloc : memref<!tpu.dma_semaphore, #tpu.memory_space<semaphore_mem>>
      %dma_start3A_305 = arith.constant 0 : i32
      %dma_start3A_306 = arith.constant 0 : i32
      %dma_start3A_307 = tpu.memref_slice %arg2[%add3A, %dma_start3A_305, %dma_start3A_306] : memref<32x64x128xi32, #tpu.memory_space<hbm>> -> memref<1x64x128xi32, #tpu.memory_space<hbm>>
      %dma_start3A_308 = tpu.memref_squeeze %dma_start3A_307 : memref<1x64x128xi32, #tpu.memory_space<hbm>> -> memref<64x128xi32, #tpu.memory_space<hbm>>
      %dma_start3A_309 = arith.constant 0 : i32
      %dma_start3A_310 = arith.constant 0 : i32
      %dma_start3A_311 = tpu.memref_slice %arg2[%add3A, %dma_start3A_309, %dma_start3A_310] : memref<32x64x128xi32, #tpu.memory_space<hbm>> -> memref<1x64x128xi32, #tpu.memory_space<hbm>>
      %dma_start3A_312 = tpu.memref_squeeze %dma_start3A_311 : memref<1x64x128xi32, #tpu.memory_space<hbm>> -> memref<64x128xi32, #tpu.memory_space<hbm>>
      tpu.enqueue_dma source(%dma_start3A_312 : memref<64x128xi32, #tpu.memory_space<hbm>>) target(%arg10 : memref<64x128xi32, #tpu.memory_space<vmem>>) target_semaphore(%run_scoped3A : memref<!tpu.dma_semaphore, #tpu.memory_space<semaphore_mem>>)
      %dma_wait3A_313 = arith.constant 0 : i32
      %dma_wait3A_314 = arith.constant 0 : i32
      %dma_wait3A_315 = tpu.memref_slice %arg2[%add3A, %dma_wait3A_313, %dma_wait3A_314] : memref<32x64x128xi32, #tpu.memory_space<hbm>> -> memref<1x64x128xi32, #tpu.memory_space<hbm>>
      %dma_wait3A_316 = tpu.memref_squeeze %dma_wait3A_315 : memref<1x64x128xi32, #tpu.memory_space<hbm>> -> memref<64x128xi32, #tpu.memory_space<hbm>>
      %dma_wait3A_317 = arith.constant 0 : i32
      %dma_wait3A_318 = arith.constant 0 : i32
      %dma_wait3A_319 = tpu.memref_slice %arg2[%add3A, %dma_wait3A_317, %dma_wait3A_318] : memref<32x64x128xi32, #tpu.memory_space<hbm>> -> memref<1x64x128xi32, #tpu.memory_space<hbm>>
      %dma_wait3A_320 = tpu.memref_squeeze %dma_wait3A_319 : memref<1x64x128xi32, #tpu.memory_space<hbm>> -> memref<64x128xi32, #tpu.memory_space<hbm>>
      tpu.wait_dma2 semaphore(%run_scoped3A : memref<!tpu.dma_semaphore, #tpu.memory_space<semaphore_mem>>) src(%dma_wait3A_320 : memref<64x128xi32, #tpu.memory_space<hbm>>) dst(%arg10 : memref<64x128xi32, #tpu.memory_space<vmem>>)
      tpu.yield
    }) : () -> ()
    "tpu.region"() ({
      %run_scoped3A = tpu.sem_alloc : memref<!tpu.dma_semaphore, #tpu.memory_space<semaphore_mem>>
      %dma_start3A_305 = arith.constant 0 : i32
      %dma_start3A_306 = arith.constant 0 : i32
      %dma_start3A_307 = tpu.memref_slice %arg3[%add3A, %dma_start3A_305, %dma_start3A_306] : memref<32x64x128xi32, #tpu.memory_space<hbm>> -> memref<1x64x128xi32, #tpu.memory_space<hbm>>
      %dma_start3A_308 = tpu.memref_squeeze %dma_start3A_307 : memref<1x64x128xi32, #tpu.memory_space<hbm>> -> memref<64x128xi32, #tpu.memory_space<hbm>>
      %dma_start3A_309 = arith.constant 0 : i32
      %dma_start3A_310 = arith.constant 0 : i32
      %dma_start3A_311 = tpu.memref_slice %arg3[%add3A, %dma_start3A_309, %dma_start3A_310] : memref<32x64x128xi32, #tpu.memory_space<hbm>> -> memref<1x64x128xi32, #tpu.memory_space<hbm>>
      %dma_start3A_312 = tpu.memref_squeeze %dma_start3A_311 : memref<1x64x128xi32, #tpu.memory_space<hbm>> -> memref<64x128xi32, #tpu.memory_space<hbm>>
      tpu.enqueue_dma source(%dma_start3A_312 : memref<64x128xi32, #tpu.memory_space<hbm>>) target(%arg11 : memref<64x128xi32, #tpu.memory_space<vmem>>) target_semaphore(%run_scoped3A : memref<!tpu.dma_semaphore, #tpu.memory_space<semaphore_mem>>)
      %dma_wait3A_313 = arith.constant 0 : i32
      %dma_wait3A_314 = arith.constant 0 : i32
      %dma_wait3A_315 = tpu.memref_slice %arg3[%add3A, %dma_wait3A_313, %dma_wait3A_314] : memref<32x64x128xi32, #tpu.memory_space<hbm>> -> memref<1x64x128xi32, #tpu.memory_space<hbm>>
      %dma_wait3A_316 = tpu.memref_squeeze %dma_wait3A_315 : memref<1x64x128xi32, #tpu.memory_space<hbm>> -> memref<64x128xi32, #tpu.memory_space<hbm>>
      %dma_wait3A_317 = arith.constant 0 : i32
      %dma_wait3A_318 = arith.constant 0 : i32
      %dma_wait3A_319 = tpu.memref_slice %arg3[%add3A, %dma_wait3A_317, %dma_wait3A_318] : memref<32x64x128xi32, #tpu.memory_space<hbm>> -> memref<1x64x128xi32, #tpu.memory_space<hbm>>
      %dma_wait3A_320 = tpu.memref_squeeze %dma_wait3A_319 : memref<1x64x128xi32, #tpu.memory_space<hbm>> -> memref<64x128xi32, #tpu.memory_space<hbm>>
      tpu.wait_dma2 semaphore(%run_scoped3A : memref<!tpu.dma_semaphore, #tpu.memory_space<semaphore_mem>>) src(%dma_wait3A_320 : memref<64x128xi32, #tpu.memory_space<hbm>>) dst(%arg11 : memref<64x128xi32, #tpu.memory_space<vmem>>)
      tpu.yield
    }) : () -> ()
    "tpu.region"() ({
      %run_scoped3A = tpu.sem_alloc : memref<!tpu.dma_semaphore, #tpu.memory_space<semaphore_mem>>
      %dma_start3A_305 = arith.constant 0 : i32
      %dma_start3A_306 = arith.constant 0 : i32
      %dma_start3A_307 = tpu.memref_slice %arg4[%add3A, %dma_start3A_305, %dma_start3A_306] : memref<32x28x128xi32, #tpu.memory_space<hbm>> -> memref<1x28x128xi32, #tpu.memory_space<hbm>>
      %dma_start3A_308 = tpu.memref_squeeze %dma_start3A_307 : memref<1x28x128xi32, #tpu.memory_space<hbm>> -> memref<28x128xi32, #tpu.memory_space<hbm>>
      %dma_start3A_309 = arith.constant 0 : i32
      %dma_start3A_310 = arith.constant 0 : i32
      %dma_start3A_311 = tpu.memref_slice %arg4[%add3A, %dma_start3A_309, %dma_start3A_310] : memref<32x28x128xi32, #tpu.memory_space<hbm>> -> memref<1x28x128xi32, #tpu.memory_space<hbm>>
      %dma_start3A_312 = tpu.memref_squeeze %dma_start3A_311 : memref<1x28x128xi32, #tpu.memory_space<hbm>> -> memref<28x128xi32, #tpu.memory_space<hbm>>
      tpu.enqueue_dma source(%dma_start3A_312 : memref<28x128xi32, #tpu.memory_space<hbm>>) target(%arg12 : memref<28x128xi32, #tpu.memory_space<vmem>>) target_semaphore(%run_scoped3A : memref<!tpu.dma_semaphore, #tpu.memory_space<semaphore_mem>>)
      %dma_wait3A_313 = arith.constant 0 : i32
      %dma_wait3A_314 = arith.constant 0 : i32
      %dma_wait3A_315 = tpu.memref_slice %arg4[%add3A, %dma_wait3A_313, %dma_wait3A_314] : memref<32x28x128xi32, #tpu.memory_space<hbm>> -> memref<1x28x128xi32, #tpu.memory_space<hbm>>
      %dma_wait3A_316 = tpu.memref_squeeze %dma_wait3A_315 : memref<1x28x128xi32, #tpu.memory_space<hbm>> -> memref<28x128xi32, #tpu.memory_space<hbm>>
      %dma_wait3A_317 = arith.constant 0 : i32
      %dma_wait3A_318 = arith.constant 0 : i32
      %dma_wait3A_319 = tpu.memref_slice %arg4[%add3A, %dma_wait3A_317, %dma_wait3A_318] : memref<32x28x128xi32, #tpu.memory_space<hbm>> -> memref<1x28x128xi32, #tpu.memory_space<hbm>>
      %dma_wait3A_320 = tpu.memref_squeeze %dma_wait3A_319 : memref<1x28x128xi32, #tpu.memory_space<hbm>> -> memref<28x128xi32, #tpu.memory_space<hbm>>
      tpu.wait_dma2 semaphore(%run_scoped3A : memref<!tpu.dma_semaphore, #tpu.memory_space<semaphore_mem>>) src(%dma_wait3A_320 : memref<28x128xi32, #tpu.memory_space<hbm>>) dst(%arg12 : memref<28x128xi32, #tpu.memory_space<vmem>>)
      tpu.yield
    }) : () -> ()
    "tpu.region"() ({
      %run_scoped3A = tpu.sem_alloc : memref<!tpu.dma_semaphore, #tpu.memory_space<semaphore_mem>>
      %dma_start3A_305 = arith.constant 0 : i32
      %dma_start3A_306 = arith.constant 0 : i32
      %dma_start3A_307 = tpu.memref_slice %arg5[%add3A, %dma_start3A_305, %dma_start3A_306] : memref<32x28x128xi32, #tpu.memory_space<hbm>> -> memref<1x28x128xi32, #tpu.memory_space<hbm>>
      %dma_start3A_308 = tpu.memref_squeeze %dma_start3A_307 : memref<1x28x128xi32, #tpu.memory_space<hbm>> -> memref<28x128xi32, #tpu.memory_space<hbm>>
      %dma_start3A_309 = arith.constant 0 : i32
      %dma_start3A_310 = arith.constant 0 : i32
      %dma_start3A_311 = tpu.memref_slice %arg5[%add3A, %dma_start3A_309, %dma_start3A_310] : memref<32x28x128xi32, #tpu.memory_space<hbm>> -> memref<1x28x128xi32, #tpu.memory_space<hbm>>
      %dma_start3A_312 = tpu.memref_squeeze %dma_start3A_311 : memref<1x28x128xi32, #tpu.memory_space<hbm>> -> memref<28x128xi32, #tpu.memory_space<hbm>>
      tpu.enqueue_dma source(%dma_start3A_312 : memref<28x128xi32, #tpu.memory_space<hbm>>) target(%arg13 : memref<28x128xi32, #tpu.memory_space<vmem>>) target_semaphore(%run_scoped3A : memref<!tpu.dma_semaphore, #tpu.memory_space<semaphore_mem>>)
      %dma_wait3A_313 = arith.constant 0 : i32
      %dma_wait3A_314 = arith.constant 0 : i32
      %dma_wait3A_315 = tpu.memref_slice %arg5[%add3A, %dma_wait3A_313, %dma_wait3A_314] : memref<32x28x128xi32, #tpu.memory_space<hbm>> -> memref<1x28x128xi32, #tpu.memory_space<hbm>>
      %dma_wait3A_316 = tpu.memref_squeeze %dma_wait3A_315 : memref<1x28x128xi32, #tpu.memory_space<hbm>> -> memref<28x128xi32, #tpu.memory_space<hbm>>
      %dma_wait3A_317 = arith.constant 0 : i32
      %dma_wait3A_318 = arith.constant 0 : i32
      %dma_wait3A_319 = tpu.memref_slice %arg5[%add3A, %dma_wait3A_317, %dma_wait3A_318] : memref<32x28x128xi32, #tpu.memory_space<hbm>> -> memref<1x28x128xi32, #tpu.memory_space<hbm>>
      %dma_wait3A_320 = tpu.memref_squeeze %dma_wait3A_319 : memref<1x28x128xi32, #tpu.memory_space<hbm>> -> memref<28x128xi32, #tpu.memory_space<hbm>>
      tpu.wait_dma2 semaphore(%run_scoped3A : memref<!tpu.dma_semaphore, #tpu.memory_space<semaphore_mem>>) src(%dma_wait3A_320 : memref<28x128xi32, #tpu.memory_space<hbm>>) dst(%arg13 : memref<28x128xi32, #tpu.memory_space<vmem>>)
      tpu.yield
    }) : () -> ()
    %barrier3A = arith.constant 0 : index
    tpu.barrier barrier_id(%barrier3A)
    %dma_start3A = arith.constant 0 : i32
    %dma_start3A_3 = arith.constant 0 : i32
    %dma_start3A_4 = arith.constant 0 : i32
    %dma_start3A_5 = arith.constant 0 : i32
    %dma_start3A_6 = tpu.memref_slice %arg14[%dma_start3A_3, %dma_start3A_4, %dma_start3A_5] : memref<8x128x16xf32, #tpu.memory_space<vmem>> -> memref<1x128x16xf32, #tpu.memory_space<vmem>>
    %dma_start3A_7 = tpu.memref_squeeze %dma_start3A_6 : memref<1x128x16xf32, #tpu.memory_space<vmem>> -> memref<128x16xf32, #tpu.memory_space<vmem>>
    %dma_start3A_8 = arith.constant 0 : i32
    %dma_start3A_9 = tpu.memref_slice %arg10[%dma_start3A, %dma_start3A_8] : memref<64x128xi32, #tpu.memory_space<vmem>> -> memref<1x128xi32, #tpu.memory_space<vmem>>
    %dma_start3A_10 = tpu.memref_squeeze %dma_start3A_9 : memref<1x128xi32, #tpu.memory_space<vmem>> -> memref<128xi32, #tpu.memory_space<vmem>>
    %dma_start3A_11 = arith.constant 0 : i32
    %dma_start3A_12 = arith.constant 0 : i32
    %dma_start3A_13 = tpu.memref_slice %arg6[%dma_start3A_11, %dma_start3A_12] : memref<50000x16xf32, #tpu.memory_space<hbm>> -> memref<50000x16xf32, #tpu.memory_space<hbm>>
    tpu.enqueue_indirect_dma source(%dma_start3A_13 : memref<50000x16xf32, #tpu.memory_space<hbm>>) target(%dma_start3A_7 : memref<128x16xf32, #tpu.memory_space<vmem>>) offsets(%dma_start3A_10 : memref<128xi32, #tpu.memory_space<vmem>>) semaphore(%arg15 : memref<!tpu.dma_semaphore, #tpu.memory_space<semaphore_mem>>)
    %dma_start3A_14 = arith.constant 1 : i32
    %dma_start3A_15 = arith.constant 1 : i32
    %dma_start3A_16 = arith.constant 0 : i32
    %dma_start3A_17 = arith.constant 0 : i32
    %dma_start3A_18 = tpu.memref_slice %arg14[%dma_start3A_15, %dma_start3A_16, %dma_start3A_17] : memref<8x128x16xf32, #tpu.memory_space<vmem>> -> memref<1x128x16xf32, #tpu.memory_space<vmem>>
    %dma_start3A_19 = tpu.memref_squeeze %dma_start3A_18 : memref<1x128x16xf32, #tpu.memory_space<vmem>> -> memref<128x16xf32, #tpu.memory_space<vmem>>
    %dma_start3A_20 = arith.constant 0 : i32
    %dma_start3A_21 = tpu.memref_slice %arg10[%dma_start3A_14, %dma_start3A_20] : memref<64x128xi32, #tpu.memory_space<vmem>> -> memref<1x128xi32, #tpu.memory_space<vmem>>
    %dma_start3A_22 = tpu.memref_squeeze %dma_start3A_21 : memref<1x128xi32, #tpu.memory_space<vmem>> -> memref<128xi32, #tpu.memory_space<vmem>>
    %dma_start3A_23 = arith.constant 0 : i32
    %dma_start3A_24 = arith.constant 0 : i32
    %dma_start3A_25 = tpu.memref_slice %arg6[%dma_start3A_23, %dma_start3A_24] : memref<50000x16xf32, #tpu.memory_space<hbm>> -> memref<50000x16xf32, #tpu.memory_space<hbm>>
    tpu.enqueue_indirect_dma source(%dma_start3A_25 : memref<50000x16xf32, #tpu.memory_space<hbm>>) target(%dma_start3A_19 : memref<128x16xf32, #tpu.memory_space<vmem>>) offsets(%dma_start3A_22 : memref<128xi32, #tpu.memory_space<vmem>>) semaphore(%arg16 : memref<!tpu.dma_semaphore, #tpu.memory_space<semaphore_mem>>)
    %dma_start3A_26 = arith.constant 2 : i32
    %dma_start3A_27 = arith.constant 2 : i32
    %dma_start3A_28 = arith.constant 0 : i32
    %dma_start3A_29 = arith.constant 0 : i32
    %dma_start3A_30 = tpu.memref_slice %arg14[%dma_start3A_27, %dma_start3A_28, %dma_start3A_29] : memref<8x128x16xf32, #tpu.memory_space<vmem>> -> memref<1x128x16xf32, #tpu.memory_space<vmem>>
    %dma_start3A_31 = tpu.memref_squeeze %dma_start3A_30 : memref<1x128x16xf32, #tpu.memory_space<vmem>> -> memref<128x16xf32, #tpu.memory_space<vmem>>
    %dma_start3A_32 = arith.constant 0 : i32
    %dma_start3A_33 = tpu.memref_slice %arg10[%dma_start3A_26, %dma_start3A_32] : memref<64x128xi32, #tpu.memory_space<vmem>> -> memref<1x128xi32, #tpu.memory_space<vmem>>
    %dma_start3A_34 = tpu.memref_squeeze %dma_start3A_33 : memref<1x128xi32, #tpu.memory_space<vmem>> -> memref<128xi32, #tpu.memory_space<vmem>>
    %dma_start3A_35 = arith.constant 0 : i32
    %dma_start3A_36 = arith.constant 0 : i32
    %dma_start3A_37 = tpu.memref_slice %arg6[%dma_start3A_35, %dma_start3A_36] : memref<50000x16xf32, #tpu.memory_space<hbm>> -> memref<50000x16xf32, #tpu.memory_space<hbm>>
    tpu.enqueue_indirect_dma source(%dma_start3A_37 : memref<50000x16xf32, #tpu.memory_space<hbm>>) target(%dma_start3A_31 : memref<128x16xf32, #tpu.memory_space<vmem>>) offsets(%dma_start3A_34 : memref<128xi32, #tpu.memory_space<vmem>>) semaphore(%arg17 : memref<!tpu.dma_semaphore, #tpu.memory_space<semaphore_mem>>)
    %dma_start3A_38 = arith.constant 3 : i32
    %dma_start3A_39 = arith.constant 3 : i32
    %dma_start3A_40 = arith.constant 0 : i32
    %dma_start3A_41 = arith.constant 0 : i32
    %dma_start3A_42 = tpu.memref_slice %arg14[%dma_start3A_39, %dma_start3A_40, %dma_start3A_41] : memref<8x128x16xf32, #tpu.memory_space<vmem>> -> memref<1x128x16xf32, #tpu.memory_space<vmem>>
    %dma_start3A_43 = tpu.memref_squeeze %dma_start3A_42 : memref<1x128x16xf32, #tpu.memory_space<vmem>> -> memref<128x16xf32, #tpu.memory_space<vmem>>
    %dma_start3A_44 = arith.constant 0 : i32
    %dma_start3A_45 = tpu.memref_slice %arg10[%dma_start3A_38, %dma_start3A_44] : memref<64x128xi32, #tpu.memory_space<vmem>> -> memref<1x128xi32, #tpu.memory_space<vmem>>
    %dma_start3A_46 = tpu.memref_squeeze %dma_start3A_45 : memref<1x128xi32, #tpu.memory_space<vmem>> -> memref<128xi32, #tpu.memory_space<vmem>>
    %dma_start3A_47 = arith.constant 0 : i32
    %dma_start3A_48 = arith.constant 0 : i32
    %dma_start3A_49 = tpu.memref_slice %arg6[%dma_start3A_47, %dma_start3A_48] : memref<50000x16xf32, #tpu.memory_space<hbm>> -> memref<50000x16xf32, #tpu.memory_space<hbm>>
    tpu.enqueue_indirect_dma source(%dma_start3A_49 : memref<50000x16xf32, #tpu.memory_space<hbm>>) target(%dma_start3A_43 : memref<128x16xf32, #tpu.memory_space<vmem>>) offsets(%dma_start3A_46 : memref<128xi32, #tpu.memory_space<vmem>>) semaphore(%arg18 : memref<!tpu.dma_semaphore, #tpu.memory_space<semaphore_mem>>)
    %dma_start3A_50 = arith.constant 4 : i32
    %dma_start3A_51 = arith.constant 4 : i32
    %dma_start3A_52 = arith.constant 0 : i32
    %dma_start3A_53 = arith.constant 0 : i32
    %dma_start3A_54 = tpu.memref_slice %arg14[%dma_start3A_51, %dma_start3A_52, %dma_start3A_53] : memref<8x128x16xf32, #tpu.memory_space<vmem>> -> memref<1x128x16xf32, #tpu.memory_space<vmem>>
    %dma_start3A_55 = tpu.memref_squeeze %dma_start3A_54 : memref<1x128x16xf32, #tpu.memory_space<vmem>> -> memref<128x16xf32, #tpu.memory_space<vmem>>
    %dma_start3A_56 = arith.constant 0 : i32
    %dma_start3A_57 = tpu.memref_slice %arg10[%dma_start3A_50, %dma_start3A_56] : memref<64x128xi32, #tpu.memory_space<vmem>> -> memref<1x128xi32, #tpu.memory_space<vmem>>
    %dma_start3A_58 = tpu.memref_squeeze %dma_start3A_57 : memref<1x128xi32, #tpu.memory_space<vmem>> -> memref<128xi32, #tpu.memory_space<vmem>>
    %dma_start3A_59 = arith.constant 0 : i32
    %dma_start3A_60 = arith.constant 0 : i32
    %dma_start3A_61 = tpu.memref_slice %arg6[%dma_start3A_59, %dma_start3A_60] : memref<50000x16xf32, #tpu.memory_space<hbm>> -> memref<50000x16xf32, #tpu.memory_space<hbm>>
    tpu.enqueue_indirect_dma source(%dma_start3A_61 : memref<50000x16xf32, #tpu.memory_space<hbm>>) target(%dma_start3A_55 : memref<128x16xf32, #tpu.memory_space<vmem>>) offsets(%dma_start3A_58 : memref<128xi32, #tpu.memory_space<vmem>>) semaphore(%arg19 : memref<!tpu.dma_semaphore, #tpu.memory_space<semaphore_mem>>)
    %dma_start3A_62 = arith.constant 5 : i32
    %dma_start3A_63 = arith.constant 5 : i32
    %dma_start3A_64 = arith.constant 0 : i32
    %dma_start3A_65 = arith.constant 0 : i32
    %dma_start3A_66 = tpu.memref_slice %arg14[%dma_start3A_63, %dma_start3A_64, %dma_start3A_65] : memref<8x128x16xf32, #tpu.memory_space<vmem>> -> memref<1x128x16xf32, #tpu.memory_space<vmem>>
    %dma_start3A_67 = tpu.memref_squeeze %dma_start3A_66 : memref<1x128x16xf32, #tpu.memory_space<vmem>> -> memref<128x16xf32, #tpu.memory_space<vmem>>
    %dma_start3A_68 = arith.constant 0 : i32
    %dma_start3A_69 = tpu.memref_slice %arg10[%dma_start3A_62, %dma_start3A_68] : memref<64x128xi32, #tpu.memory_space<vmem>> -> memref<1x128xi32, #tpu.memory_space<vmem>>
    %dma_start3A_70 = tpu.memref_squeeze %dma_start3A_69 : memref<1x128xi32, #tpu.memory_space<vmem>> -> memref<128xi32, #tpu.memory_space<vmem>>
    %dma_start3A_71 = arith.constant 0 : i32
    %dma_start3A_72 = arith.constant 0 : i32
    %dma_start3A_73 = tpu.memref_slice %arg6[%dma_start3A_71, %dma_start3A_72] : memref<50000x16xf32, #tpu.memory_space<hbm>> -> memref<50000x16xf32, #tpu.memory_space<hbm>>
    tpu.enqueue_indirect_dma source(%dma_start3A_73 : memref<50000x16xf32, #tpu.memory_space<hbm>>) target(%dma_start3A_67 : memref<128x16xf32, #tpu.memory_space<vmem>>) offsets(%dma_start3A_70 : memref<128xi32, #tpu.memory_space<vmem>>) semaphore(%arg20 : memref<!tpu.dma_semaphore, #tpu.memory_space<semaphore_mem>>)
    %dma_start3A_74 = arith.constant 6 : i32
    %dma_start3A_75 = arith.constant 6 : i32
    %dma_start3A_76 = arith.constant 0 : i32
    %dma_start3A_77 = arith.constant 0 : i32
    %dma_start3A_78 = tpu.memref_slice %arg14[%dma_start3A_75, %dma_start3A_76, %dma_start3A_77] : memref<8x128x16xf32, #tpu.memory_space<vmem>> -> memref<1x128x16xf32, #tpu.memory_space<vmem>>
    %dma_start3A_79 = tpu.memref_squeeze %dma_start3A_78 : memref<1x128x16xf32, #tpu.memory_space<vmem>> -> memref<128x16xf32, #tpu.memory_space<vmem>>
    %dma_start3A_80 = arith.constant 0 : i32
    %dma_start3A_81 = tpu.memref_slice %arg10[%dma_start3A_74, %dma_start3A_80] : memref<64x128xi32, #tpu.memory_space<vmem>> -> memref<1x128xi32, #tpu.memory_space<vmem>>
    %dma_start3A_82 = tpu.memref_squeeze %dma_start3A_81 : memref<1x128xi32, #tpu.memory_space<vmem>> -> memref<128xi32, #tpu.memory_space<vmem>>
    %dma_start3A_83 = arith.constant 0 : i32
    %dma_start3A_84 = arith.constant 0 : i32
    %dma_start3A_85 = tpu.memref_slice %arg6[%dma_start3A_83, %dma_start3A_84] : memref<50000x16xf32, #tpu.memory_space<hbm>> -> memref<50000x16xf32, #tpu.memory_space<hbm>>
    tpu.enqueue_indirect_dma source(%dma_start3A_85 : memref<50000x16xf32, #tpu.memory_space<hbm>>) target(%dma_start3A_79 : memref<128x16xf32, #tpu.memory_space<vmem>>) offsets(%dma_start3A_82 : memref<128xi32, #tpu.memory_space<vmem>>) semaphore(%arg21 : memref<!tpu.dma_semaphore, #tpu.memory_space<semaphore_mem>>)
    %dma_start3A_86 = arith.constant 7 : i32
    %dma_start3A_87 = arith.constant 7 : i32
    %dma_start3A_88 = arith.constant 0 : i32
    %dma_start3A_89 = arith.constant 0 : i32
    %dma_start3A_90 = tpu.memref_slice %arg14[%dma_start3A_87, %dma_start3A_88, %dma_start3A_89] : memref<8x128x16xf32, #tpu.memory_space<vmem>> -> memref<1x128x16xf32, #tpu.memory_space<vmem>>
    %dma_start3A_91 = tpu.memref_squeeze %dma_start3A_90 : memref<1x128x16xf32, #tpu.memory_space<vmem>> -> memref<128x16xf32, #tpu.memory_space<vmem>>
    %dma_start3A_92 = arith.constant 0 : i32
    %dma_start3A_93 = tpu.memref_slice %arg10[%dma_start3A_86, %dma_start3A_92] : memref<64x128xi32, #tpu.memory_space<vmem>> -> memref<1x128xi32, #tpu.memory_space<vmem>>
    %dma_start3A_94 = tpu.memref_squeeze %dma_start3A_93 : memref<1x128xi32, #tpu.memory_space<vmem>> -> memref<128xi32, #tpu.memory_space<vmem>>
    %dma_start3A_95 = arith.constant 0 : i32
    %dma_start3A_96 = arith.constant 0 : i32
    %dma_start3A_97 = tpu.memref_slice %arg6[%dma_start3A_95, %dma_start3A_96] : memref<50000x16xf32, #tpu.memory_space<hbm>> -> memref<50000x16xf32, #tpu.memory_space<hbm>>
    tpu.enqueue_indirect_dma source(%dma_start3A_97 : memref<50000x16xf32, #tpu.memory_space<hbm>>) target(%dma_start3A_91 : memref<128x16xf32, #tpu.memory_space<vmem>>) offsets(%dma_start3A_94 : memref<128xi32, #tpu.memory_space<vmem>>) semaphore(%arg22 : memref<!tpu.dma_semaphore, #tpu.memory_space<semaphore_mem>>)
    %scan3A = arith.constant 0 : i32
    %scan3A_98 = arith.constant 0 : i32
    %scan3A_99 = arith.constant 8 : i32
    %scan3A_100 = arith.addi %scan3A_98, %scan3A_99 : i32
    %scan3A_101 = arith.constant 1 : i32
    scf.for %scan3A_305 = %scan3A_98 to %scan3A_100 step %scan3A_101  : i32 {
      %mul3A_306 = arith.constant 8 : i32
      %mul3A_307 = arith.muli %scan3A_305, %mul3A_306 : i32
      %dma_wait3A_308 = arith.constant 0 : i32
      %dma_wait3A_309 = arith.constant 0 : i32
      %dma_wait3A_310 = arith.constant 0 : i32
      %dma_wait3A_311 = arith.constant 0 : i32
      %dma_wait3A_312 = tpu.memref_slice %arg14[%dma_wait3A_309, %dma_wait3A_310, %dma_wait3A_311] : memref<8x128x16xf32, #tpu.memory_space<vmem>> -> memref<1x128x16xf32, #tpu.memory_space<vmem>>
      %dma_wait3A_313 = tpu.memref_squeeze %dma_wait3A_312 : memref<1x128x16xf32, #tpu.memory_space<vmem>> -> memref<128x16xf32, #tpu.memory_space<vmem>>
      %dma_wait3A_314 = arith.constant 0 : i32
      %dma_wait3A_315 = tpu.memref_slice %arg10[%dma_wait3A_308, %dma_wait3A_314] : memref<64x128xi32, #tpu.memory_space<vmem>> -> memref<1x128xi32, #tpu.memory_space<vmem>>
      %dma_wait3A_316 = tpu.memref_squeeze %dma_wait3A_315 : memref<1x128xi32, #tpu.memory_space<vmem>> -> memref<128xi32, #tpu.memory_space<vmem>>
      %dma_wait3A_317 = arith.constant 0 : i32
      %dma_wait3A_318 = arith.constant 0 : i32
      %dma_wait3A_319 = tpu.memref_slice %arg6[%dma_wait3A_317, %dma_wait3A_318] : memref<50000x16xf32, #tpu.memory_space<hbm>> -> memref<50000x16xf32, #tpu.memory_space<hbm>>
      tpu.wait_indirect_dma semaphore(%arg15 : memref<!tpu.dma_semaphore, #tpu.memory_space<semaphore_mem>>) src(%dma_wait3A_319 : memref<50000x16xf32, #tpu.memory_space<hbm>>) dst(%dma_wait3A_313 : memref<128x16xf32, #tpu.memory_space<vmem>>)
      %add3A_320 = arith.constant 0 : i32
      %add3A_321 = arith.addi %mul3A_307, %add3A_320 : i32
      %dma_start3A_322 = arith.constant 0 : i32
      %dma_start3A_323 = arith.constant 0 : i32
      %dma_start3A_324 = arith.constant 0 : i32
      %dma_start3A_325 = tpu.memref_slice %arg14[%dma_start3A_322, %dma_start3A_323, %dma_start3A_324] : memref<8x128x16xf32, #tpu.memory_space<vmem>> -> memref<1x128x16xf32, #tpu.memory_space<vmem>>
      %dma_start3A_326 = tpu.memref_squeeze %dma_start3A_325 : memref<1x128x16xf32, #tpu.memory_space<vmem>> -> memref<128x16xf32, #tpu.memory_space<vmem>>
      %dma_start3A_327 = arith.constant 0 : i32
      %dma_start3A_328 = tpu.memref_slice %arg11[%add3A_321, %dma_start3A_327] : memref<64x128xi32, #tpu.memory_space<vmem>> -> memref<1x128xi32, #tpu.memory_space<vmem>>
      %dma_start3A_329 = tpu.memref_squeeze %dma_start3A_328 : memref<1x128xi32, #tpu.memory_space<vmem>> -> memref<128xi32, #tpu.memory_space<vmem>>
      %dma_start3A_330 = arith.constant 0 : i32
      %dma_start3A_331 = arith.constant 0 : i32
      %dma_start3A_332 = tpu.memref_slice %arg31[%dma_start3A_330, %dma_start3A_331] : memref<52000x16xf32, #tpu.memory_space<vmem_shared>> -> memref<52000x16xf32, #tpu.memory_space<vmem_shared>>
      tpu.enqueue_indirect_dma source(%dma_start3A_326 : memref<128x16xf32, #tpu.memory_space<vmem>>) target(%dma_start3A_332 : memref<52000x16xf32, #tpu.memory_space<vmem_shared>>) offsets(%dma_start3A_329 : memref<128xi32, #tpu.memory_space<vmem>>) semaphore(%arg23 : memref<!tpu.dma_semaphore, #tpu.memory_space<semaphore_mem>>) {add = true}
      %dma_wait3A_333 = arith.constant 0 : i32
      %dma_wait3A_334 = arith.constant 1 : i32
      %dma_wait3A_335 = arith.constant 0 : i32
      %dma_wait3A_336 = arith.constant 0 : i32
      %dma_wait3A_337 = tpu.memref_slice %arg14[%dma_wait3A_334, %dma_wait3A_335, %dma_wait3A_336] : memref<8x128x16xf32, #tpu.memory_space<vmem>> -> memref<1x128x16xf32, #tpu.memory_space<vmem>>
      %dma_wait3A_338 = tpu.memref_squeeze %dma_wait3A_337 : memref<1x128x16xf32, #tpu.memory_space<vmem>> -> memref<128x16xf32, #tpu.memory_space<vmem>>
      %dma_wait3A_339 = arith.constant 0 : i32
      %dma_wait3A_340 = tpu.memref_slice %arg10[%dma_wait3A_333, %dma_wait3A_339] : memref<64x128xi32, #tpu.memory_space<vmem>> -> memref<1x128xi32, #tpu.memory_space<vmem>>
      %dma_wait3A_341 = tpu.memref_squeeze %dma_wait3A_340 : memref<1x128xi32, #tpu.memory_space<vmem>> -> memref<128xi32, #tpu.memory_space<vmem>>
      %dma_wait3A_342 = arith.constant 0 : i32
      %dma_wait3A_343 = arith.constant 0 : i32
      %dma_wait3A_344 = tpu.memref_slice %arg6[%dma_wait3A_342, %dma_wait3A_343] : memref<50000x16xf32, #tpu.memory_space<hbm>> -> memref<50000x16xf32, #tpu.memory_space<hbm>>
      tpu.wait_indirect_dma semaphore(%arg16 : memref<!tpu.dma_semaphore, #tpu.memory_space<semaphore_mem>>) src(%dma_wait3A_344 : memref<50000x16xf32, #tpu.memory_space<hbm>>) dst(%dma_wait3A_338 : memref<128x16xf32, #tpu.memory_space<vmem>>)
      %add3A_345 = arith.constant 1 : i32
      %add3A_346 = arith.addi %mul3A_307, %add3A_345 : i32
      %dma_start3A_347 = arith.constant 1 : i32
      %dma_start3A_348 = arith.constant 0 : i32
      %dma_start3A_349 = arith.constant 0 : i32
      %dma_start3A_350 = tpu.memref_slice %arg14[%dma_start3A_347, %dma_start3A_348, %dma_start3A_349] : memref<8x128x16xf32, #tpu.memory_space<vmem>> -> memref<1x128x16xf32, #tpu.memory_space<vmem>>
      %dma_start3A_351 = tpu.memref_squeeze %dma_start3A_350 : memref<1x128x16xf32, #tpu.memory_space<vmem>> -> memref<128x16xf32, #tpu.memory_space<vmem>>
      %dma_start3A_352 = arith.constant 0 : i32
      %dma_start3A_353 = tpu.memref_slice %arg11[%add3A_346, %dma_start3A_352] : memref<64x128xi32, #tpu.memory_space<vmem>> -> memref<1x128xi32, #tpu.memory_space<vmem>>
      %dma_start3A_354 = tpu.memref_squeeze %dma_start3A_353 : memref<1x128xi32, #tpu.memory_space<vmem>> -> memref<128xi32, #tpu.memory_space<vmem>>
      %dma_start3A_355 = arith.constant 0 : i32
      %dma_start3A_356 = arith.constant 0 : i32
      %dma_start3A_357 = tpu.memref_slice %arg31[%dma_start3A_355, %dma_start3A_356] : memref<52000x16xf32, #tpu.memory_space<vmem_shared>> -> memref<52000x16xf32, #tpu.memory_space<vmem_shared>>
      tpu.enqueue_indirect_dma source(%dma_start3A_351 : memref<128x16xf32, #tpu.memory_space<vmem>>) target(%dma_start3A_357 : memref<52000x16xf32, #tpu.memory_space<vmem_shared>>) offsets(%dma_start3A_354 : memref<128xi32, #tpu.memory_space<vmem>>) semaphore(%arg24 : memref<!tpu.dma_semaphore, #tpu.memory_space<semaphore_mem>>) {add = true}
      %dma_wait3A_358 = arith.constant 0 : i32
      %dma_wait3A_359 = arith.constant 2 : i32
      %dma_wait3A_360 = arith.constant 0 : i32
      %dma_wait3A_361 = arith.constant 0 : i32
      %dma_wait3A_362 = tpu.memref_slice %arg14[%dma_wait3A_359, %dma_wait3A_360, %dma_wait3A_361] : memref<8x128x16xf32, #tpu.memory_space<vmem>> -> memref<1x128x16xf32, #tpu.memory_space<vmem>>
      %dma_wait3A_363 = tpu.memref_squeeze %dma_wait3A_362 : memref<1x128x16xf32, #tpu.memory_space<vmem>> -> memref<128x16xf32, #tpu.memory_space<vmem>>
      %dma_wait3A_364 = arith.constant 0 : i32
      %dma_wait3A_365 = tpu.memref_slice %arg10[%dma_wait3A_358, %dma_wait3A_364] : memref<64x128xi32, #tpu.memory_space<vmem>> -> memref<1x128xi32, #tpu.memory_space<vmem>>
      %dma_wait3A_366 = tpu.memref_squeeze %dma_wait3A_365 : memref<1x128xi32, #tpu.memory_space<vmem>> -> memref<128xi32, #tpu.memory_space<vmem>>
      %dma_wait3A_367 = arith.constant 0 : i32
      %dma_wait3A_368 = arith.constant 0 : i32
      %dma_wait3A_369 = tpu.memref_slice %arg6[%dma_wait3A_367, %dma_wait3A_368] : memref<50000x16xf32, #tpu.memory_space<hbm>> -> memref<50000x16xf32, #tpu.memory_space<hbm>>
      tpu.wait_indirect_dma semaphore(%arg17 : memref<!tpu.dma_semaphore, #tpu.memory_space<semaphore_mem>>) src(%dma_wait3A_369 : memref<50000x16xf32, #tpu.memory_space<hbm>>) dst(%dma_wait3A_363 : memref<128x16xf32, #tpu.memory_space<vmem>>)
      %add3A_370 = arith.constant 2 : i32
      %add3A_371 = arith.addi %mul3A_307, %add3A_370 : i32
      %dma_start3A_372 = arith.constant 2 : i32
      %dma_start3A_373 = arith.constant 0 : i32
      %dma_start3A_374 = arith.constant 0 : i32
      %dma_start3A_375 = tpu.memref_slice %arg14[%dma_start3A_372, %dma_start3A_373, %dma_start3A_374] : memref<8x128x16xf32, #tpu.memory_space<vmem>> -> memref<1x128x16xf32, #tpu.memory_space<vmem>>
      %dma_start3A_376 = tpu.memref_squeeze %dma_start3A_375 : memref<1x128x16xf32, #tpu.memory_space<vmem>> -> memref<128x16xf32, #tpu.memory_space<vmem>>
      %dma_start3A_377 = arith.constant 0 : i32
      %dma_start3A_378 = tpu.memref_slice %arg11[%add3A_371, %dma_start3A_377] : memref<64x128xi32, #tpu.memory_space<vmem>> -> memref<1x128xi32, #tpu.memory_space<vmem>>
      %dma_start3A_379 = tpu.memref_squeeze %dma_start3A_378 : memref<1x128xi32, #tpu.memory_space<vmem>> -> memref<128xi32, #tpu.memory_space<vmem>>
      %dma_start3A_380 = arith.constant 0 : i32
      %dma_start3A_381 = arith.constant 0 : i32
      %dma_start3A_382 = tpu.memref_slice %arg31[%dma_start3A_380, %dma_start3A_381] : memref<52000x16xf32, #tpu.memory_space<vmem_shared>> -> memref<52000x16xf32, #tpu.memory_space<vmem_shared>>
      tpu.enqueue_indirect_dma source(%dma_start3A_376 : memref<128x16xf32, #tpu.memory_space<vmem>>) target(%dma_start3A_382 : memref<52000x16xf32, #tpu.memory_space<vmem_shared>>) offsets(%dma_start3A_379 : memref<128xi32, #tpu.memory_space<vmem>>) semaphore(%arg25 : memref<!tpu.dma_semaphore, #tpu.memory_space<semaphore_mem>>) {add = true}
      %dma_wait3A_383 = arith.constant 0 : i32
      %dma_wait3A_384 = arith.constant 3 : i32
      %dma_wait3A_385 = arith.constant 0 : i32
      %dma_wait3A_386 = arith.constant 0 : i32
      %dma_wait3A_387 = tpu.memref_slice %arg14[%dma_wait3A_384, %dma_wait3A_385, %dma_wait3A_386] : memref<8x128x16xf32, #tpu.memory_space<vmem>> -> memref<1x128x16xf32, #tpu.memory_space<vmem>>
      %dma_wait3A_388 = tpu.memref_squeeze %dma_wait3A_387 : memref<1x128x16xf32, #tpu.memory_space<vmem>> -> memref<128x16xf32, #tpu.memory_space<vmem>>
      %dma_wait3A_389 = arith.constant 0 : i32
      %dma_wait3A_390 = tpu.memref_slice %arg10[%dma_wait3A_383, %dma_wait3A_389] : memref<64x128xi32, #tpu.memory_space<vmem>> -> memref<1x128xi32, #tpu.memory_space<vmem>>
      %dma_wait3A_391 = tpu.memref_squeeze %dma_wait3A_390 : memref<1x128xi32, #tpu.memory_space<vmem>> -> memref<128xi32, #tpu.memory_space<vmem>>
      %dma_wait3A_392 = arith.constant 0 : i32
      %dma_wait3A_393 = arith.constant 0 : i32
      %dma_wait3A_394 = tpu.memref_slice %arg6[%dma_wait3A_392, %dma_wait3A_393] : memref<50000x16xf32, #tpu.memory_space<hbm>> -> memref<50000x16xf32, #tpu.memory_space<hbm>>
      tpu.wait_indirect_dma semaphore(%arg18 : memref<!tpu.dma_semaphore, #tpu.memory_space<semaphore_mem>>) src(%dma_wait3A_394 : memref<50000x16xf32, #tpu.memory_space<hbm>>) dst(%dma_wait3A_388 : memref<128x16xf32, #tpu.memory_space<vmem>>)
      %add3A_395 = arith.constant 3 : i32
      %add3A_396 = arith.addi %mul3A_307, %add3A_395 : i32
      %dma_start3A_397 = arith.constant 3 : i32
      %dma_start3A_398 = arith.constant 0 : i32
      %dma_start3A_399 = arith.constant 0 : i32
      %dma_start3A_400 = tpu.memref_slice %arg14[%dma_start3A_397, %dma_start3A_398, %dma_start3A_399] : memref<8x128x16xf32, #tpu.memory_space<vmem>> -> memref<1x128x16xf32, #tpu.memory_space<vmem>>
      %dma_start3A_401 = tpu.memref_squeeze %dma_start3A_400 : memref<1x128x16xf32, #tpu.memory_space<vmem>> -> memref<128x16xf32, #tpu.memory_space<vmem>>
      %dma_start3A_402 = arith.constant 0 : i32
      %dma_start3A_403 = tpu.memref_slice %arg11[%add3A_396, %dma_start3A_402] : memref<64x128xi32, #tpu.memory_space<vmem>> -> memref<1x128xi32, #tpu.memory_space<vmem>>
      %dma_start3A_404 = tpu.memref_squeeze %dma_start3A_403 : memref<1x128xi32, #tpu.memory_space<vmem>> -> memref<128xi32, #tpu.memory_space<vmem>>
      %dma_start3A_405 = arith.constant 0 : i32
      %dma_start3A_406 = arith.constant 0 : i32
      %dma_start3A_407 = tpu.memref_slice %arg31[%dma_start3A_405, %dma_start3A_406] : memref<52000x16xf32, #tpu.memory_space<vmem_shared>> -> memref<52000x16xf32, #tpu.memory_space<vmem_shared>>
      tpu.enqueue_indirect_dma source(%dma_start3A_401 : memref<128x16xf32, #tpu.memory_space<vmem>>) target(%dma_start3A_407 : memref<52000x16xf32, #tpu.memory_space<vmem_shared>>) offsets(%dma_start3A_404 : memref<128xi32, #tpu.memory_space<vmem>>) semaphore(%arg26 : memref<!tpu.dma_semaphore, #tpu.memory_space<semaphore_mem>>) {add = true}
      %dma_wait3A_408 = arith.constant 0 : i32
      %dma_wait3A_409 = arith.constant 4 : i32
      %dma_wait3A_410 = arith.constant 0 : i32
      %dma_wait3A_411 = arith.constant 0 : i32
      %dma_wait3A_412 = tpu.memref_slice %arg14[%dma_wait3A_409, %dma_wait3A_410, %dma_wait3A_411] : memref<8x128x16xf32, #tpu.memory_space<vmem>> -> memref<1x128x16xf32, #tpu.memory_space<vmem>>
      %dma_wait3A_413 = tpu.memref_squeeze %dma_wait3A_412 : memref<1x128x16xf32, #tpu.memory_space<vmem>> -> memref<128x16xf32, #tpu.memory_space<vmem>>
      %dma_wait3A_414 = arith.constant 0 : i32
      %dma_wait3A_415 = tpu.memref_slice %arg10[%dma_wait3A_408, %dma_wait3A_414] : memref<64x128xi32, #tpu.memory_space<vmem>> -> memref<1x128xi32, #tpu.memory_space<vmem>>
      %dma_wait3A_416 = tpu.memref_squeeze %dma_wait3A_415 : memref<1x128xi32, #tpu.memory_space<vmem>> -> memref<128xi32, #tpu.memory_space<vmem>>
      %dma_wait3A_417 = arith.constant 0 : i32
      %dma_wait3A_418 = arith.constant 0 : i32
      %dma_wait3A_419 = tpu.memref_slice %arg6[%dma_wait3A_417, %dma_wait3A_418] : memref<50000x16xf32, #tpu.memory_space<hbm>> -> memref<50000x16xf32, #tpu.memory_space<hbm>>
      tpu.wait_indirect_dma semaphore(%arg19 : memref<!tpu.dma_semaphore, #tpu.memory_space<semaphore_mem>>) src(%dma_wait3A_419 : memref<50000x16xf32, #tpu.memory_space<hbm>>) dst(%dma_wait3A_413 : memref<128x16xf32, #tpu.memory_space<vmem>>)
      %add3A_420 = arith.constant 4 : i32
      %add3A_421 = arith.addi %mul3A_307, %add3A_420 : i32
      %dma_start3A_422 = arith.constant 4 : i32
      %dma_start3A_423 = arith.constant 0 : i32
      %dma_start3A_424 = arith.constant 0 : i32
      %dma_start3A_425 = tpu.memref_slice %arg14[%dma_start3A_422, %dma_start3A_423, %dma_start3A_424] : memref<8x128x16xf32, #tpu.memory_space<vmem>> -> memref<1x128x16xf32, #tpu.memory_space<vmem>>
      %dma_start3A_426 = tpu.memref_squeeze %dma_start3A_425 : memref<1x128x16xf32, #tpu.memory_space<vmem>> -> memref<128x16xf32, #tpu.memory_space<vmem>>
      %dma_start3A_427 = arith.constant 0 : i32
      %dma_start3A_428 = tpu.memref_slice %arg11[%add3A_421, %dma_start3A_427] : memref<64x128xi32, #tpu.memory_space<vmem>> -> memref<1x128xi32, #tpu.memory_space<vmem>>
      %dma_start3A_429 = tpu.memref_squeeze %dma_start3A_428 : memref<1x128xi32, #tpu.memory_space<vmem>> -> memref<128xi32, #tpu.memory_space<vmem>>
      %dma_start3A_430 = arith.constant 0 : i32
      %dma_start3A_431 = arith.constant 0 : i32
      %dma_start3A_432 = tpu.memref_slice %arg31[%dma_start3A_430, %dma_start3A_431] : memref<52000x16xf32, #tpu.memory_space<vmem_shared>> -> memref<52000x16xf32, #tpu.memory_space<vmem_shared>>
      tpu.enqueue_indirect_dma source(%dma_start3A_426 : memref<128x16xf32, #tpu.memory_space<vmem>>) target(%dma_start3A_432 : memref<52000x16xf32, #tpu.memory_space<vmem_shared>>) offsets(%dma_start3A_429 : memref<128xi32, #tpu.memory_space<vmem>>) semaphore(%arg27 : memref<!tpu.dma_semaphore, #tpu.memory_space<semaphore_mem>>) {add = true}
      %dma_wait3A_433 = arith.constant 0 : i32
      %dma_wait3A_434 = arith.constant 5 : i32
      %dma_wait3A_435 = arith.constant 0 : i32
      %dma_wait3A_436 = arith.constant 0 : i32
      %dma_wait3A_437 = tpu.memref_slice %arg14[%dma_wait3A_434, %dma_wait3A_435, %dma_wait3A_436] : memref<8x128x16xf32, #tpu.memory_space<vmem>> -> memref<1x128x16xf32, #tpu.memory_space<vmem>>
      %dma_wait3A_438 = tpu.memref_squeeze %dma_wait3A_437 : memref<1x128x16xf32, #tpu.memory_space<vmem>> -> memref<128x16xf32, #tpu.memory_space<vmem>>
      %dma_wait3A_439 = arith.constant 0 : i32
      %dma_wait3A_440 = tpu.memref_slice %arg10[%dma_wait3A_433, %dma_wait3A_439] : memref<64x128xi32, #tpu.memory_space<vmem>> -> memref<1x128xi32, #tpu.memory_space<vmem>>
      %dma_wait3A_441 = tpu.memref_squeeze %dma_wait3A_440 : memref<1x128xi32, #tpu.memory_space<vmem>> -> memref<128xi32, #tpu.memory_space<vmem>>
      %dma_wait3A_442 = arith.constant 0 : i32
      %dma_wait3A_443 = arith.constant 0 : i32
      %dma_wait3A_444 = tpu.memref_slice %arg6[%dma_wait3A_442, %dma_wait3A_443] : memref<50000x16xf32, #tpu.memory_space<hbm>> -> memref<50000x16xf32, #tpu.memory_space<hbm>>
      tpu.wait_indirect_dma semaphore(%arg20 : memref<!tpu.dma_semaphore, #tpu.memory_space<semaphore_mem>>) src(%dma_wait3A_444 : memref<50000x16xf32, #tpu.memory_space<hbm>>) dst(%dma_wait3A_438 : memref<128x16xf32, #tpu.memory_space<vmem>>)
      %add3A_445 = arith.constant 5 : i32
      %add3A_446 = arith.addi %mul3A_307, %add3A_445 : i32
      %dma_start3A_447 = arith.constant 5 : i32
      %dma_start3A_448 = arith.constant 0 : i32
      %dma_start3A_449 = arith.constant 0 : i32
      %dma_start3A_450 = tpu.memref_slice %arg14[%dma_start3A_447, %dma_start3A_448, %dma_start3A_449] : memref<8x128x16xf32, #tpu.memory_space<vmem>> -> memref<1x128x16xf32, #tpu.memory_space<vmem>>
      %dma_start3A_451 = tpu.memref_squeeze %dma_start3A_450 : memref<1x128x16xf32, #tpu.memory_space<vmem>> -> memref<128x16xf32, #tpu.memory_space<vmem>>
      %dma_start3A_452 = arith.constant 0 : i32
      %dma_start3A_453 = tpu.memref_slice %arg11[%add3A_446, %dma_start3A_452] : memref<64x128xi32, #tpu.memory_space<vmem>> -> memref<1x128xi32, #tpu.memory_space<vmem>>
      %dma_start3A_454 = tpu.memref_squeeze %dma_start3A_453 : memref<1x128xi32, #tpu.memory_space<vmem>> -> memref<128xi32, #tpu.memory_space<vmem>>
      %dma_start3A_455 = arith.constant 0 : i32
      %dma_start3A_456 = arith.constant 0 : i32
      %dma_start3A_457 = tpu.memref_slice %arg31[%dma_start3A_455, %dma_start3A_456] : memref<52000x16xf32, #tpu.memory_space<vmem_shared>> -> memref<52000x16xf32, #tpu.memory_space<vmem_shared>>
      tpu.enqueue_indirect_dma source(%dma_start3A_451 : memref<128x16xf32, #tpu.memory_space<vmem>>) target(%dma_start3A_457 : memref<52000x16xf32, #tpu.memory_space<vmem_shared>>) offsets(%dma_start3A_454 : memref<128xi32, #tpu.memory_space<vmem>>) semaphore(%arg28 : memref<!tpu.dma_semaphore, #tpu.memory_space<semaphore_mem>>) {add = true}
      %dma_wait3A_458 = arith.constant 0 : i32
      %dma_wait3A_459 = arith.constant 6 : i32
      %dma_wait3A_460 = arith.constant 0 : i32
      %dma_wait3A_461 = arith.constant 0 : i32
      %dma_wait3A_462 = tpu.memref_slice %arg14[%dma_wait3A_459, %dma_wait3A_460, %dma_wait3A_461] : memref<8x128x16xf32, #tpu.memory_space<vmem>> -> memref<1x128x16xf32, #tpu.memory_space<vmem>>
      %dma_wait3A_463 = tpu.memref_squeeze %dma_wait3A_462 : memref<1x128x16xf32, #tpu.memory_space<vmem>> -> memref<128x16xf32, #tpu.memory_space<vmem>>
      %dma_wait3A_464 = arith.constant 0 : i32
      %dma_wait3A_465 = tpu.memref_slice %arg10[%dma_wait3A_458, %dma_wait3A_464] : memref<64x128xi32, #tpu.memory_space<vmem>> -> memref<1x128xi32, #tpu.memory_space<vmem>>
      %dma_wait3A_466 = tpu.memref_squeeze %dma_wait3A_465 : memref<1x128xi32, #tpu.memory_space<vmem>> -> memref<128xi32, #tpu.memory_space<vmem>>
      %dma_wait3A_467 = arith.constant 0 : i32
      %dma_wait3A_468 = arith.constant 0 : i32
      %dma_wait3A_469 = tpu.memref_slice %arg6[%dma_wait3A_467, %dma_wait3A_468] : memref<50000x16xf32, #tpu.memory_space<hbm>> -> memref<50000x16xf32, #tpu.memory_space<hbm>>
      tpu.wait_indirect_dma semaphore(%arg21 : memref<!tpu.dma_semaphore, #tpu.memory_space<semaphore_mem>>) src(%dma_wait3A_469 : memref<50000x16xf32, #tpu.memory_space<hbm>>) dst(%dma_wait3A_463 : memref<128x16xf32, #tpu.memory_space<vmem>>)
      %add3A_470 = arith.constant 6 : i32
      %add3A_471 = arith.addi %mul3A_307, %add3A_470 : i32
      %dma_start3A_472 = arith.constant 6 : i32
      %dma_start3A_473 = arith.constant 0 : i32
      %dma_start3A_474 = arith.constant 0 : i32
      %dma_start3A_475 = tpu.memref_slice %arg14[%dma_start3A_472, %dma_start3A_473, %dma_start3A_474] : memref<8x128x16xf32, #tpu.memory_space<vmem>> -> memref<1x128x16xf32, #tpu.memory_space<vmem>>
      %dma_start3A_476 = tpu.memref_squeeze %dma_start3A_475 : memref<1x128x16xf32, #tpu.memory_space<vmem>> -> memref<128x16xf32, #tpu.memory_space<vmem>>
      %dma_start3A_477 = arith.constant 0 : i32
      %dma_start3A_478 = tpu.memref_slice %arg11[%add3A_471, %dma_start3A_477] : memref<64x128xi32, #tpu.memory_space<vmem>> -> memref<1x128xi32, #tpu.memory_space<vmem>>
      %dma_start3A_479 = tpu.memref_squeeze %dma_start3A_478 : memref<1x128xi32, #tpu.memory_space<vmem>> -> memref<128xi32, #tpu.memory_space<vmem>>
      %dma_start3A_480 = arith.constant 0 : i32
      %dma_start3A_481 = arith.constant 0 : i32
      %dma_start3A_482 = tpu.memref_slice %arg31[%dma_start3A_480, %dma_start3A_481] : memref<52000x16xf32, #tpu.memory_space<vmem_shared>> -> memref<52000x16xf32, #tpu.memory_space<vmem_shared>>
      tpu.enqueue_indirect_dma source(%dma_start3A_476 : memref<128x16xf32, #tpu.memory_space<vmem>>) target(%dma_start3A_482 : memref<52000x16xf32, #tpu.memory_space<vmem_shared>>) offsets(%dma_start3A_479 : memref<128xi32, #tpu.memory_space<vmem>>) semaphore(%arg29 : memref<!tpu.dma_semaphore, #tpu.memory_space<semaphore_mem>>) {add = true}
      %dma_wait3A_483 = arith.constant 0 : i32
      %dma_wait3A_484 = arith.constant 7 : i32
      %dma_wait3A_485 = arith.constant 0 : i32
      %dma_wait3A_486 = arith.constant 0 : i32
      %dma_wait3A_487 = tpu.memref_slice %arg14[%dma_wait3A_484, %dma_wait3A_485, %dma_wait3A_486] : memref<8x128x16xf32, #tpu.memory_space<vmem>> -> memref<1x128x16xf32, #tpu.memory_space<vmem>>
      %dma_wait3A_488 = tpu.memref_squeeze %dma_wait3A_487 : memref<1x128x16xf32, #tpu.memory_space<vmem>> -> memref<128x16xf32, #tpu.memory_space<vmem>>
      %dma_wait3A_489 = arith.constant 0 : i32
      %dma_wait3A_490 = tpu.memref_slice %arg10[%dma_wait3A_483, %dma_wait3A_489] : memref<64x128xi32, #tpu.memory_space<vmem>> -> memref<1x128xi32, #tpu.memory_space<vmem>>
      %dma_wait3A_491 = tpu.memref_squeeze %dma_wait3A_490 : memref<1x128xi32, #tpu.memory_space<vmem>> -> memref<128xi32, #tpu.memory_space<vmem>>
      %dma_wait3A_492 = arith.constant 0 : i32
      %dma_wait3A_493 = arith.constant 0 : i32
      %dma_wait3A_494 = tpu.memref_slice %arg6[%dma_wait3A_492, %dma_wait3A_493] : memref<50000x16xf32, #tpu.memory_space<hbm>> -> memref<50000x16xf32, #tpu.memory_space<hbm>>
      tpu.wait_indirect_dma semaphore(%arg22 : memref<!tpu.dma_semaphore, #tpu.memory_space<semaphore_mem>>) src(%dma_wait3A_494 : memref<50000x16xf32, #tpu.memory_space<hbm>>) dst(%dma_wait3A_488 : memref<128x16xf32, #tpu.memory_space<vmem>>)
      %add3A_495 = arith.constant 7 : i32
      %add3A_496 = arith.addi %mul3A_307, %add3A_495 : i32
      %dma_start3A_497 = arith.constant 7 : i32
      %dma_start3A_498 = arith.constant 0 : i32
      %dma_start3A_499 = arith.constant 0 : i32
      %dma_start3A_500 = tpu.memref_slice %arg14[%dma_start3A_497, %dma_start3A_498, %dma_start3A_499] : memref<8x128x16xf32, #tpu.memory_space<vmem>> -> memref<1x128x16xf32, #tpu.memory_space<vmem>>
      %dma_start3A_501 = tpu.memref_squeeze %dma_start3A_500 : memref<1x128x16xf32, #tpu.memory_space<vmem>> -> memref<128x16xf32, #tpu.memory_space<vmem>>
      %dma_start3A_502 = arith.constant 0 : i32
      %dma_start3A_503 = tpu.memref_slice %arg11[%add3A_496, %dma_start3A_502] : memref<64x128xi32, #tpu.memory_space<vmem>> -> memref<1x128xi32, #tpu.memory_space<vmem>>
      %dma_start3A_504 = tpu.memref_squeeze %dma_start3A_503 : memref<1x128xi32, #tpu.memory_space<vmem>> -> memref<128xi32, #tpu.memory_space<vmem>>
      %dma_start3A_505 = arith.constant 0 : i32
      %dma_start3A_506 = arith.constant 0 : i32
      %dma_start3A_507 = tpu.memref_slice %arg31[%dma_start3A_505, %dma_start3A_506] : memref<52000x16xf32, #tpu.memory_space<vmem_shared>> -> memref<52000x16xf32, #tpu.memory_space<vmem_shared>>
      tpu.enqueue_indirect_dma source(%dma_start3A_501 : memref<128x16xf32, #tpu.memory_space<vmem>>) target(%dma_start3A_507 : memref<52000x16xf32, #tpu.memory_space<vmem_shared>>) offsets(%dma_start3A_504 : memref<128xi32, #tpu.memory_space<vmem>>) semaphore(%arg30 : memref<!tpu.dma_semaphore, #tpu.memory_space<semaphore_mem>>) {add = true}
      %add3A_508 = arith.constant 8 : i32
      %add3A_509 = arith.addi %mul3A_307, %add3A_508 : i32
      %add3A_510 = arith.constant 0 : i32
      %add3A_511 = arith.addi %add3A_509, %add3A_510 : i32
      %lt3A = arith.constant 64 : i32
      %lt3A_512 = arith.cmpi slt, %add3A_511, %lt3A : i32
      %convert_element_type3A = arith.extui %lt3A_512 : i1 to i32
      %cond3A = arith.constant 0 : i32
      %cond3A_513 = arith.cmpi ne, %convert_element_type3A, %cond3A : i32
      scf.if %cond3A_513 {
        %dma_wait3A_577 = arith.constant 0 : i32
        %dma_wait3A_578 = arith.constant 0 : i32
        %dma_wait3A_579 = arith.constant 0 : i32
        %dma_wait3A_580 = arith.constant 0 : i32
        %dma_wait3A_581 = tpu.memref_slice %arg14[%dma_wait3A_577, %dma_wait3A_579, %dma_wait3A_580] : memref<8x128x16xf32, #tpu.memory_space<vmem>> -> memref<1x128x16xf32, #tpu.memory_space<vmem>>
        %dma_wait3A_582 = tpu.memref_squeeze %dma_wait3A_581 : memref<1x128x16xf32, #tpu.memory_space<vmem>> -> memref<128x16xf32, #tpu.memory_space<vmem>>
        %dma_wait3A_583 = arith.constant 0 : i32
        %dma_wait3A_584 = tpu.memref_slice %arg11[%dma_wait3A_578, %dma_wait3A_583] : memref<64x128xi32, #tpu.memory_space<vmem>> -> memref<1x128xi32, #tpu.memory_space<vmem>>
        %dma_wait3A_585 = tpu.memref_squeeze %dma_wait3A_584 : memref<1x128xi32, #tpu.memory_space<vmem>> -> memref<128xi32, #tpu.memory_space<vmem>>
        %dma_wait3A_586 = arith.constant 0 : i32
        %dma_wait3A_587 = arith.constant 0 : i32
        %dma_wait3A_588 = tpu.memref_slice %arg31[%dma_wait3A_586, %dma_wait3A_587] : memref<52000x16xf32, #tpu.memory_space<vmem_shared>> -> memref<52000x16xf32, #tpu.memory_space<vmem_shared>>
        tpu.wait_indirect_dma semaphore(%arg23 : memref<!tpu.dma_semaphore, #tpu.memory_space<semaphore_mem>>) src(%dma_wait3A_582 : memref<128x16xf32, #tpu.memory_space<vmem>>) dst(%dma_wait3A_588 : memref<52000x16xf32, #tpu.memory_space<vmem_shared>>)
        %add3A_589 = arith.constant 8 : i32
        %add3A_590 = arith.addi %mul3A_307, %add3A_589 : i32
        %add3A_591 = arith.constant 0 : i32
        %add3A_592 = arith.addi %add3A_590, %add3A_591 : i32
        %dma_start3A_593 = arith.constant 0 : i32
        %dma_start3A_594 = arith.constant 0 : i32
        %dma_start3A_595 = arith.constant 0 : i32
        %dma_start3A_596 = tpu.memref_slice %arg14[%dma_start3A_593, %dma_start3A_594, %dma_start3A_595] : memref<8x128x16xf32, #tpu.memory_space<vmem>> -> memref<1x128x16xf32, #tpu.memory_space<vmem>>
        %dma_start3A_597 = tpu.memref_squeeze %dma_start3A_596 : memref<1x128x16xf32, #tpu.memory_space<vmem>> -> memref<128x16xf32, #tpu.memory_space<vmem>>
        %dma_start3A_598 = arith.constant 0 : i32
        %dma_start3A_599 = tpu.memref_slice %arg10[%add3A_592, %dma_start3A_598] : memref<64x128xi32, #tpu.memory_space<vmem>> -> memref<1x128xi32, #tpu.memory_space<vmem>>
        %dma_start3A_600 = tpu.memref_squeeze %dma_start3A_599 : memref<1x128xi32, #tpu.memory_space<vmem>> -> memref<128xi32, #tpu.memory_space<vmem>>
        %dma_start3A_601 = arith.constant 0 : i32
        %dma_start3A_602 = arith.constant 0 : i32
        %dma_start3A_603 = tpu.memref_slice %arg6[%dma_start3A_601, %dma_start3A_602] : memref<50000x16xf32, #tpu.memory_space<hbm>> -> memref<50000x16xf32, #tpu.memory_space<hbm>>
        tpu.enqueue_indirect_dma source(%dma_start3A_603 : memref<50000x16xf32, #tpu.memory_space<hbm>>) target(%dma_start3A_597 : memref<128x16xf32, #tpu.memory_space<vmem>>) offsets(%dma_start3A_600 : memref<128xi32, #tpu.memory_space<vmem>>) semaphore(%arg15 : memref<!tpu.dma_semaphore, #tpu.memory_space<semaphore_mem>>)
      } else {
      }
      %add3A_514 = arith.constant 8 : i32
      %add3A_515 = arith.addi %mul3A_307, %add3A_514 : i32
      %add3A_516 = arith.constant 1 : i32
      %add3A_517 = arith.addi %add3A_515, %add3A_516 : i32
      %lt3A_518 = arith.constant 64 : i32
      %lt3A_519 = arith.cmpi slt, %add3A_517, %lt3A_518 : i32
      %convert_element_type3A_520 = arith.extui %lt3A_519 : i1 to i32
      %cond3A_521 = arith.constant 0 : i32
      %cond3A_522 = arith.cmpi ne, %convert_element_type3A_520, %cond3A_521 : i32
      scf.if %cond3A_522 {
        %dma_wait3A_577 = arith.constant 1 : i32
        %dma_wait3A_578 = arith.constant 0 : i32
        %dma_wait3A_579 = arith.constant 0 : i32
        %dma_wait3A_580 = arith.constant 0 : i32
        %dma_wait3A_581 = tpu.memref_slice %arg14[%dma_wait3A_577, %dma_wait3A_579, %dma_wait3A_580] : memref<8x128x16xf32, #tpu.memory_space<vmem>> -> memref<1x128x16xf32, #tpu.memory_space<vmem>>
        %dma_wait3A_582 = tpu.memref_squeeze %dma_wait3A_581 : memref<1x128x16xf32, #tpu.memory_space<vmem>> -> memref<128x16xf32, #tpu.memory_space<vmem>>
        %dma_wait3A_583 = arith.constant 0 : i32
        %dma_wait3A_584 = tpu.memref_slice %arg11[%dma_wait3A_578, %dma_wait3A_583] : memref<64x128xi32, #tpu.memory_space<vmem>> -> memref<1x128xi32, #tpu.memory_space<vmem>>
        %dma_wait3A_585 = tpu.memref_squeeze %dma_wait3A_584 : memref<1x128xi32, #tpu.memory_space<vmem>> -> memref<128xi32, #tpu.memory_space<vmem>>
        %dma_wait3A_586 = arith.constant 0 : i32
        %dma_wait3A_587 = arith.constant 0 : i32
        %dma_wait3A_588 = tpu.memref_slice %arg31[%dma_wait3A_586, %dma_wait3A_587] : memref<52000x16xf32, #tpu.memory_space<vmem_shared>> -> memref<52000x16xf32, #tpu.memory_space<vmem_shared>>
        tpu.wait_indirect_dma semaphore(%arg24 : memref<!tpu.dma_semaphore, #tpu.memory_space<semaphore_mem>>) src(%dma_wait3A_582 : memref<128x16xf32, #tpu.memory_space<vmem>>) dst(%dma_wait3A_588 : memref<52000x16xf32, #tpu.memory_space<vmem_shared>>)
        %add3A_589 = arith.constant 8 : i32
        %add3A_590 = arith.addi %mul3A_307, %add3A_589 : i32
        %add3A_591 = arith.constant 1 : i32
        %add3A_592 = arith.addi %add3A_590, %add3A_591 : i32
        %dma_start3A_593 = arith.constant 1 : i32
        %dma_start3A_594 = arith.constant 0 : i32
        %dma_start3A_595 = arith.constant 0 : i32
        %dma_start3A_596 = tpu.memref_slice %arg14[%dma_start3A_593, %dma_start3A_594, %dma_start3A_595] : memref<8x128x16xf32, #tpu.memory_space<vmem>> -> memref<1x128x16xf32, #tpu.memory_space<vmem>>
        %dma_start3A_597 = tpu.memref_squeeze %dma_start3A_596 : memref<1x128x16xf32, #tpu.memory_space<vmem>> -> memref<128x16xf32, #tpu.memory_space<vmem>>
        %dma_start3A_598 = arith.constant 0 : i32
        %dma_start3A_599 = tpu.memref_slice %arg10[%add3A_592, %dma_start3A_598] : memref<64x128xi32, #tpu.memory_space<vmem>> -> memref<1x128xi32, #tpu.memory_space<vmem>>
        %dma_start3A_600 = tpu.memref_squeeze %dma_start3A_599 : memref<1x128xi32, #tpu.memory_space<vmem>> -> memref<128xi32, #tpu.memory_space<vmem>>
        %dma_start3A_601 = arith.constant 0 : i32
        %dma_start3A_602 = arith.constant 0 : i32
        %dma_start3A_603 = tpu.memref_slice %arg6[%dma_start3A_601, %dma_start3A_602] : memref<50000x16xf32, #tpu.memory_space<hbm>> -> memref<50000x16xf32, #tpu.memory_space<hbm>>
        tpu.enqueue_indirect_dma source(%dma_start3A_603 : memref<50000x16xf32, #tpu.memory_space<hbm>>) target(%dma_start3A_597 : memref<128x16xf32, #tpu.memory_space<vmem>>) offsets(%dma_start3A_600 : memref<128xi32, #tpu.memory_space<vmem>>) semaphore(%arg16 : memref<!tpu.dma_semaphore, #tpu.memory_space<semaphore_mem>>)
      } else {
      }
      %add3A_523 = arith.constant 8 : i32
      %add3A_524 = arith.addi %mul3A_307, %add3A_523 : i32
      %add3A_525 = arith.constant 2 : i32
      %add3A_526 = arith.addi %add3A_524, %add3A_525 : i32
      %lt3A_527 = arith.constant 64 : i32
      %lt3A_528 = arith.cmpi slt, %add3A_526, %lt3A_527 : i32
      %convert_element_type3A_529 = arith.extui %lt3A_528 : i1 to i32
      %cond3A_530 = arith.constant 0 : i32
      %cond3A_531 = arith.cmpi ne, %convert_element_type3A_529, %cond3A_530 : i32
      scf.if %cond3A_531 {
        %dma_wait3A_577 = arith.constant 2 : i32
        %dma_wait3A_578 = arith.constant 0 : i32
        %dma_wait3A_579 = arith.constant 0 : i32
        %dma_wait3A_580 = arith.constant 0 : i32
        %dma_wait3A_581 = tpu.memref_slice %arg14[%dma_wait3A_577, %dma_wait3A_579, %dma_wait3A_580] : memref<8x128x16xf32, #tpu.memory_space<vmem>> -> memref<1x128x16xf32, #tpu.memory_space<vmem>>
        %dma_wait3A_582 = tpu.memref_squeeze %dma_wait3A_581 : memref<1x128x16xf32, #tpu.memory_space<vmem>> -> memref<128x16xf32, #tpu.memory_space<vmem>>
        %dma_wait3A_583 = arith.constant 0 : i32
        %dma_wait3A_584 = tpu.memref_slice %arg11[%dma_wait3A_578, %dma_wait3A_583] : memref<64x128xi32, #tpu.memory_space<vmem>> -> memref<1x128xi32, #tpu.memory_space<vmem>>
        %dma_wait3A_585 = tpu.memref_squeeze %dma_wait3A_584 : memref<1x128xi32, #tpu.memory_space<vmem>> -> memref<128xi32, #tpu.memory_space<vmem>>
        %dma_wait3A_586 = arith.constant 0 : i32
        %dma_wait3A_587 = arith.constant 0 : i32
        %dma_wait3A_588 = tpu.memref_slice %arg31[%dma_wait3A_586, %dma_wait3A_587] : memref<52000x16xf32, #tpu.memory_space<vmem_shared>> -> memref<52000x16xf32, #tpu.memory_space<vmem_shared>>
        tpu.wait_indirect_dma semaphore(%arg25 : memref<!tpu.dma_semaphore, #tpu.memory_space<semaphore_mem>>) src(%dma_wait3A_582 : memref<128x16xf32, #tpu.memory_space<vmem>>) dst(%dma_wait3A_588 : memref<52000x16xf32, #tpu.memory_space<vmem_shared>>)
        %add3A_589 = arith.constant 8 : i32
        %add3A_590 = arith.addi %mul3A_307, %add3A_589 : i32
        %add3A_591 = arith.constant 2 : i32
        %add3A_592 = arith.addi %add3A_590, %add3A_591 : i32
        %dma_start3A_593 = arith.constant 2 : i32
        %dma_start3A_594 = arith.constant 0 : i32
        %dma_start3A_595 = arith.constant 0 : i32
        %dma_start3A_596 = tpu.memref_slice %arg14[%dma_start3A_593, %dma_start3A_594, %dma_start3A_595] : memref<8x128x16xf32, #tpu.memory_space<vmem>> -> memref<1x128x16xf32, #tpu.memory_space<vmem>>
        %dma_start3A_597 = tpu.memref_squeeze %dma_start3A_596 : memref<1x128x16xf32, #tpu.memory_space<vmem>> -> memref<128x16xf32, #tpu.memory_space<vmem>>
        %dma_start3A_598 = arith.constant 0 : i32
        %dma_start3A_599 = tpu.memref_slice %arg10[%add3A_592, %dma_start3A_598] : memref<64x128xi32, #tpu.memory_space<vmem>> -> memref<1x128xi32, #tpu.memory_space<vmem>>
        %dma_start3A_600 = tpu.memref_squeeze %dma_start3A_599 : memref<1x128xi32, #tpu.memory_space<vmem>> -> memref<128xi32, #tpu.memory_space<vmem>>
        %dma_start3A_601 = arith.constant 0 : i32
        %dma_start3A_602 = arith.constant 0 : i32
        %dma_start3A_603 = tpu.memref_slice %arg6[%dma_start3A_601, %dma_start3A_602] : memref<50000x16xf32, #tpu.memory_space<hbm>> -> memref<50000x16xf32, #tpu.memory_space<hbm>>
        tpu.enqueue_indirect_dma source(%dma_start3A_603 : memref<50000x16xf32, #tpu.memory_space<hbm>>) target(%dma_start3A_597 : memref<128x16xf32, #tpu.memory_space<vmem>>) offsets(%dma_start3A_600 : memref<128xi32, #tpu.memory_space<vmem>>) semaphore(%arg17 : memref<!tpu.dma_semaphore, #tpu.memory_space<semaphore_mem>>)
      } else {
      }
      %add3A_532 = arith.constant 8 : i32
      %add3A_533 = arith.addi %mul3A_307, %add3A_532 : i32
      %add3A_534 = arith.constant 3 : i32
      %add3A_535 = arith.addi %add3A_533, %add3A_534 : i32
      %lt3A_536 = arith.constant 64 : i32
      %lt3A_537 = arith.cmpi slt, %add3A_535, %lt3A_536 : i32
      %convert_element_type3A_538 = arith.extui %lt3A_537 : i1 to i32
      %cond3A_539 = arith.constant 0 : i32
      %cond3A_540 = arith.cmpi ne, %convert_element_type3A_538, %cond3A_539 : i32
      scf.if %cond3A_540 {
        %dma_wait3A_577 = arith.constant 3 : i32
        %dma_wait3A_578 = arith.constant 0 : i32
        %dma_wait3A_579 = arith.constant 0 : i32
        %dma_wait3A_580 = arith.constant 0 : i32
        %dma_wait3A_581 = tpu.memref_slice %arg14[%dma_wait3A_577, %dma_wait3A_579, %dma_wait3A_580] : memref<8x128x16xf32, #tpu.memory_space<vmem>> -> memref<1x128x16xf32, #tpu.memory_space<vmem>>
        %dma_wait3A_582 = tpu.memref_squeeze %dma_wait3A_581 : memref<1x128x16xf32, #tpu.memory_space<vmem>> -> memref<128x16xf32, #tpu.memory_space<vmem>>
        %dma_wait3A_583 = arith.constant 0 : i32
        %dma_wait3A_584 = tpu.memref_slice %arg11[%dma_wait3A_578, %dma_wait3A_583] : memref<64x128xi32, #tpu.memory_space<vmem>> -> memref<1x128xi32, #tpu.memory_space<vmem>>
        %dma_wait3A_585 = tpu.memref_squeeze %dma_wait3A_584 : memref<1x128xi32, #tpu.memory_space<vmem>> -> memref<128xi32, #tpu.memory_space<vmem>>
        %dma_wait3A_586 = arith.constant 0 : i32
        %dma_wait3A_587 = arith.constant 0 : i32
        %dma_wait3A_588 = tpu.memref_slice %arg31[%dma_wait3A_586, %dma_wait3A_587] : memref<52000x16xf32, #tpu.memory_space<vmem_shared>> -> memref<52000x16xf32, #tpu.memory_space<vmem_shared>>
        tpu.wait_indirect_dma semaphore(%arg26 : memref<!tpu.dma_semaphore, #tpu.memory_space<semaphore_mem>>) src(%dma_wait3A_582 : memref<128x16xf32, #tpu.memory_space<vmem>>) dst(%dma_wait3A_588 : memref<52000x16xf32, #tpu.memory_space<vmem_shared>>)
        %add3A_589 = arith.constant 8 : i32
        %add3A_590 = arith.addi %mul3A_307, %add3A_589 : i32
        %add3A_591 = arith.constant 3 : i32
        %add3A_592 = arith.addi %add3A_590, %add3A_591 : i32
        %dma_start3A_593 = arith.constant 3 : i32
        %dma_start3A_594 = arith.constant 0 : i32
        %dma_start3A_595 = arith.constant 0 : i32
        %dma_start3A_596 = tpu.memref_slice %arg14[%dma_start3A_593, %dma_start3A_594, %dma_start3A_595] : memref<8x128x16xf32, #tpu.memory_space<vmem>> -> memref<1x128x16xf32, #tpu.memory_space<vmem>>
        %dma_start3A_597 = tpu.memref_squeeze %dma_start3A_596 : memref<1x128x16xf32, #tpu.memory_space<vmem>> -> memref<128x16xf32, #tpu.memory_space<vmem>>
        %dma_start3A_598 = arith.constant 0 : i32
        %dma_start3A_599 = tpu.memref_slice %arg10[%add3A_592, %dma_start3A_598] : memref<64x128xi32, #tpu.memory_space<vmem>> -> memref<1x128xi32, #tpu.memory_space<vmem>>
        %dma_start3A_600 = tpu.memref_squeeze %dma_start3A_599 : memref<1x128xi32, #tpu.memory_space<vmem>> -> memref<128xi32, #tpu.memory_space<vmem>>
        %dma_start3A_601 = arith.constant 0 : i32
        %dma_start3A_602 = arith.constant 0 : i32
        %dma_start3A_603 = tpu.memref_slice %arg6[%dma_start3A_601, %dma_start3A_602] : memref<50000x16xf32, #tpu.memory_space<hbm>> -> memref<50000x16xf32, #tpu.memory_space<hbm>>
        tpu.enqueue_indirect_dma source(%dma_start3A_603 : memref<50000x16xf32, #tpu.memory_space<hbm>>) target(%dma_start3A_597 : memref<128x16xf32, #tpu.memory_space<vmem>>) offsets(%dma_start3A_600 : memref<128xi32, #tpu.memory_space<vmem>>) semaphore(%arg18 : memref<!tpu.dma_semaphore, #tpu.memory_space<semaphore_mem>>)
      } else {
      }
      %add3A_541 = arith.constant 8 : i32
      %add3A_542 = arith.addi %mul3A_307, %add3A_541 : i32
      %add3A_543 = arith.constant 4 : i32
      %add3A_544 = arith.addi %add3A_542, %add3A_543 : i32
      %lt3A_545 = arith.constant 64 : i32
      %lt3A_546 = arith.cmpi slt, %add3A_544, %lt3A_545 : i32
      %convert_element_type3A_547 = arith.extui %lt3A_546 : i1 to i32
      %cond3A_548 = arith.constant 0 : i32
      %cond3A_549 = arith.cmpi ne, %convert_element_type3A_547, %cond3A_548 : i32
      scf.if %cond3A_549 {
        %dma_wait3A_577 = arith.constant 4 : i32
        %dma_wait3A_578 = arith.constant 0 : i32
        %dma_wait3A_579 = arith.constant 0 : i32
        %dma_wait3A_580 = arith.constant 0 : i32
        %dma_wait3A_581 = tpu.memref_slice %arg14[%dma_wait3A_577, %dma_wait3A_579, %dma_wait3A_580] : memref<8x128x16xf32, #tpu.memory_space<vmem>> -> memref<1x128x16xf32, #tpu.memory_space<vmem>>
        %dma_wait3A_582 = tpu.memref_squeeze %dma_wait3A_581 : memref<1x128x16xf32, #tpu.memory_space<vmem>> -> memref<128x16xf32, #tpu.memory_space<vmem>>
        %dma_wait3A_583 = arith.constant 0 : i32
        %dma_wait3A_584 = tpu.memref_slice %arg11[%dma_wait3A_578, %dma_wait3A_583] : memref<64x128xi32, #tpu.memory_space<vmem>> -> memref<1x128xi32, #tpu.memory_space<vmem>>
        %dma_wait3A_585 = tpu.memref_squeeze %dma_wait3A_584 : memref<1x128xi32, #tpu.memory_space<vmem>> -> memref<128xi32, #tpu.memory_space<vmem>>
        %dma_wait3A_586 = arith.constant 0 : i32
        %dma_wait3A_587 = arith.constant 0 : i32
        %dma_wait3A_588 = tpu.memref_slice %arg31[%dma_wait3A_586, %dma_wait3A_587] : memref<52000x16xf32, #tpu.memory_space<vmem_shared>> -> memref<52000x16xf32, #tpu.memory_space<vmem_shared>>
        tpu.wait_indirect_dma semaphore(%arg27 : memref<!tpu.dma_semaphore, #tpu.memory_space<semaphore_mem>>) src(%dma_wait3A_582 : memref<128x16xf32, #tpu.memory_space<vmem>>) dst(%dma_wait3A_588 : memref<52000x16xf32, #tpu.memory_space<vmem_shared>>)
        %add3A_589 = arith.constant 8 : i32
        %add3A_590 = arith.addi %mul3A_307, %add3A_589 : i32
        %add3A_591 = arith.constant 4 : i32
        %add3A_592 = arith.addi %add3A_590, %add3A_591 : i32
        %dma_start3A_593 = arith.constant 4 : i32
        %dma_start3A_594 = arith.constant 0 : i32
        %dma_start3A_595 = arith.constant 0 : i32
        %dma_start3A_596 = tpu.memref_slice %arg14[%dma_start3A_593, %dma_start3A_594, %dma_start3A_595] : memref<8x128x16xf32, #tpu.memory_space<vmem>> -> memref<1x128x16xf32, #tpu.memory_space<vmem>>
        %dma_start3A_597 = tpu.memref_squeeze %dma_start3A_596 : memref<1x128x16xf32, #tpu.memory_space<vmem>> -> memref<128x16xf32, #tpu.memory_space<vmem>>
        %dma_start3A_598 = arith.constant 0 : i32
        %dma_start3A_599 = tpu.memref_slice %arg10[%add3A_592, %dma_start3A_598] : memref<64x128xi32, #tpu.memory_space<vmem>> -> memref<1x128xi32, #tpu.memory_space<vmem>>
        %dma_start3A_600 = tpu.memref_squeeze %dma_start3A_599 : memref<1x128xi32, #tpu.memory_space<vmem>> -> memref<128xi32, #tpu.memory_space<vmem>>
        %dma_start3A_601 = arith.constant 0 : i32
        %dma_start3A_602 = arith.constant 0 : i32
        %dma_start3A_603 = tpu.memref_slice %arg6[%dma_start3A_601, %dma_start3A_602] : memref<50000x16xf32, #tpu.memory_space<hbm>> -> memref<50000x16xf32, #tpu.memory_space<hbm>>
        tpu.enqueue_indirect_dma source(%dma_start3A_603 : memref<50000x16xf32, #tpu.memory_space<hbm>>) target(%dma_start3A_597 : memref<128x16xf32, #tpu.memory_space<vmem>>) offsets(%dma_start3A_600 : memref<128xi32, #tpu.memory_space<vmem>>) semaphore(%arg19 : memref<!tpu.dma_semaphore, #tpu.memory_space<semaphore_mem>>)
      } else {
      }
      %add3A_550 = arith.constant 8 : i32
      %add3A_551 = arith.addi %mul3A_307, %add3A_550 : i32
      %add3A_552 = arith.constant 5 : i32
      %add3A_553 = arith.addi %add3A_551, %add3A_552 : i32
      %lt3A_554 = arith.constant 64 : i32
      %lt3A_555 = arith.cmpi slt, %add3A_553, %lt3A_554 : i32
      %convert_element_type3A_556 = arith.extui %lt3A_555 : i1 to i32
      %cond3A_557 = arith.constant 0 : i32
      %cond3A_558 = arith.cmpi ne, %convert_element_type3A_556, %cond3A_557 : i32
      scf.if %cond3A_558 {
        %dma_wait3A_577 = arith.constant 5 : i32
        %dma_wait3A_578 = arith.constant 0 : i32
        %dma_wait3A_579 = arith.constant 0 : i32
        %dma_wait3A_580 = arith.constant 0 : i32
        %dma_wait3A_581 = tpu.memref_slice %arg14[%dma_wait3A_577, %dma_wait3A_579, %dma_wait3A_580] : memref<8x128x16xf32, #tpu.memory_space<vmem>> -> memref<1x128x16xf32, #tpu.memory_space<vmem>>
        %dma_wait3A_582 = tpu.memref_squeeze %dma_wait3A_581 : memref<1x128x16xf32, #tpu.memory_space<vmem>> -> memref<128x16xf32, #tpu.memory_space<vmem>>
        %dma_wait3A_583 = arith.constant 0 : i32
        %dma_wait3A_584 = tpu.memref_slice %arg11[%dma_wait3A_578, %dma_wait3A_583] : memref<64x128xi32, #tpu.memory_space<vmem>> -> memref<1x128xi32, #tpu.memory_space<vmem>>
        %dma_wait3A_585 = tpu.memref_squeeze %dma_wait3A_584 : memref<1x128xi32, #tpu.memory_space<vmem>> -> memref<128xi32, #tpu.memory_space<vmem>>
        %dma_wait3A_586 = arith.constant 0 : i32
        %dma_wait3A_587 = arith.constant 0 : i32
        %dma_wait3A_588 = tpu.memref_slice %arg31[%dma_wait3A_586, %dma_wait3A_587] : memref<52000x16xf32, #tpu.memory_space<vmem_shared>> -> memref<52000x16xf32, #tpu.memory_space<vmem_shared>>
        tpu.wait_indirect_dma semaphore(%arg28 : memref<!tpu.dma_semaphore, #tpu.memory_space<semaphore_mem>>) src(%dma_wait3A_582 : memref<128x16xf32, #tpu.memory_space<vmem>>) dst(%dma_wait3A_588 : memref<52000x16xf32, #tpu.memory_space<vmem_shared>>)
        %add3A_589 = arith.constant 8 : i32
        %add3A_590 = arith.addi %mul3A_307, %add3A_589 : i32
        %add3A_591 = arith.constant 5 : i32
        %add3A_592 = arith.addi %add3A_590, %add3A_591 : i32
        %dma_start3A_593 = arith.constant 5 : i32
        %dma_start3A_594 = arith.constant 0 : i32
        %dma_start3A_595 = arith.constant 0 : i32
        %dma_start3A_596 = tpu.memref_slice %arg14[%dma_start3A_593, %dma_start3A_594, %dma_start3A_595] : memref<8x128x16xf32, #tpu.memory_space<vmem>> -> memref<1x128x16xf32, #tpu.memory_space<vmem>>
        %dma_start3A_597 = tpu.memref_squeeze %dma_start3A_596 : memref<1x128x16xf32, #tpu.memory_space<vmem>> -> memref<128x16xf32, #tpu.memory_space<vmem>>
        %dma_start3A_598 = arith.constant 0 : i32
        %dma_start3A_599 = tpu.memref_slice %arg10[%add3A_592, %dma_start3A_598] : memref<64x128xi32, #tpu.memory_space<vmem>> -> memref<1x128xi32, #tpu.memory_space<vmem>>
        %dma_start3A_600 = tpu.memref_squeeze %dma_start3A_599 : memref<1x128xi32, #tpu.memory_space<vmem>> -> memref<128xi32, #tpu.memory_space<vmem>>
        %dma_start3A_601 = arith.constant 0 : i32
        %dma_start3A_602 = arith.constant 0 : i32
        %dma_start3A_603 = tpu.memref_slice %arg6[%dma_start3A_601, %dma_start3A_602] : memref<50000x16xf32, #tpu.memory_space<hbm>> -> memref<50000x16xf32, #tpu.memory_space<hbm>>
        tpu.enqueue_indirect_dma source(%dma_start3A_603 : memref<50000x16xf32, #tpu.memory_space<hbm>>) target(%dma_start3A_597 : memref<128x16xf32, #tpu.memory_space<vmem>>) offsets(%dma_start3A_600 : memref<128xi32, #tpu.memory_space<vmem>>) semaphore(%arg20 : memref<!tpu.dma_semaphore, #tpu.memory_space<semaphore_mem>>)
      } else {
      }
      %add3A_559 = arith.constant 8 : i32
      %add3A_560 = arith.addi %mul3A_307, %add3A_559 : i32
      %add3A_561 = arith.constant 6 : i32
      %add3A_562 = arith.addi %add3A_560, %add3A_561 : i32
      %lt3A_563 = arith.constant 64 : i32
      %lt3A_564 = arith.cmpi slt, %add3A_562, %lt3A_563 : i32
      %convert_element_type3A_565 = arith.extui %lt3A_564 : i1 to i32
      %cond3A_566 = arith.constant 0 : i32
      %cond3A_567 = arith.cmpi ne, %convert_element_type3A_565, %cond3A_566 : i32
      scf.if %cond3A_567 {
        %dma_wait3A_577 = arith.constant 6 : i32
        %dma_wait3A_578 = arith.constant 0 : i32
        %dma_wait3A_579 = arith.constant 0 : i32
        %dma_wait3A_580 = arith.constant 0 : i32
        %dma_wait3A_581 = tpu.memref_slice %arg14[%dma_wait3A_577, %dma_wait3A_579, %dma_wait3A_580] : memref<8x128x16xf32, #tpu.memory_space<vmem>> -> memref<1x128x16xf32, #tpu.memory_space<vmem>>
        %dma_wait3A_582 = tpu.memref_squeeze %dma_wait3A_581 : memref<1x128x16xf32, #tpu.memory_space<vmem>> -> memref<128x16xf32, #tpu.memory_space<vmem>>
        %dma_wait3A_583 = arith.constant 0 : i32
        %dma_wait3A_584 = tpu.memref_slice %arg11[%dma_wait3A_578, %dma_wait3A_583] : memref<64x128xi32, #tpu.memory_space<vmem>> -> memref<1x128xi32, #tpu.memory_space<vmem>>
        %dma_wait3A_585 = tpu.memref_squeeze %dma_wait3A_584 : memref<1x128xi32, #tpu.memory_space<vmem>> -> memref<128xi32, #tpu.memory_space<vmem>>
        %dma_wait3A_586 = arith.constant 0 : i32
        %dma_wait3A_587 = arith.constant 0 : i32
        %dma_wait3A_588 = tpu.memref_slice %arg31[%dma_wait3A_586, %dma_wait3A_587] : memref<52000x16xf32, #tpu.memory_space<vmem_shared>> -> memref<52000x16xf32, #tpu.memory_space<vmem_shared>>
        tpu.wait_indirect_dma semaphore(%arg29 : memref<!tpu.dma_semaphore, #tpu.memory_space<semaphore_mem>>) src(%dma_wait3A_582 : memref<128x16xf32, #tpu.memory_space<vmem>>) dst(%dma_wait3A_588 : memref<52000x16xf32, #tpu.memory_space<vmem_shared>>)
        %add3A_589 = arith.constant 8 : i32
        %add3A_590 = arith.addi %mul3A_307, %add3A_589 : i32
        %add3A_591 = arith.constant 6 : i32
        %add3A_592 = arith.addi %add3A_590, %add3A_591 : i32
        %dma_start3A_593 = arith.constant 6 : i32
        %dma_start3A_594 = arith.constant 0 : i32
        %dma_start3A_595 = arith.constant 0 : i32
        %dma_start3A_596 = tpu.memref_slice %arg14[%dma_start3A_593, %dma_start3A_594, %dma_start3A_595] : memref<8x128x16xf32, #tpu.memory_space<vmem>> -> memref<1x128x16xf32, #tpu.memory_space<vmem>>
        %dma_start3A_597 = tpu.memref_squeeze %dma_start3A_596 : memref<1x128x16xf32, #tpu.memory_space<vmem>> -> memref<128x16xf32, #tpu.memory_space<vmem>>
        %dma_start3A_598 = arith.constant 0 : i32
        %dma_start3A_599 = tpu.memref_slice %arg10[%add3A_592, %dma_start3A_598] : memref<64x128xi32, #tpu.memory_space<vmem>> -> memref<1x128xi32, #tpu.memory_space<vmem>>
        %dma_start3A_600 = tpu.memref_squeeze %dma_start3A_599 : memref<1x128xi32, #tpu.memory_space<vmem>> -> memref<128xi32, #tpu.memory_space<vmem>>
        %dma_start3A_601 = arith.constant 0 : i32
        %dma_start3A_602 = arith.constant 0 : i32
        %dma_start3A_603 = tpu.memref_slice %arg6[%dma_start3A_601, %dma_start3A_602] : memref<50000x16xf32, #tpu.memory_space<hbm>> -> memref<50000x16xf32, #tpu.memory_space<hbm>>
        tpu.enqueue_indirect_dma source(%dma_start3A_603 : memref<50000x16xf32, #tpu.memory_space<hbm>>) target(%dma_start3A_597 : memref<128x16xf32, #tpu.memory_space<vmem>>) offsets(%dma_start3A_600 : memref<128xi32, #tpu.memory_space<vmem>>) semaphore(%arg21 : memref<!tpu.dma_semaphore, #tpu.memory_space<semaphore_mem>>)
      } else {
      }
      %add3A_568 = arith.constant 8 : i32
      %add3A_569 = arith.addi %mul3A_307, %add3A_568 : i32
      %add3A_570 = arith.constant 7 : i32
      %add3A_571 = arith.addi %add3A_569, %add3A_570 : i32
      %lt3A_572 = arith.constant 64 : i32
      %lt3A_573 = arith.cmpi slt, %add3A_571, %lt3A_572 : i32
      %convert_element_type3A_574 = arith.extui %lt3A_573 : i1 to i32
      %cond3A_575 = arith.constant 0 : i32
      %cond3A_576 = arith.cmpi ne, %convert_element_type3A_574, %cond3A_575 : i32
      scf.if %cond3A_576 {
        %dma_wait3A_577 = arith.constant 7 : i32
        %dma_wait3A_578 = arith.constant 0 : i32
        %dma_wait3A_579 = arith.constant 0 : i32
        %dma_wait3A_580 = arith.constant 0 : i32
        %dma_wait3A_581 = tpu.memref_slice %arg14[%dma_wait3A_577, %dma_wait3A_579, %dma_wait3A_580] : memref<8x128x16xf32, #tpu.memory_space<vmem>> -> memref<1x128x16xf32, #tpu.memory_space<vmem>>
        %dma_wait3A_582 = tpu.memref_squeeze %dma_wait3A_581 : memref<1x128x16xf32, #tpu.memory_space<vmem>> -> memref<128x16xf32, #tpu.memory_space<vmem>>
        %dma_wait3A_583 = arith.constant 0 : i32
        %dma_wait3A_584 = tpu.memref_slice %arg11[%dma_wait3A_578, %dma_wait3A_583] : memref<64x128xi32, #tpu.memory_space<vmem>> -> memref<1x128xi32, #tpu.memory_space<vmem>>
        %dma_wait3A_585 = tpu.memref_squeeze %dma_wait3A_584 : memref<1x128xi32, #tpu.memory_space<vmem>> -> memref<128xi32, #tpu.memory_space<vmem>>
        %dma_wait3A_586 = arith.constant 0 : i32
        %dma_wait3A_587 = arith.constant 0 : i32
        %dma_wait3A_588 = tpu.memref_slice %arg31[%dma_wait3A_586, %dma_wait3A_587] : memref<52000x16xf32, #tpu.memory_space<vmem_shared>> -> memref<52000x16xf32, #tpu.memory_space<vmem_shared>>
        tpu.wait_indirect_dma semaphore(%arg30 : memref<!tpu.dma_semaphore, #tpu.memory_space<semaphore_mem>>) src(%dma_wait3A_582 : memref<128x16xf32, #tpu.memory_space<vmem>>) dst(%dma_wait3A_588 : memref<52000x16xf32, #tpu.memory_space<vmem_shared>>)
        %add3A_589 = arith.constant 8 : i32
        %add3A_590 = arith.addi %mul3A_307, %add3A_589 : i32
        %add3A_591 = arith.constant 7 : i32
        %add3A_592 = arith.addi %add3A_590, %add3A_591 : i32
        %dma_start3A_593 = arith.constant 7 : i32
        %dma_start3A_594 = arith.constant 0 : i32
        %dma_start3A_595 = arith.constant 0 : i32
        %dma_start3A_596 = tpu.memref_slice %arg14[%dma_start3A_593, %dma_start3A_594, %dma_start3A_595] : memref<8x128x16xf32, #tpu.memory_space<vmem>> -> memref<1x128x16xf32, #tpu.memory_space<vmem>>
        %dma_start3A_597 = tpu.memref_squeeze %dma_start3A_596 : memref<1x128x16xf32, #tpu.memory_space<vmem>> -> memref<128x16xf32, #tpu.memory_space<vmem>>
        %dma_start3A_598 = arith.constant 0 : i32
        %dma_start3A_599 = tpu.memref_slice %arg10[%add3A_592, %dma_start3A_598] : memref<64x128xi32, #tpu.memory_space<vmem>> -> memref<1x128xi32, #tpu.memory_space<vmem>>
        %dma_start3A_600 = tpu.memref_squeeze %dma_start3A_599 : memref<1x128xi32, #tpu.memory_space<vmem>> -> memref<128xi32, #tpu.memory_space<vmem>>
        %dma_start3A_601 = arith.constant 0 : i32
        %dma_start3A_602 = arith.constant 0 : i32
        %dma_start3A_603 = tpu.memref_slice %arg6[%dma_start3A_601, %dma_start3A_602] : memref<50000x16xf32, #tpu.memory_space<hbm>> -> memref<50000x16xf32, #tpu.memory_space<hbm>>
        tpu.enqueue_indirect_dma source(%dma_start3A_603 : memref<50000x16xf32, #tpu.memory_space<hbm>>) target(%dma_start3A_597 : memref<128x16xf32, #tpu.memory_space<vmem>>) offsets(%dma_start3A_600 : memref<128xi32, #tpu.memory_space<vmem>>) semaphore(%arg22 : memref<!tpu.dma_semaphore, #tpu.memory_space<semaphore_mem>>)
      } else {
      }
    }
    %scan3A_102 = arith.constant 8 : i32
    %dma_wait3A = arith.constant 0 : i32
    %dma_wait3A_103 = arith.constant 0 : i32
    %dma_wait3A_104 = arith.constant 0 : i32
    %dma_wait3A_105 = arith.constant 0 : i32
    %dma_wait3A_106 = tpu.memref_slice %arg14[%dma_wait3A, %dma_wait3A_104, %dma_wait3A_105] : memref<8x128x16xf32, #tpu.memory_space<vmem>> -> memref<1x128x16xf32, #tpu.memory_space<vmem>>
    %dma_wait3A_107 = tpu.memref_squeeze %dma_wait3A_106 : memref<1x128x16xf32, #tpu.memory_space<vmem>> -> memref<128x16xf32, #tpu.memory_space<vmem>>
    %dma_wait3A_108 = arith.constant 0 : i32
    %dma_wait3A_109 = tpu.memref_slice %arg11[%dma_wait3A_103, %dma_wait3A_108] : memref<64x128xi32, #tpu.memory_space<vmem>> -> memref<1x128xi32, #tpu.memory_space<vmem>>
    %dma_wait3A_110 = tpu.memref_squeeze %dma_wait3A_109 : memref<1x128xi32, #tpu.memory_space<vmem>> -> memref<128xi32, #tpu.memory_space<vmem>>
    %dma_wait3A_111 = arith.constant 0 : i32
    %dma_wait3A_112 = arith.constant 0 : i32
    %dma_wait3A_113 = tpu.memref_slice %arg31[%dma_wait3A_111, %dma_wait3A_112] : memref<52000x16xf32, #tpu.memory_space<vmem_shared>> -> memref<52000x16xf32, #tpu.memory_space<vmem_shared>>
    tpu.wait_indirect_dma semaphore(%arg23 : memref<!tpu.dma_semaphore, #tpu.memory_space<semaphore_mem>>) src(%dma_wait3A_107 : memref<128x16xf32, #tpu.memory_space<vmem>>) dst(%dma_wait3A_113 : memref<52000x16xf32, #tpu.memory_space<vmem_shared>>)
    %dma_wait3A_114 = arith.constant 1 : i32
    %dma_wait3A_115 = arith.constant 0 : i32
    %dma_wait3A_116 = arith.constant 0 : i32
    %dma_wait3A_117 = arith.constant 0 : i32
    %dma_wait3A_118 = tpu.memref_slice %arg14[%dma_wait3A_114, %dma_wait3A_116, %dma_wait3A_117] : memref<8x128x16xf32, #tpu.memory_space<vmem>> -> memref<1x128x16xf32, #tpu.memory_space<vmem>>
    %dma_wait3A_119 = tpu.memref_squeeze %dma_wait3A_118 : memref<1x128x16xf32, #tpu.memory_space<vmem>> -> memref<128x16xf32, #tpu.memory_space<vmem>>
    %dma_wait3A_120 = arith.constant 0 : i32
    %dma_wait3A_121 = tpu.memref_slice %arg11[%dma_wait3A_115, %dma_wait3A_120] : memref<64x128xi32, #tpu.memory_space<vmem>> -> memref<1x128xi32, #tpu.memory_space<vmem>>
    %dma_wait3A_122 = tpu.memref_squeeze %dma_wait3A_121 : memref<1x128xi32, #tpu.memory_space<vmem>> -> memref<128xi32, #tpu.memory_space<vmem>>
    %dma_wait3A_123 = arith.constant 0 : i32
    %dma_wait3A_124 = arith.constant 0 : i32
    %dma_wait3A_125 = tpu.memref_slice %arg31[%dma_wait3A_123, %dma_wait3A_124] : memref<52000x16xf32, #tpu.memory_space<vmem_shared>> -> memref<52000x16xf32, #tpu.memory_space<vmem_shared>>
    tpu.wait_indirect_dma semaphore(%arg24 : memref<!tpu.dma_semaphore, #tpu.memory_space<semaphore_mem>>) src(%dma_wait3A_119 : memref<128x16xf32, #tpu.memory_space<vmem>>) dst(%dma_wait3A_125 : memref<52000x16xf32, #tpu.memory_space<vmem_shared>>)
    %dma_wait3A_126 = arith.constant 2 : i32
    %dma_wait3A_127 = arith.constant 0 : i32
    %dma_wait3A_128 = arith.constant 0 : i32
    %dma_wait3A_129 = arith.constant 0 : i32
    %dma_wait3A_130 = tpu.memref_slice %arg14[%dma_wait3A_126, %dma_wait3A_128, %dma_wait3A_129] : memref<8x128x16xf32, #tpu.memory_space<vmem>> -> memref<1x128x16xf32, #tpu.memory_space<vmem>>
    %dma_wait3A_131 = tpu.memref_squeeze %dma_wait3A_130 : memref<1x128x16xf32, #tpu.memory_space<vmem>> -> memref<128x16xf32, #tpu.memory_space<vmem>>
    %dma_wait3A_132 = arith.constant 0 : i32
    %dma_wait3A_133 = tpu.memref_slice %arg11[%dma_wait3A_127, %dma_wait3A_132] : memref<64x128xi32, #tpu.memory_space<vmem>> -> memref<1x128xi32, #tpu.memory_space<vmem>>
    %dma_wait3A_134 = tpu.memref_squeeze %dma_wait3A_133 : memref<1x128xi32, #tpu.memory_space<vmem>> -> memref<128xi32, #tpu.memory_space<vmem>>
    %dma_wait3A_135 = arith.constant 0 : i32
    %dma_wait3A_136 = arith.constant 0 : i32
    %dma_wait3A_137 = tpu.memref_slice %arg31[%dma_wait3A_135, %dma_wait3A_136] : memref<52000x16xf32, #tpu.memory_space<vmem_shared>> -> memref<52000x16xf32, #tpu.memory_space<vmem_shared>>
    tpu.wait_indirect_dma semaphore(%arg25 : memref<!tpu.dma_semaphore, #tpu.memory_space<semaphore_mem>>) src(%dma_wait3A_131 : memref<128x16xf32, #tpu.memory_space<vmem>>) dst(%dma_wait3A_137 : memref<52000x16xf32, #tpu.memory_space<vmem_shared>>)
    %dma_wait3A_138 = arith.constant 3 : i32
    %dma_wait3A_139 = arith.constant 0 : i32
    %dma_wait3A_140 = arith.constant 0 : i32
    %dma_wait3A_141 = arith.constant 0 : i32
    %dma_wait3A_142 = tpu.memref_slice %arg14[%dma_wait3A_138, %dma_wait3A_140, %dma_wait3A_141] : memref<8x128x16xf32, #tpu.memory_space<vmem>> -> memref<1x128x16xf32, #tpu.memory_space<vmem>>
    %dma_wait3A_143 = tpu.memref_squeeze %dma_wait3A_142 : memref<1x128x16xf32, #tpu.memory_space<vmem>> -> memref<128x16xf32, #tpu.memory_space<vmem>>
    %dma_wait3A_144 = arith.constant 0 : i32
    %dma_wait3A_145 = tpu.memref_slice %arg11[%dma_wait3A_139, %dma_wait3A_144] : memref<64x128xi32, #tpu.memory_space<vmem>> -> memref<1x128xi32, #tpu.memory_space<vmem>>
    %dma_wait3A_146 = tpu.memref_squeeze %dma_wait3A_145 : memref<1x128xi32, #tpu.memory_space<vmem>> -> memref<128xi32, #tpu.memory_space<vmem>>
    %dma_wait3A_147 = arith.constant 0 : i32
    %dma_wait3A_148 = arith.constant 0 : i32
    %dma_wait3A_149 = tpu.memref_slice %arg31[%dma_wait3A_147, %dma_wait3A_148] : memref<52000x16xf32, #tpu.memory_space<vmem_shared>> -> memref<52000x16xf32, #tpu.memory_space<vmem_shared>>
    tpu.wait_indirect_dma semaphore(%arg26 : memref<!tpu.dma_semaphore, #tpu.memory_space<semaphore_mem>>) src(%dma_wait3A_143 : memref<128x16xf32, #tpu.memory_space<vmem>>) dst(%dma_wait3A_149 : memref<52000x16xf32, #tpu.memory_space<vmem_shared>>)
    %dma_wait3A_150 = arith.constant 4 : i32
    %dma_wait3A_151 = arith.constant 0 : i32
    %dma_wait3A_152 = arith.constant 0 : i32
    %dma_wait3A_153 = arith.constant 0 : i32
    %dma_wait3A_154 = tpu.memref_slice %arg14[%dma_wait3A_150, %dma_wait3A_152, %dma_wait3A_153] : memref<8x128x16xf32, #tpu.memory_space<vmem>> -> memref<1x128x16xf32, #tpu.memory_space<vmem>>
    %dma_wait3A_155 = tpu.memref_squeeze %dma_wait3A_154 : memref<1x128x16xf32, #tpu.memory_space<vmem>> -> memref<128x16xf32, #tpu.memory_space<vmem>>
    %dma_wait3A_156 = arith.constant 0 : i32
    %dma_wait3A_157 = tpu.memref_slice %arg11[%dma_wait3A_151, %dma_wait3A_156] : memref<64x128xi32, #tpu.memory_space<vmem>> -> memref<1x128xi32, #tpu.memory_space<vmem>>
    %dma_wait3A_158 = tpu.memref_squeeze %dma_wait3A_157 : memref<1x128xi32, #tpu.memory_space<vmem>> -> memref<128xi32, #tpu.memory_space<vmem>>
    %dma_wait3A_159 = arith.constant 0 : i32
    %dma_wait3A_160 = arith.constant 0 : i32
    %dma_wait3A_161 = tpu.memref_slice %arg31[%dma_wait3A_159, %dma_wait3A_160] : memref<52000x16xf32, #tpu.memory_space<vmem_shared>> -> memref<52000x16xf32, #tpu.memory_space<vmem_shared>>
    tpu.wait_indirect_dma semaphore(%arg27 : memref<!tpu.dma_semaphore, #tpu.memory_space<semaphore_mem>>) src(%dma_wait3A_155 : memref<128x16xf32, #tpu.memory_space<vmem>>) dst(%dma_wait3A_161 : memref<52000x16xf32, #tpu.memory_space<vmem_shared>>)
    %dma_wait3A_162 = arith.constant 5 : i32
    %dma_wait3A_163 = arith.constant 0 : i32
    %dma_wait3A_164 = arith.constant 0 : i32
    %dma_wait3A_165 = arith.constant 0 : i32
    %dma_wait3A_166 = tpu.memref_slice %arg14[%dma_wait3A_162, %dma_wait3A_164, %dma_wait3A_165] : memref<8x128x16xf32, #tpu.memory_space<vmem>> -> memref<1x128x16xf32, #tpu.memory_space<vmem>>
    %dma_wait3A_167 = tpu.memref_squeeze %dma_wait3A_166 : memref<1x128x16xf32, #tpu.memory_space<vmem>> -> memref<128x16xf32, #tpu.memory_space<vmem>>
    %dma_wait3A_168 = arith.constant 0 : i32
    %dma_wait3A_169 = tpu.memref_slice %arg11[%dma_wait3A_163, %dma_wait3A_168] : memref<64x128xi32, #tpu.memory_space<vmem>> -> memref<1x128xi32, #tpu.memory_space<vmem>>
    %dma_wait3A_170 = tpu.memref_squeeze %dma_wait3A_169 : memref<1x128xi32, #tpu.memory_space<vmem>> -> memref<128xi32, #tpu.memory_space<vmem>>
    %dma_wait3A_171 = arith.constant 0 : i32
    %dma_wait3A_172 = arith.constant 0 : i32
    %dma_wait3A_173 = tpu.memref_slice %arg31[%dma_wait3A_171, %dma_wait3A_172] : memref<52000x16xf32, #tpu.memory_space<vmem_shared>> -> memref<52000x16xf32, #tpu.memory_space<vmem_shared>>
    tpu.wait_indirect_dma semaphore(%arg28 : memref<!tpu.dma_semaphore, #tpu.memory_space<semaphore_mem>>) src(%dma_wait3A_167 : memref<128x16xf32, #tpu.memory_space<vmem>>) dst(%dma_wait3A_173 : memref<52000x16xf32, #tpu.memory_space<vmem_shared>>)
    %dma_wait3A_174 = arith.constant 6 : i32
    %dma_wait3A_175 = arith.constant 0 : i32
    %dma_wait3A_176 = arith.constant 0 : i32
    %dma_wait3A_177 = arith.constant 0 : i32
    %dma_wait3A_178 = tpu.memref_slice %arg14[%dma_wait3A_174, %dma_wait3A_176, %dma_wait3A_177] : memref<8x128x16xf32, #tpu.memory_space<vmem>> -> memref<1x128x16xf32, #tpu.memory_space<vmem>>
    %dma_wait3A_179 = tpu.memref_squeeze %dma_wait3A_178 : memref<1x128x16xf32, #tpu.memory_space<vmem>> -> memref<128x16xf32, #tpu.memory_space<vmem>>
    %dma_wait3A_180 = arith.constant 0 : i32
    %dma_wait3A_181 = tpu.memref_slice %arg11[%dma_wait3A_175, %dma_wait3A_180] : memref<64x128xi32, #tpu.memory_space<vmem>> -> memref<1x128xi32, #tpu.memory_space<vmem>>
    %dma_wait3A_182 = tpu.memref_squeeze %dma_wait3A_181 : memref<1x128xi32, #tpu.memory_space<vmem>> -> memref<128xi32, #tpu.memory_space<vmem>>
    %dma_wait3A_183 = arith.constant 0 : i32
    %dma_wait3A_184 = arith.constant 0 : i32
    %dma_wait3A_185 = tpu.memref_slice %arg31[%dma_wait3A_183, %dma_wait3A_184] : memref<52000x16xf32, #tpu.memory_space<vmem_shared>> -> memref<52000x16xf32, #tpu.memory_space<vmem_shared>>
    tpu.wait_indirect_dma semaphore(%arg29 : memref<!tpu.dma_semaphore, #tpu.memory_space<semaphore_mem>>) src(%dma_wait3A_179 : memref<128x16xf32, #tpu.memory_space<vmem>>) dst(%dma_wait3A_185 : memref<52000x16xf32, #tpu.memory_space<vmem_shared>>)
    %dma_wait3A_186 = arith.constant 7 : i32
    %dma_wait3A_187 = arith.constant 0 : i32
    %dma_wait3A_188 = arith.constant 0 : i32
    %dma_wait3A_189 = arith.constant 0 : i32
    %dma_wait3A_190 = tpu.memref_slice %arg14[%dma_wait3A_186, %dma_wait3A_188, %dma_wait3A_189] : memref<8x128x16xf32, #tpu.memory_space<vmem>> -> memref<1x128x16xf32, #tpu.memory_space<vmem>>
    %dma_wait3A_191 = tpu.memref_squeeze %dma_wait3A_190 : memref<1x128x16xf32, #tpu.memory_space<vmem>> -> memref<128x16xf32, #tpu.memory_space<vmem>>
    %dma_wait3A_192 = arith.constant 0 : i32
    %dma_wait3A_193 = tpu.memref_slice %arg11[%dma_wait3A_187, %dma_wait3A_192] : memref<64x128xi32, #tpu.memory_space<vmem>> -> memref<1x128xi32, #tpu.memory_space<vmem>>
    %dma_wait3A_194 = tpu.memref_squeeze %dma_wait3A_193 : memref<1x128xi32, #tpu.memory_space<vmem>> -> memref<128xi32, #tpu.memory_space<vmem>>
    %dma_wait3A_195 = arith.constant 0 : i32
    %dma_wait3A_196 = arith.constant 0 : i32
    %dma_wait3A_197 = tpu.memref_slice %arg31[%dma_wait3A_195, %dma_wait3A_196] : memref<52000x16xf32, #tpu.memory_space<vmem_shared>> -> memref<52000x16xf32, #tpu.memory_space<vmem_shared>>
    tpu.wait_indirect_dma semaphore(%arg30 : memref<!tpu.dma_semaphore, #tpu.memory_space<semaphore_mem>>) src(%dma_wait3A_191 : memref<128x16xf32, #tpu.memory_space<vmem>>) dst(%dma_wait3A_197 : memref<52000x16xf32, #tpu.memory_space<vmem_shared>>)
    %dma_start3A_198 = arith.constant 0 : i32
    %dma_start3A_199 = arith.constant 0 : i32
    %dma_start3A_200 = arith.constant 0 : i32
    %dma_start3A_201 = arith.constant 0 : i32
    %dma_start3A_202 = tpu.memref_slice %arg14[%dma_start3A_199, %dma_start3A_200, %dma_start3A_201] : memref<8x128x16xf32, #tpu.memory_space<vmem>> -> memref<1x128x16xf32, #tpu.memory_space<vmem>>
    %dma_start3A_203 = tpu.memref_squeeze %dma_start3A_202 : memref<1x128x16xf32, #tpu.memory_space<vmem>> -> memref<128x16xf32, #tpu.memory_space<vmem>>
    %dma_start3A_204 = arith.constant 0 : i32
    %dma_start3A_205 = tpu.memref_slice %arg12[%dma_start3A_198, %dma_start3A_204] : memref<28x128xi32, #tpu.memory_space<vmem>> -> memref<1x128xi32, #tpu.memory_space<vmem>>
    %dma_start3A_206 = tpu.memref_squeeze %dma_start3A_205 : memref<1x128xi32, #tpu.memory_space<vmem>> -> memref<128xi32, #tpu.memory_space<vmem>>
    %dma_start3A_207 = arith.constant 0 : i32
    %dma_start3A_208 = arith.constant 0 : i32
    %dma_start3A_209 = tpu.memref_slice %arg7[%dma_start3A_207, %dma_start3A_208] : memref<10000x16xf32, #tpu.memory_space<hbm>> -> memref<10000x16xf32, #tpu.memory_space<hbm>>
    tpu.enqueue_indirect_dma source(%dma_start3A_209 : memref<10000x16xf32, #tpu.memory_space<hbm>>) target(%dma_start3A_203 : memref<128x16xf32, #tpu.memory_space<vmem>>) offsets(%dma_start3A_206 : memref<128xi32, #tpu.memory_space<vmem>>) semaphore(%arg15 : memref<!tpu.dma_semaphore, #tpu.memory_space<semaphore_mem>>)
    %dma_start3A_210 = arith.constant 1 : i32
    %dma_start3A_211 = arith.constant 1 : i32
    %dma_start3A_212 = arith.constant 0 : i32
    %dma_start3A_213 = arith.constant 0 : i32
    %dma_start3A_214 = tpu.memref_slice %arg14[%dma_start3A_211, %dma_start3A_212, %dma_start3A_213] : memref<8x128x16xf32, #tpu.memory_space<vmem>> -> memref<1x128x16xf32, #tpu.memory_space<vmem>>
    %dma_start3A_215 = tpu.memref_squeeze %dma_start3A_214 : memref<1x128x16xf32, #tpu.memory_space<vmem>> -> memref<128x16xf32, #tpu.memory_space<vmem>>
    %dma_start3A_216 = arith.constant 0 : i32
    %dma_start3A_217 = tpu.memref_slice %arg12[%dma_start3A_210, %dma_start3A_216] : memref<28x128xi32, #tpu.memory_space<vmem>> -> memref<1x128xi32, #tpu.memory_space<vmem>>
    %dma_start3A_218 = tpu.memref_squeeze %dma_start3A_217 : memref<1x128xi32, #tpu.memory_space<vmem>> -> memref<128xi32, #tpu.memory_space<vmem>>
    %dma_start3A_219 = arith.constant 0 : i32
    %dma_start3A_220 = arith.constant 0 : i32
    %dma_start3A_221 = tpu.memref_slice %arg7[%dma_start3A_219, %dma_start3A_220] : memref<10000x16xf32, #tpu.memory_space<hbm>> -> memref<10000x16xf32, #tpu.memory_space<hbm>>
    tpu.enqueue_indirect_dma source(%dma_start3A_221 : memref<10000x16xf32, #tpu.memory_space<hbm>>) target(%dma_start3A_215 : memref<128x16xf32, #tpu.memory_space<vmem>>) offsets(%dma_start3A_218 : memref<128xi32, #tpu.memory_space<vmem>>) semaphore(%arg16 : memref<!tpu.dma_semaphore, #tpu.memory_space<semaphore_mem>>)
    %dma_start3A_222 = arith.constant 2 : i32
    %dma_start3A_223 = arith.constant 2 : i32
    %dma_start3A_224 = arith.constant 0 : i32
    %dma_start3A_225 = arith.constant 0 : i32
    %dma_start3A_226 = tpu.memref_slice %arg14[%dma_start3A_223, %dma_start3A_224, %dma_start3A_225] : memref<8x128x16xf32, #tpu.memory_space<vmem>> -> memref<1x128x16xf32, #tpu.memory_space<vmem>>
    %dma_start3A_227 = tpu.memref_squeeze %dma_start3A_226 : memref<1x128x16xf32, #tpu.memory_space<vmem>> -> memref<128x16xf32, #tpu.memory_space<vmem>>
    %dma_start3A_228 = arith.constant 0 : i32
    %dma_start3A_229 = tpu.memref_slice %arg12[%dma_start3A_222, %dma_start3A_228] : memref<28x128xi32, #tpu.memory_space<vmem>> -> memref<1x128xi32, #tpu.memory_space<vmem>>
    %dma_start3A_230 = tpu.memref_squeeze %dma_start3A_229 : memref<1x128xi32, #tpu.memory_space<vmem>> -> memref<128xi32, #tpu.memory_space<vmem>>
    %dma_start3A_231 = arith.constant 0 : i32
    %dma_start3A_232 = arith.constant 0 : i32
    %dma_start3A_233 = tpu.memref_slice %arg7[%dma_start3A_231, %dma_start3A_232] : memref<10000x16xf32, #tpu.memory_space<hbm>> -> memref<10000x16xf32, #tpu.memory_space<hbm>>
    tpu.enqueue_indirect_dma source(%dma_start3A_233 : memref<10000x16xf32, #tpu.memory_space<hbm>>) target(%dma_start3A_227 : memref<128x16xf32, #tpu.memory_space<vmem>>) offsets(%dma_start3A_230 : memref<128xi32, #tpu.memory_space<vmem>>) semaphore(%arg17 : memref<!tpu.dma_semaphore, #tpu.memory_space<semaphore_mem>>)
    %dma_start3A_234 = arith.constant 3 : i32
    %dma_start3A_235 = arith.constant 3 : i32
    %dma_start3A_236 = arith.constant 0 : i32
    %dma_start3A_237 = arith.constant 0 : i32
    %dma_start3A_238 = tpu.memref_slice %arg14[%dma_start3A_235, %dma_start3A_236, %dma_start3A_237] : memref<8x128x16xf32, #tpu.memory_space<vmem>> -> memref<1x128x16xf32, #tpu.memory_space<vmem>>
    %dma_start3A_239 = tpu.memref_squeeze %dma_start3A_238 : memref<1x128x16xf32, #tpu.memory_space<vmem>> -> memref<128x16xf32, #tpu.memory_space<vmem>>
    %dma_start3A_240 = arith.constant 0 : i32
    %dma_start3A_241 = tpu.memref_slice %arg12[%dma_start3A_234, %dma_start3A_240] : memref<28x128xi32, #tpu.memory_space<vmem>> -> memref<1x128xi32, #tpu.memory_space<vmem>>
    %dma_start3A_242 = tpu.memref_squeeze %dma_start3A_241 : memref<1x128xi32, #tpu.memory_space<vmem>> -> memref<128xi32, #tpu.memory_space<vmem>>
    %dma_start3A_243 = arith.constant 0 : i32
    %dma_start3A_244 = arith.constant 0 : i32
    %dma_start3A_245 = tpu.memref_slice %arg7[%dma_start3A_243, %dma_start3A_244] : memref<10000x16xf32, #tpu.memory_space<hbm>> -> memref<10000x16xf32, #tpu.memory_space<hbm>>
    tpu.enqueue_indirect_dma source(%dma_start3A_245 : memref<10000x16xf32, #tpu.memory_space<hbm>>) target(%dma_start3A_239 : memref<128x16xf32, #tpu.memory_space<vmem>>) offsets(%dma_start3A_242 : memref<128xi32, #tpu.memory_space<vmem>>) semaphore(%arg18 : memref<!tpu.dma_semaphore, #tpu.memory_space<semaphore_mem>>)
    %scan3A_246 = arith.constant 0 : i32
    %scan3A_247 = arith.constant 0 : i32
    %scan3A_248 = arith.constant 7 : i32
    %scan3A_249 = arith.addi %scan3A_247, %scan3A_248 : i32
    %scan3A_250 = arith.constant 1 : i32
    scf.for %scan3A_305 = %scan3A_247 to %scan3A_249 step %scan3A_250  : i32 {
      %mul3A_306 = arith.constant 4 : i32
      %mul3A_307 = arith.muli %scan3A_305, %mul3A_306 : i32
      %dma_wait3A_308 = arith.constant 0 : i32
      %dma_wait3A_309 = arith.constant 0 : i32
      %dma_wait3A_310 = arith.constant 0 : i32
      %dma_wait3A_311 = arith.constant 0 : i32
      %dma_wait3A_312 = tpu.memref_slice %arg14[%dma_wait3A_309, %dma_wait3A_310, %dma_wait3A_311] : memref<8x128x16xf32, #tpu.memory_space<vmem>> -> memref<1x128x16xf32, #tpu.memory_space<vmem>>
      %dma_wait3A_313 = tpu.memref_squeeze %dma_wait3A_312 : memref<1x128x16xf32, #tpu.memory_space<vmem>> -> memref<128x16xf32, #tpu.memory_space<vmem>>
      %dma_wait3A_314 = arith.constant 0 : i32
      %dma_wait3A_315 = tpu.memref_slice %arg12[%dma_wait3A_308, %dma_wait3A_314] : memref<28x128xi32, #tpu.memory_space<vmem>> -> memref<1x128xi32, #tpu.memory_space<vmem>>
      %dma_wait3A_316 = tpu.memref_squeeze %dma_wait3A_315 : memref<1x128xi32, #tpu.memory_space<vmem>> -> memref<128xi32, #tpu.memory_space<vmem>>
      %dma_wait3A_317 = arith.constant 0 : i32
      %dma_wait3A_318 = arith.constant 0 : i32
      %dma_wait3A_319 = tpu.memref_slice %arg7[%dma_wait3A_317, %dma_wait3A_318] : memref<10000x16xf32, #tpu.memory_space<hbm>> -> memref<10000x16xf32, #tpu.memory_space<hbm>>
      tpu.wait_indirect_dma semaphore(%arg15 : memref<!tpu.dma_semaphore, #tpu.memory_space<semaphore_mem>>) src(%dma_wait3A_319 : memref<10000x16xf32, #tpu.memory_space<hbm>>) dst(%dma_wait3A_313 : memref<128x16xf32, #tpu.memory_space<vmem>>)
      %add3A_320 = arith.constant 0 : i32
      %add3A_321 = arith.addi %mul3A_307, %add3A_320 : i32
      %dma_start3A_322 = arith.constant 0 : i32
      %dma_start3A_323 = arith.constant 0 : i32
      %dma_start3A_324 = arith.constant 0 : i32
      %dma_start3A_325 = tpu.memref_slice %arg14[%dma_start3A_322, %dma_start3A_323, %dma_start3A_324] : memref<8x128x16xf32, #tpu.memory_space<vmem>> -> memref<1x128x16xf32, #tpu.memory_space<vmem>>
      %dma_start3A_326 = tpu.memref_squeeze %dma_start3A_325 : memref<1x128x16xf32, #tpu.memory_space<vmem>> -> memref<128x16xf32, #tpu.memory_space<vmem>>
      %dma_start3A_327 = arith.constant 0 : i32
      %dma_start3A_328 = tpu.memref_slice %arg13[%add3A_321, %dma_start3A_327] : memref<28x128xi32, #tpu.memory_space<vmem>> -> memref<1x128xi32, #tpu.memory_space<vmem>>
      %dma_start3A_329 = tpu.memref_squeeze %dma_start3A_328 : memref<1x128xi32, #tpu.memory_space<vmem>> -> memref<128xi32, #tpu.memory_space<vmem>>
      %dma_start3A_330 = arith.constant 0 : i32
      %dma_start3A_331 = arith.constant 0 : i32
      %dma_start3A_332 = tpu.memref_slice %arg31[%dma_start3A_330, %dma_start3A_331] : memref<52000x16xf32, #tpu.memory_space<vmem_shared>> -> memref<52000x16xf32, #tpu.memory_space<vmem_shared>>
      tpu.enqueue_indirect_dma source(%dma_start3A_326 : memref<128x16xf32, #tpu.memory_space<vmem>>) target(%dma_start3A_332 : memref<52000x16xf32, #tpu.memory_space<vmem_shared>>) offsets(%dma_start3A_329 : memref<128xi32, #tpu.memory_space<vmem>>) semaphore(%arg23 : memref<!tpu.dma_semaphore, #tpu.memory_space<semaphore_mem>>) {add = true}
      %dma_wait3A_333 = arith.constant 0 : i32
      %dma_wait3A_334 = arith.constant 1 : i32
      %dma_wait3A_335 = arith.constant 0 : i32
      %dma_wait3A_336 = arith.constant 0 : i32
      %dma_wait3A_337 = tpu.memref_slice %arg14[%dma_wait3A_334, %dma_wait3A_335, %dma_wait3A_336] : memref<8x128x16xf32, #tpu.memory_space<vmem>> -> memref<1x128x16xf32, #tpu.memory_space<vmem>>
      %dma_wait3A_338 = tpu.memref_squeeze %dma_wait3A_337 : memref<1x128x16xf32, #tpu.memory_space<vmem>> -> memref<128x16xf32, #tpu.memory_space<vmem>>
      %dma_wait3A_339 = arith.constant 0 : i32
      %dma_wait3A_340 = tpu.memref_slice %arg12[%dma_wait3A_333, %dma_wait3A_339] : memref<28x128xi32, #tpu.memory_space<vmem>> -> memref<1x128xi32, #tpu.memory_space<vmem>>
      %dma_wait3A_341 = tpu.memref_squeeze %dma_wait3A_340 : memref<1x128xi32, #tpu.memory_space<vmem>> -> memref<128xi32, #tpu.memory_space<vmem>>
      %dma_wait3A_342 = arith.constant 0 : i32
      %dma_wait3A_343 = arith.constant 0 : i32
      %dma_wait3A_344 = tpu.memref_slice %arg7[%dma_wait3A_342, %dma_wait3A_343] : memref<10000x16xf32, #tpu.memory_space<hbm>> -> memref<10000x16xf32, #tpu.memory_space<hbm>>
      tpu.wait_indirect_dma semaphore(%arg16 : memref<!tpu.dma_semaphore, #tpu.memory_space<semaphore_mem>>) src(%dma_wait3A_344 : memref<10000x16xf32, #tpu.memory_space<hbm>>) dst(%dma_wait3A_338 : memref<128x16xf32, #tpu.memory_space<vmem>>)
      %add3A_345 = arith.constant 1 : i32
      %add3A_346 = arith.addi %mul3A_307, %add3A_345 : i32
      %dma_start3A_347 = arith.constant 1 : i32
      %dma_start3A_348 = arith.constant 0 : i32
      %dma_start3A_349 = arith.constant 0 : i32
      %dma_start3A_350 = tpu.memref_slice %arg14[%dma_start3A_347, %dma_start3A_348, %dma_start3A_349] : memref<8x128x16xf32, #tpu.memory_space<vmem>> -> memref<1x128x16xf32, #tpu.memory_space<vmem>>
      %dma_start3A_351 = tpu.memref_squeeze %dma_start3A_350 : memref<1x128x16xf32, #tpu.memory_space<vmem>> -> memref<128x16xf32, #tpu.memory_space<vmem>>
      %dma_start3A_352 = arith.constant 0 : i32
      %dma_start3A_353 = tpu.memref_slice %arg13[%add3A_346, %dma_start3A_352] : memref<28x128xi32, #tpu.memory_space<vmem>> -> memref<1x128xi32, #tpu.memory_space<vmem>>
      %dma_start3A_354 = tpu.memref_squeeze %dma_start3A_353 : memref<1x128xi32, #tpu.memory_space<vmem>> -> memref<128xi32, #tpu.memory_space<vmem>>
      %dma_start3A_355 = arith.constant 0 : i32
      %dma_start3A_356 = arith.constant 0 : i32
      %dma_start3A_357 = tpu.memref_slice %arg31[%dma_start3A_355, %dma_start3A_356] : memref<52000x16xf32, #tpu.memory_space<vmem_shared>> -> memref<52000x16xf32, #tpu.memory_space<vmem_shared>>
      tpu.enqueue_indirect_dma source(%dma_start3A_351 : memref<128x16xf32, #tpu.memory_space<vmem>>) target(%dma_start3A_357 : memref<52000x16xf32, #tpu.memory_space<vmem_shared>>) offsets(%dma_start3A_354 : memref<128xi32, #tpu.memory_space<vmem>>) semaphore(%arg24 : memref<!tpu.dma_semaphore, #tpu.memory_space<semaphore_mem>>) {add = true}
      %dma_wait3A_358 = arith.constant 0 : i32
      %dma_wait3A_359 = arith.constant 2 : i32
      %dma_wait3A_360 = arith.constant 0 : i32
      %dma_wait3A_361 = arith.constant 0 : i32
      %dma_wait3A_362 = tpu.memref_slice %arg14[%dma_wait3A_359, %dma_wait3A_360, %dma_wait3A_361] : memref<8x128x16xf32, #tpu.memory_space<vmem>> -> memref<1x128x16xf32, #tpu.memory_space<vmem>>
      %dma_wait3A_363 = tpu.memref_squeeze %dma_wait3A_362 : memref<1x128x16xf32, #tpu.memory_space<vmem>> -> memref<128x16xf32, #tpu.memory_space<vmem>>
      %dma_wait3A_364 = arith.constant 0 : i32
      %dma_wait3A_365 = tpu.memref_slice %arg12[%dma_wait3A_358, %dma_wait3A_364] : memref<28x128xi32, #tpu.memory_space<vmem>> -> memref<1x128xi32, #tpu.memory_space<vmem>>
      %dma_wait3A_366 = tpu.memref_squeeze %dma_wait3A_365 : memref<1x128xi32, #tpu.memory_space<vmem>> -> memref<128xi32, #tpu.memory_space<vmem>>
      %dma_wait3A_367 = arith.constant 0 : i32
      %dma_wait3A_368 = arith.constant 0 : i32
      %dma_wait3A_369 = tpu.memref_slice %arg7[%dma_wait3A_367, %dma_wait3A_368] : memref<10000x16xf32, #tpu.memory_space<hbm>> -> memref<10000x16xf32, #tpu.memory_space<hbm>>
      tpu.wait_indirect_dma semaphore(%arg17 : memref<!tpu.dma_semaphore, #tpu.memory_space<semaphore_mem>>) src(%dma_wait3A_369 : memref<10000x16xf32, #tpu.memory_space<hbm>>) dst(%dma_wait3A_363 : memref<128x16xf32, #tpu.memory_space<vmem>>)
      %add3A_370 = arith.constant 2 : i32
      %add3A_371 = arith.addi %mul3A_307, %add3A_370 : i32
      %dma_start3A_372 = arith.constant 2 : i32
      %dma_start3A_373 = arith.constant 0 : i32
      %dma_start3A_374 = arith.constant 0 : i32
      %dma_start3A_375 = tpu.memref_slice %arg14[%dma_start3A_372, %dma_start3A_373, %dma_start3A_374] : memref<8x128x16xf32, #tpu.memory_space<vmem>> -> memref<1x128x16xf32, #tpu.memory_space<vmem>>
      %dma_start3A_376 = tpu.memref_squeeze %dma_start3A_375 : memref<1x128x16xf32, #tpu.memory_space<vmem>> -> memref<128x16xf32, #tpu.memory_space<vmem>>
      %dma_start3A_377 = arith.constant 0 : i32
      %dma_start3A_378 = tpu.memref_slice %arg13[%add3A_371, %dma_start3A_377] : memref<28x128xi32, #tpu.memory_space<vmem>> -> memref<1x128xi32, #tpu.memory_space<vmem>>
      %dma_start3A_379 = tpu.memref_squeeze %dma_start3A_378 : memref<1x128xi32, #tpu.memory_space<vmem>> -> memref<128xi32, #tpu.memory_space<vmem>>
      %dma_start3A_380 = arith.constant 0 : i32
      %dma_start3A_381 = arith.constant 0 : i32
      %dma_start3A_382 = tpu.memref_slice %arg31[%dma_start3A_380, %dma_start3A_381] : memref<52000x16xf32, #tpu.memory_space<vmem_shared>> -> memref<52000x16xf32, #tpu.memory_space<vmem_shared>>
      tpu.enqueue_indirect_dma source(%dma_start3A_376 : memref<128x16xf32, #tpu.memory_space<vmem>>) target(%dma_start3A_382 : memref<52000x16xf32, #tpu.memory_space<vmem_shared>>) offsets(%dma_start3A_379 : memref<128xi32, #tpu.memory_space<vmem>>) semaphore(%arg25 : memref<!tpu.dma_semaphore, #tpu.memory_space<semaphore_mem>>) {add = true}
      %dma_wait3A_383 = arith.constant 0 : i32
      %dma_wait3A_384 = arith.constant 3 : i32
      %dma_wait3A_385 = arith.constant 0 : i32
      %dma_wait3A_386 = arith.constant 0 : i32
      %dma_wait3A_387 = tpu.memref_slice %arg14[%dma_wait3A_384, %dma_wait3A_385, %dma_wait3A_386] : memref<8x128x16xf32, #tpu.memory_space<vmem>> -> memref<1x128x16xf32, #tpu.memory_space<vmem>>
      %dma_wait3A_388 = tpu.memref_squeeze %dma_wait3A_387 : memref<1x128x16xf32, #tpu.memory_space<vmem>> -> memref<128x16xf32, #tpu.memory_space<vmem>>
      %dma_wait3A_389 = arith.constant 0 : i32
      %dma_wait3A_390 = tpu.memref_slice %arg12[%dma_wait3A_383, %dma_wait3A_389] : memref<28x128xi32, #tpu.memory_space<vmem>> -> memref<1x128xi32, #tpu.memory_space<vmem>>
      %dma_wait3A_391 = tpu.memref_squeeze %dma_wait3A_390 : memref<1x128xi32, #tpu.memory_space<vmem>> -> memref<128xi32, #tpu.memory_space<vmem>>
      %dma_wait3A_392 = arith.constant 0 : i32
      %dma_wait3A_393 = arith.constant 0 : i32
      %dma_wait3A_394 = tpu.memref_slice %arg7[%dma_wait3A_392, %dma_wait3A_393] : memref<10000x16xf32, #tpu.memory_space<hbm>> -> memref<10000x16xf32, #tpu.memory_space<hbm>>
      tpu.wait_indirect_dma semaphore(%arg18 : memref<!tpu.dma_semaphore, #tpu.memory_space<semaphore_mem>>) src(%dma_wait3A_394 : memref<10000x16xf32, #tpu.memory_space<hbm>>) dst(%dma_wait3A_388 : memref<128x16xf32, #tpu.memory_space<vmem>>)
      %add3A_395 = arith.constant 3 : i32
      %add3A_396 = arith.addi %mul3A_307, %add3A_395 : i32
      %dma_start3A_397 = arith.constant 3 : i32
      %dma_start3A_398 = arith.constant 0 : i32
      %dma_start3A_399 = arith.constant 0 : i32
      %dma_start3A_400 = tpu.memref_slice %arg14[%dma_start3A_397, %dma_start3A_398, %dma_start3A_399] : memref<8x128x16xf32, #tpu.memory_space<vmem>> -> memref<1x128x16xf32, #tpu.memory_space<vmem>>
      %dma_start3A_401 = tpu.memref_squeeze %dma_start3A_400 : memref<1x128x16xf32, #tpu.memory_space<vmem>> -> memref<128x16xf32, #tpu.memory_space<vmem>>
      %dma_start3A_402 = arith.constant 0 : i32
      %dma_start3A_403 = tpu.memref_slice %arg13[%add3A_396, %dma_start3A_402] : memref<28x128xi32, #tpu.memory_space<vmem>> -> memref<1x128xi32, #tpu.memory_space<vmem>>
      %dma_start3A_404 = tpu.memref_squeeze %dma_start3A_403 : memref<1x128xi32, #tpu.memory_space<vmem>> -> memref<128xi32, #tpu.memory_space<vmem>>
      %dma_start3A_405 = arith.constant 0 : i32
      %dma_start3A_406 = arith.constant 0 : i32
      %dma_start3A_407 = tpu.memref_slice %arg31[%dma_start3A_405, %dma_start3A_406] : memref<52000x16xf32, #tpu.memory_space<vmem_shared>> -> memref<52000x16xf32, #tpu.memory_space<vmem_shared>>
      tpu.enqueue_indirect_dma source(%dma_start3A_401 : memref<128x16xf32, #tpu.memory_space<vmem>>) target(%dma_start3A_407 : memref<52000x16xf32, #tpu.memory_space<vmem_shared>>) offsets(%dma_start3A_404 : memref<128xi32, #tpu.memory_space<vmem>>) semaphore(%arg26 : memref<!tpu.dma_semaphore, #tpu.memory_space<semaphore_mem>>) {add = true}
      %add3A_408 = arith.constant 4 : i32
      %add3A_409 = arith.addi %mul3A_307, %add3A_408 : i32
      %add3A_410 = arith.constant 0 : i32
      %add3A_411 = arith.addi %add3A_409, %add3A_410 : i32
      %lt3A = arith.constant 28 : i32
      %lt3A_412 = arith.cmpi slt, %add3A_411, %lt3A : i32
      %convert_element_type3A = arith.extui %lt3A_412 : i1 to i32
      %cond3A = arith.constant 0 : i32
      %cond3A_413 = arith.cmpi ne, %convert_element_type3A, %cond3A : i32
      scf.if %cond3A_413 {
        %dma_wait3A_441 = arith.constant 0 : i32
        %dma_wait3A_442 = arith.constant 0 : i32
        %dma_wait3A_443 = arith.constant 0 : i32
        %dma_wait3A_444 = arith.constant 0 : i32
        %dma_wait3A_445 = tpu.memref_slice %arg14[%dma_wait3A_441, %dma_wait3A_443, %dma_wait3A_444] : memref<8x128x16xf32, #tpu.memory_space<vmem>> -> memref<1x128x16xf32, #tpu.memory_space<vmem>>
        %dma_wait3A_446 = tpu.memref_squeeze %dma_wait3A_445 : memref<1x128x16xf32, #tpu.memory_space<vmem>> -> memref<128x16xf32, #tpu.memory_space<vmem>>
        %dma_wait3A_447 = arith.constant 0 : i32
        %dma_wait3A_448 = tpu.memref_slice %arg13[%dma_wait3A_442, %dma_wait3A_447] : memref<28x128xi32, #tpu.memory_space<vmem>> -> memref<1x128xi32, #tpu.memory_space<vmem>>
        %dma_wait3A_449 = tpu.memref_squeeze %dma_wait3A_448 : memref<1x128xi32, #tpu.memory_space<vmem>> -> memref<128xi32, #tpu.memory_space<vmem>>
        %dma_wait3A_450 = arith.constant 0 : i32
        %dma_wait3A_451 = arith.constant 0 : i32
        %dma_wait3A_452 = tpu.memref_slice %arg31[%dma_wait3A_450, %dma_wait3A_451] : memref<52000x16xf32, #tpu.memory_space<vmem_shared>> -> memref<52000x16xf32, #tpu.memory_space<vmem_shared>>
        tpu.wait_indirect_dma semaphore(%arg23 : memref<!tpu.dma_semaphore, #tpu.memory_space<semaphore_mem>>) src(%dma_wait3A_446 : memref<128x16xf32, #tpu.memory_space<vmem>>) dst(%dma_wait3A_452 : memref<52000x16xf32, #tpu.memory_space<vmem_shared>>)
        %add3A_453 = arith.constant 4 : i32
        %add3A_454 = arith.addi %mul3A_307, %add3A_453 : i32
        %add3A_455 = arith.constant 0 : i32
        %add3A_456 = arith.addi %add3A_454, %add3A_455 : i32
        %dma_start3A_457 = arith.constant 0 : i32
        %dma_start3A_458 = arith.constant 0 : i32
        %dma_start3A_459 = arith.constant 0 : i32
        %dma_start3A_460 = tpu.memref_slice %arg14[%dma_start3A_457, %dma_start3A_458, %dma_start3A_459] : memref<8x128x16xf32, #tpu.memory_space<vmem>> -> memref<1x128x16xf32, #tpu.memory_space<vmem>>
        %dma_start3A_461 = tpu.memref_squeeze %dma_start3A_460 : memref<1x128x16xf32, #tpu.memory_space<vmem>> -> memref<128x16xf32, #tpu.memory_space<vmem>>
        %dma_start3A_462 = arith.constant 0 : i32
        %dma_start3A_463 = tpu.memref_slice %arg12[%add3A_456, %dma_start3A_462] : memref<28x128xi32, #tpu.memory_space<vmem>> -> memref<1x128xi32, #tpu.memory_space<vmem>>
        %dma_start3A_464 = tpu.memref_squeeze %dma_start3A_463 : memref<1x128xi32, #tpu.memory_space<vmem>> -> memref<128xi32, #tpu.memory_space<vmem>>
        %dma_start3A_465 = arith.constant 0 : i32
        %dma_start3A_466 = arith.constant 0 : i32
        %dma_start3A_467 = tpu.memref_slice %arg7[%dma_start3A_465, %dma_start3A_466] : memref<10000x16xf32, #tpu.memory_space<hbm>> -> memref<10000x16xf32, #tpu.memory_space<hbm>>
        tpu.enqueue_indirect_dma source(%dma_start3A_467 : memref<10000x16xf32, #tpu.memory_space<hbm>>) target(%dma_start3A_461 : memref<128x16xf32, #tpu.memory_space<vmem>>) offsets(%dma_start3A_464 : memref<128xi32, #tpu.memory_space<vmem>>) semaphore(%arg15 : memref<!tpu.dma_semaphore, #tpu.memory_space<semaphore_mem>>)
      } else {
      }
      %add3A_414 = arith.constant 4 : i32
      %add3A_415 = arith.addi %mul3A_307, %add3A_414 : i32
      %add3A_416 = arith.constant 1 : i32
      %add3A_417 = arith.addi %add3A_415, %add3A_416 : i32
      %lt3A_418 = arith.constant 28 : i32
      %lt3A_419 = arith.cmpi slt, %add3A_417, %lt3A_418 : i32
      %convert_element_type3A_420 = arith.extui %lt3A_419 : i1 to i32
      %cond3A_421 = arith.constant 0 : i32
      %cond3A_422 = arith.cmpi ne, %convert_element_type3A_420, %cond3A_421 : i32
      scf.if %cond3A_422 {
        %dma_wait3A_441 = arith.constant 1 : i32
        %dma_wait3A_442 = arith.constant 0 : i32
        %dma_wait3A_443 = arith.constant 0 : i32
        %dma_wait3A_444 = arith.constant 0 : i32
        %dma_wait3A_445 = tpu.memref_slice %arg14[%dma_wait3A_441, %dma_wait3A_443, %dma_wait3A_444] : memref<8x128x16xf32, #tpu.memory_space<vmem>> -> memref<1x128x16xf32, #tpu.memory_space<vmem>>
        %dma_wait3A_446 = tpu.memref_squeeze %dma_wait3A_445 : memref<1x128x16xf32, #tpu.memory_space<vmem>> -> memref<128x16xf32, #tpu.memory_space<vmem>>
        %dma_wait3A_447 = arith.constant 0 : i32
        %dma_wait3A_448 = tpu.memref_slice %arg13[%dma_wait3A_442, %dma_wait3A_447] : memref<28x128xi32, #tpu.memory_space<vmem>> -> memref<1x128xi32, #tpu.memory_space<vmem>>
        %dma_wait3A_449 = tpu.memref_squeeze %dma_wait3A_448 : memref<1x128xi32, #tpu.memory_space<vmem>> -> memref<128xi32, #tpu.memory_space<vmem>>
        %dma_wait3A_450 = arith.constant 0 : i32
        %dma_wait3A_451 = arith.constant 0 : i32
        %dma_wait3A_452 = tpu.memref_slice %arg31[%dma_wait3A_450, %dma_wait3A_451] : memref<52000x16xf32, #tpu.memory_space<vmem_shared>> -> memref<52000x16xf32, #tpu.memory_space<vmem_shared>>
        tpu.wait_indirect_dma semaphore(%arg24 : memref<!tpu.dma_semaphore, #tpu.memory_space<semaphore_mem>>) src(%dma_wait3A_446 : memref<128x16xf32, #tpu.memory_space<vmem>>) dst(%dma_wait3A_452 : memref<52000x16xf32, #tpu.memory_space<vmem_shared>>)
        %add3A_453 = arith.constant 4 : i32
        %add3A_454 = arith.addi %mul3A_307, %add3A_453 : i32
        %add3A_455 = arith.constant 1 : i32
        %add3A_456 = arith.addi %add3A_454, %add3A_455 : i32
        %dma_start3A_457 = arith.constant 1 : i32
        %dma_start3A_458 = arith.constant 0 : i32
        %dma_start3A_459 = arith.constant 0 : i32
        %dma_start3A_460 = tpu.memref_slice %arg14[%dma_start3A_457, %dma_start3A_458, %dma_start3A_459] : memref<8x128x16xf32, #tpu.memory_space<vmem>> -> memref<1x128x16xf32, #tpu.memory_space<vmem>>
        %dma_start3A_461 = tpu.memref_squeeze %dma_start3A_460 : memref<1x128x16xf32, #tpu.memory_space<vmem>> -> memref<128x16xf32, #tpu.memory_space<vmem>>
        %dma_start3A_462 = arith.constant 0 : i32
        %dma_start3A_463 = tpu.memref_slice %arg12[%add3A_456, %dma_start3A_462] : memref<28x128xi32, #tpu.memory_space<vmem>> -> memref<1x128xi32, #tpu.memory_space<vmem>>
        %dma_start3A_464 = tpu.memref_squeeze %dma_start3A_463 : memref<1x128xi32, #tpu.memory_space<vmem>> -> memref<128xi32, #tpu.memory_space<vmem>>
        %dma_start3A_465 = arith.constant 0 : i32
        %dma_start3A_466 = arith.constant 0 : i32
        %dma_start3A_467 = tpu.memref_slice %arg7[%dma_start3A_465, %dma_start3A_466] : memref<10000x16xf32, #tpu.memory_space<hbm>> -> memref<10000x16xf32, #tpu.memory_space<hbm>>
        tpu.enqueue_indirect_dma source(%dma_start3A_467 : memref<10000x16xf32, #tpu.memory_space<hbm>>) target(%dma_start3A_461 : memref<128x16xf32, #tpu.memory_space<vmem>>) offsets(%dma_start3A_464 : memref<128xi32, #tpu.memory_space<vmem>>) semaphore(%arg16 : memref<!tpu.dma_semaphore, #tpu.memory_space<semaphore_mem>>)
      } else {
      }
      %add3A_423 = arith.constant 4 : i32
      %add3A_424 = arith.addi %mul3A_307, %add3A_423 : i32
      %add3A_425 = arith.constant 2 : i32
      %add3A_426 = arith.addi %add3A_424, %add3A_425 : i32
      %lt3A_427 = arith.constant 28 : i32
      %lt3A_428 = arith.cmpi slt, %add3A_426, %lt3A_427 : i32
      %convert_element_type3A_429 = arith.extui %lt3A_428 : i1 to i32
      %cond3A_430 = arith.constant 0 : i32
      %cond3A_431 = arith.cmpi ne, %convert_element_type3A_429, %cond3A_430 : i32
      scf.if %cond3A_431 {
        %dma_wait3A_441 = arith.constant 2 : i32
        %dma_wait3A_442 = arith.constant 0 : i32
        %dma_wait3A_443 = arith.constant 0 : i32
        %dma_wait3A_444 = arith.constant 0 : i32
        %dma_wait3A_445 = tpu.memref_slice %arg14[%dma_wait3A_441, %dma_wait3A_443, %dma_wait3A_444] : memref<8x128x16xf32, #tpu.memory_space<vmem>> -> memref<1x128x16xf32, #tpu.memory_space<vmem>>
        %dma_wait3A_446 = tpu.memref_squeeze %dma_wait3A_445 : memref<1x128x16xf32, #tpu.memory_space<vmem>> -> memref<128x16xf32, #tpu.memory_space<vmem>>
        %dma_wait3A_447 = arith.constant 0 : i32
        %dma_wait3A_448 = tpu.memref_slice %arg13[%dma_wait3A_442, %dma_wait3A_447] : memref<28x128xi32, #tpu.memory_space<vmem>> -> memref<1x128xi32, #tpu.memory_space<vmem>>
        %dma_wait3A_449 = tpu.memref_squeeze %dma_wait3A_448 : memref<1x128xi32, #tpu.memory_space<vmem>> -> memref<128xi32, #tpu.memory_space<vmem>>
        %dma_wait3A_450 = arith.constant 0 : i32
        %dma_wait3A_451 = arith.constant 0 : i32
        %dma_wait3A_452 = tpu.memref_slice %arg31[%dma_wait3A_450, %dma_wait3A_451] : memref<52000x16xf32, #tpu.memory_space<vmem_shared>> -> memref<52000x16xf32, #tpu.memory_space<vmem_shared>>
        tpu.wait_indirect_dma semaphore(%arg25 : memref<!tpu.dma_semaphore, #tpu.memory_space<semaphore_mem>>) src(%dma_wait3A_446 : memref<128x16xf32, #tpu.memory_space<vmem>>) dst(%dma_wait3A_452 : memref<52000x16xf32, #tpu.memory_space<vmem_shared>>)
        %add3A_453 = arith.constant 4 : i32
        %add3A_454 = arith.addi %mul3A_307, %add3A_453 : i32
        %add3A_455 = arith.constant 2 : i32
        %add3A_456 = arith.addi %add3A_454, %add3A_455 : i32
        %dma_start3A_457 = arith.constant 2 : i32
        %dma_start3A_458 = arith.constant 0 : i32
        %dma_start3A_459 = arith.constant 0 : i32
        %dma_start3A_460 = tpu.memref_slice %arg14[%dma_start3A_457, %dma_start3A_458, %dma_start3A_459] : memref<8x128x16xf32, #tpu.memory_space<vmem>> -> memref<1x128x16xf32, #tpu.memory_space<vmem>>
        %dma_start3A_461 = tpu.memref_squeeze %dma_start3A_460 : memref<1x128x16xf32, #tpu.memory_space<vmem>> -> memref<128x16xf32, #tpu.memory_space<vmem>>
        %dma_start3A_462 = arith.constant 0 : i32
        %dma_start3A_463 = tpu.memref_slice %arg12[%add3A_456, %dma_start3A_462] : memref<28x128xi32, #tpu.memory_space<vmem>> -> memref<1x128xi32, #tpu.memory_space<vmem>>
        %dma_start3A_464 = tpu.memref_squeeze %dma_start3A_463 : memref<1x128xi32, #tpu.memory_space<vmem>> -> memref<128xi32, #tpu.memory_space<vmem>>
        %dma_start3A_465 = arith.constant 0 : i32
        %dma_start3A_466 = arith.constant 0 : i32
        %dma_start3A_467 = tpu.memref_slice %arg7[%dma_start3A_465, %dma_start3A_466] : memref<10000x16xf32, #tpu.memory_space<hbm>> -> memref<10000x16xf32, #tpu.memory_space<hbm>>
        tpu.enqueue_indirect_dma source(%dma_start3A_467 : memref<10000x16xf32, #tpu.memory_space<hbm>>) target(%dma_start3A_461 : memref<128x16xf32, #tpu.memory_space<vmem>>) offsets(%dma_start3A_464 : memref<128xi32, #tpu.memory_space<vmem>>) semaphore(%arg17 : memref<!tpu.dma_semaphore, #tpu.memory_space<semaphore_mem>>)
      } else {
      }
      %add3A_432 = arith.constant 4 : i32
      %add3A_433 = arith.addi %mul3A_307, %add3A_432 : i32
      %add3A_434 = arith.constant 3 : i32
      %add3A_435 = arith.addi %add3A_433, %add3A_434 : i32
      %lt3A_436 = arith.constant 28 : i32
      %lt3A_437 = arith.cmpi slt, %add3A_435, %lt3A_436 : i32
      %convert_element_type3A_438 = arith.extui %lt3A_437 : i1 to i32
      %cond3A_439 = arith.constant 0 : i32
      %cond3A_440 = arith.cmpi ne, %convert_element_type3A_438, %cond3A_439 : i32
      scf.if %cond3A_440 {
        %dma_wait3A_441 = arith.constant 3 : i32
        %dma_wait3A_442 = arith.constant 0 : i32
        %dma_wait3A_443 = arith.constant 0 : i32
        %dma_wait3A_444 = arith.constant 0 : i32
        %dma_wait3A_445 = tpu.memref_slice %arg14[%dma_wait3A_441, %dma_wait3A_443, %dma_wait3A_444] : memref<8x128x16xf32, #tpu.memory_space<vmem>> -> memref<1x128x16xf32, #tpu.memory_space<vmem>>
        %dma_wait3A_446 = tpu.memref_squeeze %dma_wait3A_445 : memref<1x128x16xf32, #tpu.memory_space<vmem>> -> memref<128x16xf32, #tpu.memory_space<vmem>>
        %dma_wait3A_447 = arith.constant 0 : i32
        %dma_wait3A_448 = tpu.memref_slice %arg13[%dma_wait3A_442, %dma_wait3A_447] : memref<28x128xi32, #tpu.memory_space<vmem>> -> memref<1x128xi32, #tpu.memory_space<vmem>>
        %dma_wait3A_449 = tpu.memref_squeeze %dma_wait3A_448 : memref<1x128xi32, #tpu.memory_space<vmem>> -> memref<128xi32, #tpu.memory_space<vmem>>
        %dma_wait3A_450 = arith.constant 0 : i32
        %dma_wait3A_451 = arith.constant 0 : i32
        %dma_wait3A_452 = tpu.memref_slice %arg31[%dma_wait3A_450, %dma_wait3A_451] : memref<52000x16xf32, #tpu.memory_space<vmem_shared>> -> memref<52000x16xf32, #tpu.memory_space<vmem_shared>>
        tpu.wait_indirect_dma semaphore(%arg26 : memref<!tpu.dma_semaphore, #tpu.memory_space<semaphore_mem>>) src(%dma_wait3A_446 : memref<128x16xf32, #tpu.memory_space<vmem>>) dst(%dma_wait3A_452 : memref<52000x16xf32, #tpu.memory_space<vmem_shared>>)
        %add3A_453 = arith.constant 4 : i32
        %add3A_454 = arith.addi %mul3A_307, %add3A_453 : i32
        %add3A_455 = arith.constant 3 : i32
        %add3A_456 = arith.addi %add3A_454, %add3A_455 : i32
        %dma_start3A_457 = arith.constant 3 : i32
        %dma_start3A_458 = arith.constant 0 : i32
        %dma_start3A_459 = arith.constant 0 : i32
        %dma_start3A_460 = tpu.memref_slice %arg14[%dma_start3A_457, %dma_start3A_458, %dma_start3A_459] : memref<8x128x16xf32, #tpu.memory_space<vmem>> -> memref<1x128x16xf32, #tpu.memory_space<vmem>>
        %dma_start3A_461 = tpu.memref_squeeze %dma_start3A_460 : memref<1x128x16xf32, #tpu.memory_space<vmem>> -> memref<128x16xf32, #tpu.memory_space<vmem>>
        %dma_start3A_462 = arith.constant 0 : i32
        %dma_start3A_463 = tpu.memref_slice %arg12[%add3A_456, %dma_start3A_462] : memref<28x128xi32, #tpu.memory_space<vmem>> -> memref<1x128xi32, #tpu.memory_space<vmem>>
        %dma_start3A_464 = tpu.memref_squeeze %dma_start3A_463 : memref<1x128xi32, #tpu.memory_space<vmem>> -> memref<128xi32, #tpu.memory_space<vmem>>
        %dma_start3A_465 = arith.constant 0 : i32
        %dma_start3A_466 = arith.constant 0 : i32
        %dma_start3A_467 = tpu.memref_slice %arg7[%dma_start3A_465, %dma_start3A_466] : memref<10000x16xf32, #tpu.memory_space<hbm>> -> memref<10000x16xf32, #tpu.memory_space<hbm>>
        tpu.enqueue_indirect_dma source(%dma_start3A_467 : memref<10000x16xf32, #tpu.memory_space<hbm>>) target(%dma_start3A_461 : memref<128x16xf32, #tpu.memory_space<vmem>>) offsets(%dma_start3A_464 : memref<128xi32, #tpu.memory_space<vmem>>) semaphore(%arg18 : memref<!tpu.dma_semaphore, #tpu.memory_space<semaphore_mem>>)
      } else {
      }
    }
    %scan3A_251 = arith.constant 7 : i32
    %dma_wait3A_252 = arith.constant 0 : i32
    %dma_wait3A_253 = arith.constant 0 : i32
    %dma_wait3A_254 = arith.constant 0 : i32
    %dma_wait3A_255 = arith.constant 0 : i32
    %dma_wait3A_256 = tpu.memref_slice %arg14[%dma_wait3A_252, %dma_wait3A_254, %dma_wait3A_255] : memref<8x128x16xf32, #tpu.memory_space<vmem>> -> memref<1x128x16xf32, #tpu.memory_space<vmem>>
    %dma_wait3A_257 = tpu.memref_squeeze %dma_wait3A_256 : memref<1x128x16xf32, #tpu.memory_space<vmem>> -> memref<128x16xf32, #tpu.memory_space<vmem>>
    %dma_wait3A_258 = arith.constant 0 : i32
    %dma_wait3A_259 = tpu.memref_slice %arg13[%dma_wait3A_253, %dma_wait3A_258] : memref<28x128xi32, #tpu.memory_space<vmem>> -> memref<1x128xi32, #tpu.memory_space<vmem>>
    %dma_wait3A_260 = tpu.memref_squeeze %dma_wait3A_259 : memref<1x128xi32, #tpu.memory_space<vmem>> -> memref<128xi32, #tpu.memory_space<vmem>>
    %dma_wait3A_261 = arith.constant 0 : i32
    %dma_wait3A_262 = arith.constant 0 : i32
    %dma_wait3A_263 = tpu.memref_slice %arg31[%dma_wait3A_261, %dma_wait3A_262] : memref<52000x16xf32, #tpu.memory_space<vmem_shared>> -> memref<52000x16xf32, #tpu.memory_space<vmem_shared>>
    tpu.wait_indirect_dma semaphore(%arg23 : memref<!tpu.dma_semaphore, #tpu.memory_space<semaphore_mem>>) src(%dma_wait3A_257 : memref<128x16xf32, #tpu.memory_space<vmem>>) dst(%dma_wait3A_263 : memref<52000x16xf32, #tpu.memory_space<vmem_shared>>)
    %dma_wait3A_264 = arith.constant 1 : i32
    %dma_wait3A_265 = arith.constant 0 : i32
    %dma_wait3A_266 = arith.constant 0 : i32
    %dma_wait3A_267 = arith.constant 0 : i32
    %dma_wait3A_268 = tpu.memref_slice %arg14[%dma_wait3A_264, %dma_wait3A_266, %dma_wait3A_267] : memref<8x128x16xf32, #tpu.memory_space<vmem>> -> memref<1x128x16xf32, #tpu.memory_space<vmem>>
    %dma_wait3A_269 = tpu.memref_squeeze %dma_wait3A_268 : memref<1x128x16xf32, #tpu.memory_space<vmem>> -> memref<128x16xf32, #tpu.memory_space<vmem>>
    %dma_wait3A_270 = arith.constant 0 : i32
    %dma_wait3A_271 = tpu.memref_slice %arg13[%dma_wait3A_265, %dma_wait3A_270] : memref<28x128xi32, #tpu.memory_space<vmem>> -> memref<1x128xi32, #tpu.memory_space<vmem>>
    %dma_wait3A_272 = tpu.memref_squeeze %dma_wait3A_271 : memref<1x128xi32, #tpu.memory_space<vmem>> -> memref<128xi32, #tpu.memory_space<vmem>>
    %dma_wait3A_273 = arith.constant 0 : i32
    %dma_wait3A_274 = arith.constant 0 : i32
    %dma_wait3A_275 = tpu.memref_slice %arg31[%dma_wait3A_273, %dma_wait3A_274] : memref<52000x16xf32, #tpu.memory_space<vmem_shared>> -> memref<52000x16xf32, #tpu.memory_space<vmem_shared>>
    tpu.wait_indirect_dma semaphore(%arg24 : memref<!tpu.dma_semaphore, #tpu.memory_space<semaphore_mem>>) src(%dma_wait3A_269 : memref<128x16xf32, #tpu.memory_space<vmem>>) dst(%dma_wait3A_275 : memref<52000x16xf32, #tpu.memory_space<vmem_shared>>)
    %dma_wait3A_276 = arith.constant 2 : i32
    %dma_wait3A_277 = arith.constant 0 : i32
    %dma_wait3A_278 = arith.constant 0 : i32
    %dma_wait3A_279 = arith.constant 0 : i32
    %dma_wait3A_280 = tpu.memref_slice %arg14[%dma_wait3A_276, %dma_wait3A_278, %dma_wait3A_279] : memref<8x128x16xf32, #tpu.memory_space<vmem>> -> memref<1x128x16xf32, #tpu.memory_space<vmem>>
    %dma_wait3A_281 = tpu.memref_squeeze %dma_wait3A_280 : memref<1x128x16xf32, #tpu.memory_space<vmem>> -> memref<128x16xf32, #tpu.memory_space<vmem>>
    %dma_wait3A_282 = arith.constant 0 : i32
    %dma_wait3A_283 = tpu.memref_slice %arg13[%dma_wait3A_277, %dma_wait3A_282] : memref<28x128xi32, #tpu.memory_space<vmem>> -> memref<1x128xi32, #tpu.memory_space<vmem>>
    %dma_wait3A_284 = tpu.memref_squeeze %dma_wait3A_283 : memref<1x128xi32, #tpu.memory_space<vmem>> -> memref<128xi32, #tpu.memory_space<vmem>>
    %dma_wait3A_285 = arith.constant 0 : i32
    %dma_wait3A_286 = arith.constant 0 : i32
    %dma_wait3A_287 = tpu.memref_slice %arg31[%dma_wait3A_285, %dma_wait3A_286] : memref<52000x16xf32, #tpu.memory_space<vmem_shared>> -> memref<52000x16xf32, #tpu.memory_space<vmem_shared>>
    tpu.wait_indirect_dma semaphore(%arg25 : memref<!tpu.dma_semaphore, #tpu.memory_space<semaphore_mem>>) src(%dma_wait3A_281 : memref<128x16xf32, #tpu.memory_space<vmem>>) dst(%dma_wait3A_287 : memref<52000x16xf32, #tpu.memory_space<vmem_shared>>)
    %dma_wait3A_288 = arith.constant 3 : i32
    %dma_wait3A_289 = arith.constant 0 : i32
    %dma_wait3A_290 = arith.constant 0 : i32
    %dma_wait3A_291 = arith.constant 0 : i32
    %dma_wait3A_292 = tpu.memref_slice %arg14[%dma_wait3A_288, %dma_wait3A_290, %dma_wait3A_291] : memref<8x128x16xf32, #tpu.memory_space<vmem>> -> memref<1x128x16xf32, #tpu.memory_space<vmem>>
    %dma_wait3A_293 = tpu.memref_squeeze %dma_wait3A_292 : memref<1x128x16xf32, #tpu.memory_space<vmem>> -> memref<128x16xf32, #tpu.memory_space<vmem>>
    %dma_wait3A_294 = arith.constant 0 : i32
    %dma_wait3A_295 = tpu.memref_slice %arg13[%dma_wait3A_289, %dma_wait3A_294] : memref<28x128xi32, #tpu.memory_space<vmem>> -> memref<1x128xi32, #tpu.memory_space<vmem>>
    %dma_wait3A_296 = tpu.memref_squeeze %dma_wait3A_295 : memref<1x128xi32, #tpu.memory_space<vmem>> -> memref<128xi32, #tpu.memory_space<vmem>>
    %dma_wait3A_297 = arith.constant 0 : i32
    %dma_wait3A_298 = arith.constant 0 : i32
    %dma_wait3A_299 = tpu.memref_slice %arg31[%dma_wait3A_297, %dma_wait3A_298] : memref<52000x16xf32, #tpu.memory_space<vmem_shared>> -> memref<52000x16xf32, #tpu.memory_space<vmem_shared>>
    tpu.wait_indirect_dma semaphore(%arg26 : memref<!tpu.dma_semaphore, #tpu.memory_space<semaphore_mem>>) src(%dma_wait3A_293 : memref<128x16xf32, #tpu.memory_space<vmem>>) dst(%dma_wait3A_299 : memref<52000x16xf32, #tpu.memory_space<vmem_shared>>)
    %barrier3A_300 = arith.constant 0 : index
    tpu.barrier barrier_id(%barrier3A_300)
    %mul3A_301 = arith.constant 3250 : i32
    %mul3A_302 = arith.muli %arg1, %mul3A_301 : i32
    %mul3A_303 = arith.constant 3250 : i32
    %mul3A_304 = arith.muli %arg1, %mul3A_303 : i32
    "tpu.region"() ({
      %run_scoped3A = tpu.sem_alloc : memref<!tpu.dma_semaphore, #tpu.memory_space<semaphore_mem>>
      %dma_start3A_305 = arith.constant 0 : i32
      %dma_start3A_306 = tpu.memref_slice %arg9[%arg0, %mul3A_304, %dma_start3A_305] : memref<2x52000x16xf32, #tpu.memory_space<hbm>> -> memref<1x3250x16xf32, #tpu.memory_space<hbm>>
      %dma_start3A_307 = tpu.memref_squeeze %dma_start3A_306 : memref<1x3250x16xf32, #tpu.memory_space<hbm>> -> memref<3250x16xf32, #tpu.memory_space<hbm>>
      %dma_start3A_308 = arith.constant 0 : i32
      %dma_start3A_309 = tpu.memref_slice %arg31[%mul3A_302, %dma_start3A_308] : memref<52000x16xf32, #tpu.memory_space<vmem_shared>> -> memref<3250x16xf32, #tpu.memory_space<vmem_shared>>
      tpu.enqueue_dma source(%dma_start3A_309 : memref<3250x16xf32, #tpu.memory_space<vmem_shared>>) target(%dma_start3A_307 : memref<3250x16xf32, #tpu.memory_space<hbm>>) target_semaphore(%run_scoped3A : memref<!tpu.dma_semaphore, #tpu.memory_space<semaphore_mem>>)
      %dma_wait3A_310 = arith.constant 0 : i32
      %dma_wait3A_311 = tpu.memref_slice %arg9[%arg0, %mul3A_304, %dma_wait3A_310] : memref<2x52000x16xf32, #tpu.memory_space<hbm>> -> memref<1x3250x16xf32, #tpu.memory_space<hbm>>
      %dma_wait3A_312 = tpu.memref_squeeze %dma_wait3A_311 : memref<1x3250x16xf32, #tpu.memory_space<hbm>> -> memref<3250x16xf32, #tpu.memory_space<hbm>>
      %dma_wait3A_313 = arith.constant 0 : i32
      %dma_wait3A_314 = tpu.memref_slice %arg31[%mul3A_302, %dma_wait3A_313] : memref<52000x16xf32, #tpu.memory_space<vmem_shared>> -> memref<3250x16xf32, #tpu.memory_space<vmem_shared>>
      tpu.wait_dma2 semaphore(%run_scoped3A : memref<!tpu.dma_semaphore, #tpu.memory_space<semaphore_mem>>) src(%dma_wait3A_314 : memref<3250x16xf32, #tpu.memory_space<vmem_shared>>) dst(%dma_wait3A_312 : memref<3250x16xf32, #tpu.memory_space<hbm>>)
      tpu.yield
    }) : () -> ()
    return
  }
}

module attributes {stable_mosaic.version = 14 : i64} {
  func.func @_prep_body(%arg0: i32, %arg1: memref<2000x8xf32, #tpu.memory_space<vmem>>, %arg2: memref<400x1xf32, #tpu.memory_space<vmem>>, %arg3: memref<2000x16xf32, #tpu.memory_space<vmem>>, %arg4: memref<400x16xf32, #tpu.memory_space<vmem>>) attributes {dimension_semantics = [#tpu.dimension_semantics<arbitrary>], iteration_bounds = array<i64: 25>, scalar_prefetch = 0 : i64, scratch_operands = 0 : i64, tpu.core_type = #tpu.core_type<tc>, window_params = [{transform_indices = @transform_0, window_bounds = array<i64: 2000, 8>}, {transform_indices = @transform_1, window_bounds = array<i64: 400, 1>}, {transform_indices = @transform_2, window_bounds = array<i64: 2000, 16>}, {transform_indices = @transform_3, window_bounds = array<i64: 400, 16>}]} {
    %get3A = arith.constant 0 : index
    %get3A_0 = arith.constant 0 : index
    %get3A_1 = vector.load %arg1[%get3A, %get3A_0] : memref<2000x8xf32, #tpu.memory_space<vmem>>, vector<2000x8xf32>
    %swap3A = arith.constant 0 : index
    %swap3A_2 = arith.constant 0 : index
    %swap3A_3 = vector.load %arg3[%swap3A, %swap3A_2] : memref<2000x16xf32, #tpu.memory_space<vmem>>, vector<2000x8xf32>
    tpu.vector_store %arg3[%swap3A, %swap3A_2], %get3A_1 {strides = array<i32>} : memref<2000x16xf32, #tpu.memory_space<vmem>>, vector<2000x8xf32>,
    %broadcast_in_dim3A = arith.constant 1.000000e+00 : f32
    %broadcast_in_dim3A_4 = vector.broadcast %broadcast_in_dim3A : f32 to vector<2000x1xf32>
    %swap3A_5 = arith.constant 0 : index
    %swap3A_6 = arith.constant 8 : index
    %swap3A_7 = vector.load %arg3[%swap3A_5, %swap3A_6] : memref<2000x16xf32, #tpu.memory_space<vmem>>, vector<2000x1xf32>
    tpu.vector_store %arg3[%swap3A_5, %swap3A_6], %broadcast_in_dim3A_4 {strides = array<i32>} : memref<2000x16xf32, #tpu.memory_space<vmem>>, vector<2000x1xf32>,
    %broadcast_in_dim3A_8 = arith.constant 0.000000e+00 : f32
    %broadcast_in_dim3A_9 = vector.broadcast %broadcast_in_dim3A_8 : f32 to vector<2000x7xf32>
    %swap3A_10 = arith.constant 0 : index
    %swap3A_11 = arith.constant 9 : index
    %swap3A_12 = vector.load %arg3[%swap3A_10, %swap3A_11] : memref<2000x16xf32, #tpu.memory_space<vmem>>, vector<2000x7xf32>
    tpu.vector_store %arg3[%swap3A_10, %swap3A_11], %broadcast_in_dim3A_9 {strides = array<i32>} : memref<2000x16xf32, #tpu.memory_space<vmem>>, vector<2000x7xf32>,
    %broadcast_in_dim3A_13 = arith.constant 0.000000e+00 : f32
    %broadcast_in_dim3A_14 = vector.broadcast %broadcast_in_dim3A_13 : f32 to vector<400x9xf32>
    %swap3A_15 = arith.constant 0 : index
    %swap3A_16 = arith.constant 0 : index
    %swap3A_17 = vector.load %arg4[%swap3A_15, %swap3A_16] : memref<400x16xf32, #tpu.memory_space<vmem>>, vector<400x9xf32>
    tpu.vector_store %arg4[%swap3A_15, %swap3A_16], %broadcast_in_dim3A_14 {strides = array<i32>} : memref<400x16xf32, #tpu.memory_space<vmem>>, vector<400x9xf32>,
    %get3A_18 = arith.constant 0 : index
    %get3A_19 = arith.constant 0 : index
    %get3A_20 = vector.load %arg2[%get3A_18, %get3A_19] : memref<400x1xf32, #tpu.memory_space<vmem>>, vector<400x1xf32>
    %swap3A_21 = arith.constant 0 : index
    %swap3A_22 = arith.constant 9 : index
    %swap3A_23 = vector.load %arg4[%swap3A_21, %swap3A_22] : memref<400x16xf32, #tpu.memory_space<vmem>>, vector<400x1xf32>
    tpu.vector_store %arg4[%swap3A_21, %swap3A_22], %get3A_20 {strides = array<i32>} : memref<400x16xf32, #tpu.memory_space<vmem>>, vector<400x1xf32>,
    %broadcast_in_dim3A_24 = arith.constant 1.000000e+00 : f32
    %broadcast_in_dim3A_25 = vector.broadcast %broadcast_in_dim3A_24 : f32 to vector<400x1xf32>
    %swap3A_26 = arith.constant 0 : index
    %swap3A_27 = arith.constant 10 : index
    %swap3A_28 = vector.load %arg4[%swap3A_26, %swap3A_27] : memref<400x16xf32, #tpu.memory_space<vmem>>, vector<400x1xf32>
    tpu.vector_store %arg4[%swap3A_26, %swap3A_27], %broadcast_in_dim3A_25 {strides = array<i32>} : memref<400x16xf32, #tpu.memory_space<vmem>>, vector<400x1xf32>,
    %broadcast_in_dim3A_29 = arith.constant 0.000000e+00 : f32
    %broadcast_in_dim3A_30 = vector.broadcast %broadcast_in_dim3A_29 : f32 to vector<400x5xf32>
    %swap3A_31 = arith.constant 0 : index
    %swap3A_32 = arith.constant 11 : index
    %swap3A_33 = vector.load %arg4[%swap3A_31, %swap3A_32] : memref<400x16xf32, #tpu.memory_space<vmem>>, vector<400x5xf32>
    tpu.vector_store %arg4[%swap3A_31, %swap3A_32], %broadcast_in_dim3A_30 {strides = array<i32>} : memref<400x16xf32, #tpu.memory_space<vmem>>, vector<400x5xf32>,
    return
  }
  func.func @transform_0(%arg0: i32) -> (i32, i32) {
    %c0_i32 = arith.constant 0 : i32
    %c0_i32_0 = arith.constant 0 : i32
    return %arg0, %c0_i32 : i32, i32
  }
  func.func @transform_1(%arg0: i32) -> (i32, i32) {
    %c0_i32 = arith.constant 0 : i32
    %c0_i32_0 = arith.constant 0 : i32
    return %arg0, %c0_i32 : i32, i32
  }
  func.func @transform_2(%arg0: i32) -> (i32, i32) {
    %c0_i32 = arith.constant 0 : i32
    %c0_i32_0 = arith.constant 0 : i32
    return %arg0, %c0_i32 : i32, i32
  }
  func.func @transform_3(%arg0: i32) -> (i32, i32) {
    %c0_i32 = arith.constant 0 : i32
    %c0_i32_0 = arith.constant 0 : i32
    return %arg0, %c0_i32 : i32, i32
  }
}

module attributes {stable_mosaic.version = 14 : i64} {
  func.func @_tc_body(%arg0: i32, %arg1: memref<2000x768xf32, #tpu.memory_space<vmem>>, %arg2: memref<2x1x250x128xf32, #tpu.memory_space<vmem>>, %arg3: memref<768x128xf32, #tpu.memory_space<vmem>>, %arg4: memref<1x128xf32, #tpu.memory_space<vmem>>, %arg5: memref<128x128xf32, #tpu.memory_space<vmem>>, %arg6: memref<1x128xf32, #tpu.memory_space<vmem>>, %arg7: memref<16x128xf32, #tpu.memory_space<vmem>>, %arg8: memref<128x2xf32, #tpu.memory_space<vmem>>, %arg9: memref<8x128x2xf32, #tpu.memory_space<vmem>>, %arg10: memref<2000x2xf32, #tpu.memory_space<vmem>>) attributes {dimension_semantics = [#tpu.dimension_semantics<arbitrary>], iteration_bounds = array<i64: 25>, scalar_prefetch = 0 : i64, scratch_operands = 0 : i64, tpu.core_type = #tpu.core_type<tc>, window_params = [{transform_indices = @transform_0, window_bounds = array<i64: 2000, 768>}, {transform_indices = @transform_1, window_bounds = array<i64: 2, 1, 250, 128>}, {pipeline_mode = #tpu.pipeline_mode<synchronous>, transform_indices = @transform_2, window_bounds = array<i64: 768, 128>}, {pipeline_mode = #tpu.pipeline_mode<synchronous>, transform_indices = @transform_3, window_bounds = array<i64: 1, 128>}, {pipeline_mode = #tpu.pipeline_mode<synchronous>, transform_indices = @transform_4, window_bounds = array<i64: 128, 128>}, {pipeline_mode = #tpu.pipeline_mode<synchronous>, transform_indices = @transform_5, window_bounds = array<i64: 1, 128>}, {pipeline_mode = #tpu.pipeline_mode<synchronous>, transform_indices = @transform_6, window_bounds = array<i64: 16, 128>}, {pipeline_mode = #tpu.pipeline_mode<synchronous>, transform_indices = @transform_7, window_bounds = array<i64: 128, 2>}, {pipeline_mode = #tpu.pipeline_mode<synchronous>, transform_indices = @transform_8, window_bounds = array<i64: 8, 128, 2>}, {transform_indices = @transform_9, window_bounds = array<i64: 2000, 2>}]} {
    %get3A = arith.constant 0 : index
    %get3A_0 = arith.constant 0 : index
    %get3A_1 = vector.load %arg1[%get3A, %get3A_0] : memref<2000x768xf32, #tpu.memory_space<vmem>>, vector<2000x768xf32>
    %get3A_2 = arith.constant 0 : index
    %get3A_3 = arith.constant 0 : index
    %get3A_4 = vector.load %arg3[%get3A_2, %get3A_3] : memref<768x128xf32, #tpu.memory_space<vmem>>, vector<768x128xf32>
    %dot_general3A = arith.constant dense<0.000000e+00> : vector<2000x128xf32>
    %dot_general3A_5 = tpu.matmul %get3A_1, %get3A_4, %dot_general3A {dimension_numbers = #tpu.dot_dimension_numbers<[1], [0], [0], [1], [0, 0, 1, 1], [], []>, transpose_lhs_hint = false} : vector<2000x768xf32>, vector<768x128xf32>, vector<2000x128xf32> -> vector<2000x128xf32>
    %get3A_6 = arith.constant 0 : index
    %get3A_7 = arith.constant 0 : index
    %get3A_8 = vector.load %arg4[%get3A_6, %get3A_7] : memref<1x128xf32, #tpu.memory_space<vmem>>, vector<1x128xf32>
    %add3A = vector.broadcast %get3A_8 : vector<1x128xf32> to vector<2000x128xf32>
    %add3A_9 = arith.addf %dot_general3A_5, %add3A : vector<2000x128xf32>
    %get3A_10 = arith.constant 0 : index
    %get3A_11 = arith.constant 0 : index
    %get3A_12 = arith.constant 0 : index
    %get3A_13 = arith.constant 0 : index
    %get3A_14 = vector.load %arg2[%get3A_10, %get3A_11, %get3A_12, %get3A_13] : memref<2x1x250x128xf32, #tpu.memory_space<vmem>>, vector<1x1x250x128xf32>
    %get3A_15 = vector.shape_cast %get3A_14 : vector<1x1x250x128xf32> to vector<250x128xf32>
    %get3A_16 = arith.constant 1 : index
    %get3A_17 = arith.constant 0 : index
    %get3A_18 = arith.constant 0 : index
    %get3A_19 = arith.constant 0 : index
    %get3A_20 = vector.load %arg2[%get3A_16, %get3A_17, %get3A_18, %get3A_19] : memref<2x1x250x128xf32, #tpu.memory_space<vmem>>, vector<1x1x250x128xf32>
    %get3A_21 = vector.shape_cast %get3A_20 : vector<1x1x250x128xf32> to vector<250x128xf32>
    %add3A_22 = arith.addf %get3A_15, %get3A_21 : vector<250x128xf32>
    %iota3A = tpu.iota {dimensions = array<i32: 1>} : vector<250x16xi32>
    %slice3A = vector.extract_strided_slice %add3A_22 {offsets = [0, 0], sizes = [250, 16], strides = [1, 1]} : vector<250x128xf32> to vector<250x16xf32>
    %slice3A_23 = vector.extract_strided_slice %slice3A {offsets = [0, 8], sizes = [250, 1], strides = [1, 1]} : vector<250x16xf32> to vector<250x1xf32>
    %max3A = arith.constant 1.000000e+00 : f32
    %max3A_24 = vector.broadcast %max3A : f32 to vector<250x1xf32>
    %max3A_25 = arith.maximumf %slice3A_23, %max3A_24 : vector<250x1xf32>
    %slice3A_26 = vector.extract_strided_slice %slice3A {offsets = [0, 10], sizes = [250, 1], strides = [1, 1]} : vector<250x16xf32> to vector<250x1xf32>
    %max3A_27 = arith.constant 1.000000e+00 : f32
    %max3A_28 = vector.broadcast %max3A_27 : f32 to vector<250x1xf32>
    %max3A_29 = arith.maximumf %slice3A_26, %max3A_28 : vector<250x1xf32>
    %le3A = arith.constant 8 : i32
    %le3A_30 = vector.broadcast %le3A : i32 to vector<250x16xi32>
    %le3A_31 = arith.cmpi sle, %iota3A, %le3A_30 : vector<250x16xi32>
    %le3A_32 = arith.constant 10 : i32
    %le3A_33 = vector.broadcast %le3A_32 : i32 to vector<250x16xi32>
    %le3A_34 = arith.cmpi sle, %iota3A, %le3A_33 : vector<250x16xi32>
    %jit3A = arith.constant 1.000000e+00 : f32
    %broadcast_in_dim3A = vector.shape_cast %max3A_29 : vector<250x1xf32> to vector<250x1xf32>
    %broadcast_in_dim3A_35 = vector.broadcast %broadcast_in_dim3A : vector<250x1xf32> to vector<250x16xf32>
    %broadcast_in_dim3A_36 = vector.broadcast %jit3A : f32 to vector<250x16xf32>
    %select_n3A = arith.select %le3A_34, %broadcast_in_dim3A_35, %broadcast_in_dim3A_36 : vector<250x16xi1>, vector<250x16xf32>
    %broadcast_in_dim3A_37 = vector.shape_cast %max3A_25 : vector<250x1xf32> to vector<250x1xf32>
    %broadcast_in_dim3A_38 = vector.broadcast %broadcast_in_dim3A_37 : vector<250x1xf32> to vector<250x16xf32>
    %select_n3A_39 = arith.select %le3A_31, %broadcast_in_dim3A_38, %select_n3A : vector<250x16xi1>, vector<250x16xf32>
    %div3A = arith.divf %slice3A, %select_n3A_39 : vector<250x16xf32>
    %slice3A_40 = vector.extract_strided_slice %add3A_22 {offsets = [0, 16], sizes = [250, 16], strides = [1, 1]} : vector<250x128xf32> to vector<250x16xf32>
    %slice3A_41 = vector.extract_strided_slice %slice3A_40 {offsets = [0, 8], sizes = [250, 1], strides = [1, 1]} : vector<250x16xf32> to vector<250x1xf32>
    %max3A_42 = arith.constant 1.000000e+00 : f32
    %max3A_43 = vector.broadcast %max3A_42 : f32 to vector<250x1xf32>
    %max3A_44 = arith.maximumf %slice3A_41, %max3A_43 : vector<250x1xf32>
    %slice3A_45 = vector.extract_strided_slice %slice3A_40 {offsets = [0, 10], sizes = [250, 1], strides = [1, 1]} : vector<250x16xf32> to vector<250x1xf32>
    %max3A_46 = arith.constant 1.000000e+00 : f32
    %max3A_47 = vector.broadcast %max3A_46 : f32 to vector<250x1xf32>
    %max3A_48 = arith.maximumf %slice3A_45, %max3A_47 : vector<250x1xf32>
    %le3A_49 = arith.constant 8 : i32
    %le3A_50 = vector.broadcast %le3A_49 : i32 to vector<250x16xi32>
    %le3A_51 = arith.cmpi sle, %iota3A, %le3A_50 : vector<250x16xi32>
    %le3A_52 = arith.constant 10 : i32
    %le3A_53 = vector.broadcast %le3A_52 : i32 to vector<250x16xi32>
    %le3A_54 = arith.cmpi sle, %iota3A, %le3A_53 : vector<250x16xi32>
    %jit3A_55 = arith.constant 1.000000e+00 : f32
    %broadcast_in_dim3A_56 = vector.shape_cast %max3A_48 : vector<250x1xf32> to vector<250x1xf32>
    %broadcast_in_dim3A_57 = vector.broadcast %broadcast_in_dim3A_56 : vector<250x1xf32> to vector<250x16xf32>
    %broadcast_in_dim3A_58 = vector.broadcast %jit3A_55 : f32 to vector<250x16xf32>
    %select_n3A_59 = arith.select %le3A_54, %broadcast_in_dim3A_57, %broadcast_in_dim3A_58 : vector<250x16xi1>, vector<250x16xf32>
    %broadcast_in_dim3A_60 = vector.shape_cast %max3A_44 : vector<250x1xf32> to vector<250x1xf32>
    %broadcast_in_dim3A_61 = vector.broadcast %broadcast_in_dim3A_60 : vector<250x1xf32> to vector<250x16xf32>
    %select_n3A_62 = arith.select %le3A_51, %broadcast_in_dim3A_61, %select_n3A_59 : vector<250x16xi1>, vector<250x16xf32>
    %div3A_63 = arith.divf %slice3A_40, %select_n3A_62 : vector<250x16xf32>
    %slice3A_64 = vector.extract_strided_slice %add3A_22 {offsets = [0, 32], sizes = [250, 16], strides = [1, 1]} : vector<250x128xf32> to vector<250x16xf32>
    %slice3A_65 = vector.extract_strided_slice %slice3A_64 {offsets = [0, 8], sizes = [250, 1], strides = [1, 1]} : vector<250x16xf32> to vector<250x1xf32>
    %max3A_66 = arith.constant 1.000000e+00 : f32
    %max3A_67 = vector.broadcast %max3A_66 : f32 to vector<250x1xf32>
    %max3A_68 = arith.maximumf %slice3A_65, %max3A_67 : vector<250x1xf32>
    %slice3A_69 = vector.extract_strided_slice %slice3A_64 {offsets = [0, 10], sizes = [250, 1], strides = [1, 1]} : vector<250x16xf32> to vector<250x1xf32>
    %max3A_70 = arith.constant 1.000000e+00 : f32
    %max3A_71 = vector.broadcast %max3A_70 : f32 to vector<250x1xf32>
    %max3A_72 = arith.maximumf %slice3A_69, %max3A_71 : vector<250x1xf32>
    %le3A_73 = arith.constant 8 : i32
    %le3A_74 = vector.broadcast %le3A_73 : i32 to vector<250x16xi32>
    %le3A_75 = arith.cmpi sle, %iota3A, %le3A_74 : vector<250x16xi32>
    %le3A_76 = arith.constant 10 : i32
    %le3A_77 = vector.broadcast %le3A_76 : i32 to vector<250x16xi32>
    %le3A_78 = arith.cmpi sle, %iota3A, %le3A_77 : vector<250x16xi32>
    %jit3A_79 = arith.constant 1.000000e+00 : f32
    %broadcast_in_dim3A_80 = vector.shape_cast %max3A_72 : vector<250x1xf32> to vector<250x1xf32>
    %broadcast_in_dim3A_81 = vector.broadcast %broadcast_in_dim3A_80 : vector<250x1xf32> to vector<250x16xf32>
    %broadcast_in_dim3A_82 = vector.broadcast %jit3A_79 : f32 to vector<250x16xf32>
    %select_n3A_83 = arith.select %le3A_78, %broadcast_in_dim3A_81, %broadcast_in_dim3A_82 : vector<250x16xi1>, vector<250x16xf32>
    %broadcast_in_dim3A_84 = vector.shape_cast %max3A_68 : vector<250x1xf32> to vector<250x1xf32>
    %broadcast_in_dim3A_85 = vector.broadcast %broadcast_in_dim3A_84 : vector<250x1xf32> to vector<250x16xf32>
    %select_n3A_86 = arith.select %le3A_75, %broadcast_in_dim3A_85, %select_n3A_83 : vector<250x16xi1>, vector<250x16xf32>
    %div3A_87 = arith.divf %slice3A_64, %select_n3A_86 : vector<250x16xf32>
    %slice3A_88 = vector.extract_strided_slice %add3A_22 {offsets = [0, 48], sizes = [250, 16], strides = [1, 1]} : vector<250x128xf32> to vector<250x16xf32>
    %slice3A_89 = vector.extract_strided_slice %slice3A_88 {offsets = [0, 8], sizes = [250, 1], strides = [1, 1]} : vector<250x16xf32> to vector<250x1xf32>
    %max3A_90 = arith.constant 1.000000e+00 : f32
    %max3A_91 = vector.broadcast %max3A_90 : f32 to vector<250x1xf32>
    %max3A_92 = arith.maximumf %slice3A_89, %max3A_91 : vector<250x1xf32>
    %slice3A_93 = vector.extract_strided_slice %slice3A_88 {offsets = [0, 10], sizes = [250, 1], strides = [1, 1]} : vector<250x16xf32> to vector<250x1xf32>
    %max3A_94 = arith.constant 1.000000e+00 : f32
    %max3A_95 = vector.broadcast %max3A_94 : f32 to vector<250x1xf32>
    %max3A_96 = arith.maximumf %slice3A_93, %max3A_95 : vector<250x1xf32>
    %le3A_97 = arith.constant 8 : i32
    %le3A_98 = vector.broadcast %le3A_97 : i32 to vector<250x16xi32>
    %le3A_99 = arith.cmpi sle, %iota3A, %le3A_98 : vector<250x16xi32>
    %le3A_100 = arith.constant 10 : i32
    %le3A_101 = vector.broadcast %le3A_100 : i32 to vector<250x16xi32>
    %le3A_102 = arith.cmpi sle, %iota3A, %le3A_101 : vector<250x16xi32>
    %jit3A_103 = arith.constant 1.000000e+00 : f32
    %broadcast_in_dim3A_104 = vector.shape_cast %max3A_96 : vector<250x1xf32> to vector<250x1xf32>
    %broadcast_in_dim3A_105 = vector.broadcast %broadcast_in_dim3A_104 : vector<250x1xf32> to vector<250x16xf32>
    %broadcast_in_dim3A_106 = vector.broadcast %jit3A_103 : f32 to vector<250x16xf32>
    %select_n3A_107 = arith.select %le3A_102, %broadcast_in_dim3A_105, %broadcast_in_dim3A_106 : vector<250x16xi1>, vector<250x16xf32>
    %broadcast_in_dim3A_108 = vector.shape_cast %max3A_92 : vector<250x1xf32> to vector<250x1xf32>
    %broadcast_in_dim3A_109 = vector.broadcast %broadcast_in_dim3A_108 : vector<250x1xf32> to vector<250x16xf32>
    %select_n3A_110 = arith.select %le3A_99, %broadcast_in_dim3A_109, %select_n3A_107 : vector<250x16xi1>, vector<250x16xf32>
    %div3A_111 = arith.divf %slice3A_88, %select_n3A_110 : vector<250x16xf32>
    %slice3A_112 = vector.extract_strided_slice %add3A_22 {offsets = [0, 64], sizes = [250, 16], strides = [1, 1]} : vector<250x128xf32> to vector<250x16xf32>
    %slice3A_113 = vector.extract_strided_slice %slice3A_112 {offsets = [0, 8], sizes = [250, 1], strides = [1, 1]} : vector<250x16xf32> to vector<250x1xf32>
    %max3A_114 = arith.constant 1.000000e+00 : f32
    %max3A_115 = vector.broadcast %max3A_114 : f32 to vector<250x1xf32>
    %max3A_116 = arith.maximumf %slice3A_113, %max3A_115 : vector<250x1xf32>
    %slice3A_117 = vector.extract_strided_slice %slice3A_112 {offsets = [0, 10], sizes = [250, 1], strides = [1, 1]} : vector<250x16xf32> to vector<250x1xf32>
    %max3A_118 = arith.constant 1.000000e+00 : f32
    %max3A_119 = vector.broadcast %max3A_118 : f32 to vector<250x1xf32>
    %max3A_120 = arith.maximumf %slice3A_117, %max3A_119 : vector<250x1xf32>
    %le3A_121 = arith.constant 8 : i32
    %le3A_122 = vector.broadcast %le3A_121 : i32 to vector<250x16xi32>
    %le3A_123 = arith.cmpi sle, %iota3A, %le3A_122 : vector<250x16xi32>
    %le3A_124 = arith.constant 10 : i32
    %le3A_125 = vector.broadcast %le3A_124 : i32 to vector<250x16xi32>
    %le3A_126 = arith.cmpi sle, %iota3A, %le3A_125 : vector<250x16xi32>
    %jit3A_127 = arith.constant 1.000000e+00 : f32
    %broadcast_in_dim3A_128 = vector.shape_cast %max3A_120 : vector<250x1xf32> to vector<250x1xf32>
    %broadcast_in_dim3A_129 = vector.broadcast %broadcast_in_dim3A_128 : vector<250x1xf32> to vector<250x16xf32>
    %broadcast_in_dim3A_130 = vector.broadcast %jit3A_127 : f32 to vector<250x16xf32>
    %select_n3A_131 = arith.select %le3A_126, %broadcast_in_dim3A_129, %broadcast_in_dim3A_130 : vector<250x16xi1>, vector<250x16xf32>
    %broadcast_in_dim3A_132 = vector.shape_cast %max3A_116 : vector<250x1xf32> to vector<250x1xf32>
    %broadcast_in_dim3A_133 = vector.broadcast %broadcast_in_dim3A_132 : vector<250x1xf32> to vector<250x16xf32>
    %select_n3A_134 = arith.select %le3A_123, %broadcast_in_dim3A_133, %select_n3A_131 : vector<250x16xi1>, vector<250x16xf32>
    %div3A_135 = arith.divf %slice3A_112, %select_n3A_134 : vector<250x16xf32>
    %slice3A_136 = vector.extract_strided_slice %add3A_22 {offsets = [0, 80], sizes = [250, 16], strides = [1, 1]} : vector<250x128xf32> to vector<250x16xf32>
    %slice3A_137 = vector.extract_strided_slice %slice3A_136 {offsets = [0, 8], sizes = [250, 1], strides = [1, 1]} : vector<250x16xf32> to vector<250x1xf32>
    %max3A_138 = arith.constant 1.000000e+00 : f32
    %max3A_139 = vector.broadcast %max3A_138 : f32 to vector<250x1xf32>
    %max3A_140 = arith.maximumf %slice3A_137, %max3A_139 : vector<250x1xf32>
    %slice3A_141 = vector.extract_strided_slice %slice3A_136 {offsets = [0, 10], sizes = [250, 1], strides = [1, 1]} : vector<250x16xf32> to vector<250x1xf32>
    %max3A_142 = arith.constant 1.000000e+00 : f32
    %max3A_143 = vector.broadcast %max3A_142 : f32 to vector<250x1xf32>
    %max3A_144 = arith.maximumf %slice3A_141, %max3A_143 : vector<250x1xf32>
    %le3A_145 = arith.constant 8 : i32
    %le3A_146 = vector.broadcast %le3A_145 : i32 to vector<250x16xi32>
    %le3A_147 = arith.cmpi sle, %iota3A, %le3A_146 : vector<250x16xi32>
    %le3A_148 = arith.constant 10 : i32
    %le3A_149 = vector.broadcast %le3A_148 : i32 to vector<250x16xi32>
    %le3A_150 = arith.cmpi sle, %iota3A, %le3A_149 : vector<250x16xi32>
    %jit3A_151 = arith.constant 1.000000e+00 : f32
    %broadcast_in_dim3A_152 = vector.shape_cast %max3A_144 : vector<250x1xf32> to vector<250x1xf32>
    %broadcast_in_dim3A_153 = vector.broadcast %broadcast_in_dim3A_152 : vector<250x1xf32> to vector<250x16xf32>
    %broadcast_in_dim3A_154 = vector.broadcast %jit3A_151 : f32 to vector<250x16xf32>
    %select_n3A_155 = arith.select %le3A_150, %broadcast_in_dim3A_153, %broadcast_in_dim3A_154 : vector<250x16xi1>, vector<250x16xf32>
    %broadcast_in_dim3A_156 = vector.shape_cast %max3A_140 : vector<250x1xf32> to vector<250x1xf32>
    %broadcast_in_dim3A_157 = vector.broadcast %broadcast_in_dim3A_156 : vector<250x1xf32> to vector<250x16xf32>
    %select_n3A_158 = arith.select %le3A_147, %broadcast_in_dim3A_157, %select_n3A_155 : vector<250x16xi1>, vector<250x16xf32>
    %div3A_159 = arith.divf %slice3A_136, %select_n3A_158 : vector<250x16xf32>
    %slice3A_160 = vector.extract_strided_slice %add3A_22 {offsets = [0, 96], sizes = [250, 16], strides = [1, 1]} : vector<250x128xf32> to vector<250x16xf32>
    %slice3A_161 = vector.extract_strided_slice %slice3A_160 {offsets = [0, 8], sizes = [250, 1], strides = [1, 1]} : vector<250x16xf32> to vector<250x1xf32>
    %max3A_162 = arith.constant 1.000000e+00 : f32
    %max3A_163 = vector.broadcast %max3A_162 : f32 to vector<250x1xf32>
    %max3A_164 = arith.maximumf %slice3A_161, %max3A_163 : vector<250x1xf32>
    %slice3A_165 = vector.extract_strided_slice %slice3A_160 {offsets = [0, 10], sizes = [250, 1], strides = [1, 1]} : vector<250x16xf32> to vector<250x1xf32>
    %max3A_166 = arith.constant 1.000000e+00 : f32
    %max3A_167 = vector.broadcast %max3A_166 : f32 to vector<250x1xf32>
    %max3A_168 = arith.maximumf %slice3A_165, %max3A_167 : vector<250x1xf32>
    %le3A_169 = arith.constant 8 : i32
    %le3A_170 = vector.broadcast %le3A_169 : i32 to vector<250x16xi32>
    %le3A_171 = arith.cmpi sle, %iota3A, %le3A_170 : vector<250x16xi32>
    %le3A_172 = arith.constant 10 : i32
    %le3A_173 = vector.broadcast %le3A_172 : i32 to vector<250x16xi32>
    %le3A_174 = arith.cmpi sle, %iota3A, %le3A_173 : vector<250x16xi32>
    %jit3A_175 = arith.constant 1.000000e+00 : f32
    %broadcast_in_dim3A_176 = vector.shape_cast %max3A_168 : vector<250x1xf32> to vector<250x1xf32>
    %broadcast_in_dim3A_177 = vector.broadcast %broadcast_in_dim3A_176 : vector<250x1xf32> to vector<250x16xf32>
    %broadcast_in_dim3A_178 = vector.broadcast %jit3A_175 : f32 to vector<250x16xf32>
    %select_n3A_179 = arith.select %le3A_174, %broadcast_in_dim3A_177, %broadcast_in_dim3A_178 : vector<250x16xi1>, vector<250x16xf32>
    %broadcast_in_dim3A_180 = vector.shape_cast %max3A_164 : vector<250x1xf32> to vector<250x1xf32>
    %broadcast_in_dim3A_181 = vector.broadcast %broadcast_in_dim3A_180 : vector<250x1xf32> to vector<250x16xf32>
    %select_n3A_182 = arith.select %le3A_171, %broadcast_in_dim3A_181, %select_n3A_179 : vector<250x16xi1>, vector<250x16xf32>
    %div3A_183 = arith.divf %slice3A_160, %select_n3A_182 : vector<250x16xf32>
    %slice3A_184 = vector.extract_strided_slice %add3A_22 {offsets = [0, 112], sizes = [250, 16], strides = [1, 1]} : vector<250x128xf32> to vector<250x16xf32>
    %slice3A_185 = vector.extract_strided_slice %slice3A_184 {offsets = [0, 8], sizes = [250, 1], strides = [1, 1]} : vector<250x16xf32> to vector<250x1xf32>
    %max3A_186 = arith.constant 1.000000e+00 : f32
    %max3A_187 = vector.broadcast %max3A_186 : f32 to vector<250x1xf32>
    %max3A_188 = arith.maximumf %slice3A_185, %max3A_187 : vector<250x1xf32>
    %slice3A_189 = vector.extract_strided_slice %slice3A_184 {offsets = [0, 10], sizes = [250, 1], strides = [1, 1]} : vector<250x16xf32> to vector<250x1xf32>
    %max3A_190 = arith.constant 1.000000e+00 : f32
    %max3A_191 = vector.broadcast %max3A_190 : f32 to vector<250x1xf32>
    %max3A_192 = arith.maximumf %slice3A_189, %max3A_191 : vector<250x1xf32>
    %le3A_193 = arith.constant 8 : i32
    %le3A_194 = vector.broadcast %le3A_193 : i32 to vector<250x16xi32>
    %le3A_195 = arith.cmpi sle, %iota3A, %le3A_194 : vector<250x16xi32>
    %le3A_196 = arith.constant 10 : i32
    %le3A_197 = vector.broadcast %le3A_196 : i32 to vector<250x16xi32>
    %le3A_198 = arith.cmpi sle, %iota3A, %le3A_197 : vector<250x16xi32>
    %jit3A_199 = arith.constant 1.000000e+00 : f32
    %broadcast_in_dim3A_200 = vector.shape_cast %max3A_192 : vector<250x1xf32> to vector<250x1xf32>
    %broadcast_in_dim3A_201 = vector.broadcast %broadcast_in_dim3A_200 : vector<250x1xf32> to vector<250x16xf32>
    %broadcast_in_dim3A_202 = vector.broadcast %jit3A_199 : f32 to vector<250x16xf32>
    %select_n3A_203 = arith.select %le3A_198, %broadcast_in_dim3A_201, %broadcast_in_dim3A_202 : vector<250x16xi1>, vector<250x16xf32>
    %broadcast_in_dim3A_204 = vector.shape_cast %max3A_188 : vector<250x1xf32> to vector<250x1xf32>
    %broadcast_in_dim3A_205 = vector.broadcast %broadcast_in_dim3A_204 : vector<250x1xf32> to vector<250x16xf32>
    %select_n3A_206 = arith.select %le3A_195, %broadcast_in_dim3A_205, %select_n3A_203 : vector<250x16xi1>, vector<250x16xf32>
    %div3A_207 = arith.divf %slice3A_184, %select_n3A_206 : vector<250x16xf32>
    %stack3A = vector.shape_cast %div3A : vector<250x16xf32> to vector<250x1x16xf32>
    %stack3A_208 = vector.shape_cast %div3A_63 : vector<250x16xf32> to vector<250x1x16xf32>
    %stack3A_209 = vector.shape_cast %div3A_87 : vector<250x16xf32> to vector<250x1x16xf32>
    %stack3A_210 = vector.shape_cast %div3A_111 : vector<250x16xf32> to vector<250x1x16xf32>
    %stack3A_211 = vector.shape_cast %div3A_135 : vector<250x16xf32> to vector<250x1x16xf32>
    %stack3A_212 = vector.shape_cast %div3A_159 : vector<250x16xf32> to vector<250x1x16xf32>
    %stack3A_213 = vector.shape_cast %div3A_183 : vector<250x16xf32> to vector<250x1x16xf32>
    %stack3A_214 = vector.shape_cast %div3A_207 : vector<250x16xf32> to vector<250x1x16xf32>
    %stack3A_215 = tpu.concatenate %stack3A, %stack3A_208, %stack3A_209, %stack3A_210, %stack3A_211, %stack3A_212, %stack3A_213, %stack3A_214 in 1 : vector<250x1x16xf32>, vector<250x1x16xf32>, vector<250x1x16xf32>, vector<250x1x16xf32>, vector<250x1x16xf32>, vector<250x1x16xf32>, vector<250x1x16xf32>, vector<250x1x16xf32> -> vector<250x8x16xf32>
    %reshape3A = vector.shape_cast %stack3A_215 : vector<250x8x16xf32> to vector<2000x16xf32>
    %get3A_216 = arith.constant 0 : index
    %get3A_217 = arith.constant 0 : index
    %get3A_218 = vector.load %arg7[%get3A_216, %get3A_217] : memref<16x128xf32, #tpu.memory_space<vmem>>, vector<16x128xf32>
    %dot_general3A_219 = arith.constant dense<0.000000e+00> : vector<2000x128xf32>
    %dot_general3A_220 = tpu.matmul %reshape3A, %get3A_218, %dot_general3A_219 {dimension_numbers = #tpu.dot_dimension_numbers<[1], [0], [0], [1], [0, 0, 1, 1], [], []>, transpose_lhs_hint = false} : vector<2000x16xf32>, vector<16x128xf32>, vector<2000x128xf32> -> vector<2000x128xf32>
    %get3A_221 = arith.constant 0 : index
    %get3A_222 = arith.constant 0 : index
    %get3A_223 = vector.load %arg5[%get3A_221, %get3A_222] : memref<128x128xf32, #tpu.memory_space<vmem>>, vector<128x128xf32>
    %dot_general3A_224 = arith.constant dense<0.000000e+00> : vector<2000x128xf32>
    %dot_general3A_225 = tpu.matmul %add3A_9, %get3A_223, %dot_general3A_224 {dimension_numbers = #tpu.dot_dimension_numbers<[1], [0], [0], [1], [0, 0, 1, 1], [], []>, transpose_lhs_hint = false} : vector<2000x128xf32>, vector<128x128xf32>, vector<2000x128xf32> -> vector<2000x128xf32>
    %add3A_226 = arith.addf %dot_general3A_220, %dot_general3A_225 : vector<2000x128xf32>
    %get3A_227 = arith.constant 0 : index
    %get3A_228 = arith.constant 0 : index
    %get3A_229 = vector.load %arg6[%get3A_227, %get3A_228] : memref<1x128xf32, #tpu.memory_space<vmem>>, vector<1x128xf32>
    %add3A_230 = vector.broadcast %get3A_229 : vector<1x128xf32> to vector<2000x128xf32>
    %add3A_231 = arith.addf %add3A_226, %add3A_230 : vector<2000x128xf32>
    %mul3A = arith.constant 5.000000e-01 : f32
    %mul3A_232 = vector.broadcast %mul3A : f32 to vector<2000x128xf32>
    %mul3A_233 = arith.mulf %add3A_231, %mul3A_232 : vector<2000x128xf32>
    %gt3A = arith.constant 0.000000e+00 : f32
    %gt3A_234 = vector.broadcast %gt3A : f32 to vector<2000x128xf32>
    %gt3A_235 = arith.cmpf ogt, %mul3A_233, %gt3A_234 : vector<2000x128xf32>
    %mul3A_236 = arith.constant 2.000000e-01 : f32
    %mul3A_237 = vector.broadcast %mul3A_236 : f32 to vector<2000x128xf32>
    %mul3A_238 = arith.mulf %mul3A_237, %mul3A_233 : vector<2000x128xf32>
    %select_n3A_239 = arith.select %gt3A_235, %mul3A_233, %mul3A_238 : vector<2000x128xi1>, vector<2000x128xf32>
    %add3A_240 = arith.addf %select_n3A_239, %add3A_9 : vector<2000x128xf32>
    %neg3A = arith.constant 0.000000e+00 : f32
    %neg3A_241 = vector.broadcast %neg3A : f32 to vector<2000x128xf32>
    %neg3A_242 = arith.subf %neg3A_241, %add3A_240 : vector<2000x128xf32>
    %exp3A = math.exp %neg3A_242 : vector<2000x128xf32>
    %add3A_243 = arith.constant 1.000000e+00 : f32
    %add3A_244 = vector.broadcast %add3A_243 : f32 to vector<2000x128xf32>
    %add3A_245 = arith.addf %add3A_244, %exp3A : vector<2000x128xf32>
    %div3A_246 = arith.constant 1.000000e+00 : f32
    %div3A_247 = vector.broadcast %div3A_246 : f32 to vector<2000x128xf32>
    %div3A_248 = arith.divf %div3A_247, %add3A_245 : vector<2000x128xf32>
    %mul3A_249 = arith.mulf %add3A_240, %div3A_248 : vector<2000x128xf32>
    %get3A_250 = arith.constant 0 : index
    %get3A_251 = arith.constant 0 : index
    %get3A_252 = vector.load %arg8[%get3A_250, %get3A_251] : memref<128x2xf32, #tpu.memory_space<vmem>>, vector<128x2xf32>
    %dot_general3A_253 = arith.constant dense<0.000000e+00> : vector<2000x2xf32>
    %dot_general3A_254 = tpu.matmul %mul3A_249, %get3A_252, %dot_general3A_253 {dimension_numbers = #tpu.dot_dimension_numbers<[1], [0], [0], [1], [0, 0, 1, 1], [], []>, transpose_lhs_hint = false} : vector<2000x128xf32>, vector<128x2xf32>, vector<2000x2xf32> -> vector<2000x2xf32>
    %mul3A_255 = arith.constant 2.500000e+00 : f32
    %mul3A_256 = vector.broadcast %mul3A_255 : f32 to vector<2000x128xf32>
    %mul3A_257 = arith.mulf %add3A_240, %mul3A_256 : vector<2000x128xf32>
    %add3A_258 = arith.constant 3.500000e+00 : f32
    %add3A_259 = vector.broadcast %add3A_258 : f32 to vector<2000x128xf32>
    %add3A_260 = arith.addf %mul3A_257, %add3A_259 : vector<2000x128xf32>
    %abs3A = math.absf %add3A_260 : vector<2000x128xf32>
    %sub3A = arith.constant 2.000000e+00 : f32
    %sub3A_261 = vector.broadcast %sub3A : f32 to vector<2000x128xf32>
    %sub3A_262 = arith.subf %sub3A_261, %abs3A : vector<2000x128xf32>
    %max3A_263 = arith.constant 0.000000e+00 : f32
    %max3A_264 = vector.broadcast %max3A_263 : f32 to vector<2000x128xf32>
    %max3A_265 = arith.maximumf %sub3A_262, %max3A_264 : vector<2000x128xf32>
    %mul3A_266 = arith.mulf %max3A_265, %max3A_265 : vector<2000x128xf32>
    %mul3A_267 = arith.mulf %mul3A_266, %max3A_265 : vector<2000x128xf32>
    %mul3A_268 = arith.constant 0.166666672 : f32
    %mul3A_269 = vector.broadcast %mul3A_268 : f32 to vector<2000x128xf32>
    %mul3A_270 = arith.mulf %mul3A_267, %mul3A_269 : vector<2000x128xf32>
    %mul3A_271 = arith.constant -5.000000e-01 : f32
    %mul3A_272 = vector.broadcast %mul3A_271 : f32 to vector<2000x128xf32>
    %mul3A_273 = arith.mulf %mul3A_272, %max3A_265 : vector<2000x128xf32>
    %add3A_274 = arith.constant 2.000000e+00 : f32
    %add3A_275 = vector.broadcast %add3A_274 : f32 to vector<2000x128xf32>
    %add3A_276 = arith.addf %mul3A_273, %add3A_275 : vector<2000x128xf32>
    %mul3A_277 = arith.mulf %add3A_276, %max3A_265 : vector<2000x128xf32>
    %sub3A_278 = arith.constant 2.000000e+00 : f32
    %sub3A_279 = vector.broadcast %sub3A_278 : f32 to vector<2000x128xf32>
    %sub3A_280 = arith.subf %mul3A_277, %sub3A_279 : vector<2000x128xf32>
    %mul3A_281 = arith.mulf %sub3A_280, %max3A_265 : vector<2000x128xf32>
    %add3A_282 = arith.constant 0.666666686 : f32
    %add3A_283 = vector.broadcast %add3A_282 : f32 to vector<2000x128xf32>
    %add3A_284 = arith.addf %mul3A_281, %add3A_283 : vector<2000x128xf32>
    %lt3A = arith.constant 1.000000e+00 : f32
    %lt3A_285 = vector.broadcast %lt3A : f32 to vector<2000x128xf32>
    %lt3A_286 = arith.cmpf olt, %max3A_265, %lt3A_285 : vector<2000x128xf32>
    %select_n3A_287 = arith.select %lt3A_286, %mul3A_270, %add3A_284 : vector<2000x128xi1>, vector<2000x128xf32>
    %get3A_288 = arith.constant 0 : index
    %get3A_289 = arith.constant 0 : index
    %get3A_290 = arith.constant 0 : index
    %get3A_291 = vector.load %arg9[%get3A_288, %get3A_289, %get3A_290] : memref<8x128x2xf32, #tpu.memory_space<vmem>>, vector<1x128x2xf32>
    %get3A_292 = vector.shape_cast %get3A_291 : vector<1x128x2xf32> to vector<128x2xf32>
    %dot_general3A_293 = arith.constant dense<0.000000e+00> : vector<2000x2xf32>
    %dot_general3A_294 = tpu.matmul %select_n3A_287, %get3A_292, %dot_general3A_293 {dimension_numbers = #tpu.dot_dimension_numbers<[1], [0], [0], [1], [0, 0, 1, 1], [], []>, transpose_lhs_hint = false} : vector<2000x128xf32>, vector<128x2xf32>, vector<2000x2xf32> -> vector<2000x2xf32>
    %add3A_295 = arith.addf %dot_general3A_254, %dot_general3A_294 : vector<2000x2xf32>
    %add3A_296 = arith.constant 2.500000e+00 : f32
    %add3A_297 = vector.broadcast %add3A_296 : f32 to vector<2000x128xf32>
    %add3A_298 = arith.addf %mul3A_257, %add3A_297 : vector<2000x128xf32>
    %abs3A_299 = math.absf %add3A_298 : vector<2000x128xf32>
    %sub3A_300 = arith.constant 2.000000e+00 : f32
    %sub3A_301 = vector.broadcast %sub3A_300 : f32 to vector<2000x128xf32>
    %sub3A_302 = arith.subf %sub3A_301, %abs3A_299 : vector<2000x128xf32>
    %max3A_303 = arith.constant 0.000000e+00 : f32
    %max3A_304 = vector.broadcast %max3A_303 : f32 to vector<2000x128xf32>
    %max3A_305 = arith.maximumf %sub3A_302, %max3A_304 : vector<2000x128xf32>
    %mul3A_306 = arith.mulf %max3A_305, %max3A_305 : vector<2000x128xf32>
    %mul3A_307 = arith.mulf %mul3A_306, %max3A_305 : vector<2000x128xf32>
    %mul3A_308 = arith.constant 0.166666672 : f32
    %mul3A_309 = vector.broadcast %mul3A_308 : f32 to vector<2000x128xf32>
    %mul3A_310 = arith.mulf %mul3A_307, %mul3A_309 : vector<2000x128xf32>
    %mul3A_311 = arith.constant -5.000000e-01 : f32
    %mul3A_312 = vector.broadcast %mul3A_311 : f32 to vector<2000x128xf32>
    %mul3A_313 = arith.mulf %mul3A_312, %max3A_305 : vector<2000x128xf32>
    %add3A_314 = arith.constant 2.000000e+00 : f32
    %add3A_315 = vector.broadcast %add3A_314 : f32 to vector<2000x128xf32>
    %add3A_316 = arith.addf %mul3A_313, %add3A_315 : vector<2000x128xf32>
    %mul3A_317 = arith.mulf %add3A_316, %max3A_305 : vector<2000x128xf32>
    %sub3A_318 = arith.constant 2.000000e+00 : f32
    %sub3A_319 = vector.broadcast %sub3A_318 : f32 to vector<2000x128xf32>
    %sub3A_320 = arith.subf %mul3A_317, %sub3A_319 : vector<2000x128xf32>
    %mul3A_321 = arith.mulf %sub3A_320, %max3A_305 : vector<2000x128xf32>
    %add3A_322 = arith.constant 0.666666686 : f32
    %add3A_323 = vector.broadcast %add3A_322 : f32 to vector<2000x128xf32>
    %add3A_324 = arith.addf %mul3A_321, %add3A_323 : vector<2000x128xf32>
    %lt3A_325 = arith.constant 1.000000e+00 : f32
    %lt3A_326 = vector.broadcast %lt3A_325 : f32 to vector<2000x128xf32>
    %lt3A_327 = arith.cmpf olt, %max3A_305, %lt3A_326 : vector<2000x128xf32>
    %select_n3A_328 = arith.select %lt3A_327, %mul3A_310, %add3A_324 : vector<2000x128xi1>, vector<2000x128xf32>
    %get3A_329 = arith.constant 1 : index
    %get3A_330 = arith.constant 0 : index
    %get3A_331 = arith.constant 0 : index
    %get3A_332 = vector.load %arg9[%get3A_329, %get3A_330, %get3A_331] : memref<8x128x2xf32, #tpu.memory_space<vmem>>, vector<1x128x2xf32>
    %get3A_333 = vector.shape_cast %get3A_332 : vector<1x128x2xf32> to vector<128x2xf32>
    %dot_general3A_334 = arith.constant dense<0.000000e+00> : vector<2000x2xf32>
    %dot_general3A_335 = tpu.matmul %select_n3A_328, %get3A_333, %dot_general3A_334 {dimension_numbers = #tpu.dot_dimension_numbers<[1], [0], [0], [1], [0, 0, 1, 1], [], []>, transpose_lhs_hint = false} : vector<2000x128xf32>, vector<128x2xf32>, vector<2000x2xf32> -> vector<2000x2xf32>
    %add3A_336 = arith.addf %add3A_295, %dot_general3A_335 : vector<2000x2xf32>
    %add3A_337 = arith.constant 1.500000e+00 : f32
    %add3A_338 = vector.broadcast %add3A_337 : f32 to vector<2000x128xf32>
    %add3A_339 = arith.addf %mul3A_257, %add3A_338 : vector<2000x128xf32>
    %abs3A_340 = math.absf %add3A_339 : vector<2000x128xf32>
    %sub3A_341 = arith.constant 2.000000e+00 : f32
    %sub3A_342 = vector.broadcast %sub3A_341 : f32 to vector<2000x128xf32>
    %sub3A_343 = arith.subf %sub3A_342, %abs3A_340 : vector<2000x128xf32>
    %max3A_344 = arith.constant 0.000000e+00 : f32
    %max3A_345 = vector.broadcast %max3A_344 : f32 to vector<2000x128xf32>
    %max3A_346 = arith.maximumf %sub3A_343, %max3A_345 : vector<2000x128xf32>
    %mul3A_347 = arith.mulf %max3A_346, %max3A_346 : vector<2000x128xf32>
    %mul3A_348 = arith.mulf %mul3A_347, %max3A_346 : vector<2000x128xf32>
    %mul3A_349 = arith.constant 0.166666672 : f32
    %mul3A_350 = vector.broadcast %mul3A_349 : f32 to vector<2000x128xf32>
    %mul3A_351 = arith.mulf %mul3A_348, %mul3A_350 : vector<2000x128xf32>
    %mul3A_352 = arith.constant -5.000000e-01 : f32
    %mul3A_353 = vector.broadcast %mul3A_352 : f32 to vector<2000x128xf32>
    %mul3A_354 = arith.mulf %mul3A_353, %max3A_346 : vector<2000x128xf32>
    %add3A_355 = arith.constant 2.000000e+00 : f32
    %add3A_356 = vector.broadcast %add3A_355 : f32 to vector<2000x128xf32>
    %add3A_357 = arith.addf %mul3A_354, %add3A_356 : vector<2000x128xf32>
    %mul3A_358 = arith.mulf %add3A_357, %max3A_346 : vector<2000x128xf32>
    %sub3A_359 = arith.constant 2.000000e+00 : f32
    %sub3A_360 = vector.broadcast %sub3A_359 : f32 to vector<2000x128xf32>
    %sub3A_361 = arith.subf %mul3A_358, %sub3A_360 : vector<2000x128xf32>
    %mul3A_362 = arith.mulf %sub3A_361, %max3A_346 : vector<2000x128xf32>
    %add3A_363 = arith.constant 0.666666686 : f32
    %add3A_364 = vector.broadcast %add3A_363 : f32 to vector<2000x128xf32>
    %add3A_365 = arith.addf %mul3A_362, %add3A_364 : vector<2000x128xf32>
    %lt3A_366 = arith.constant 1.000000e+00 : f32
    %lt3A_367 = vector.broadcast %lt3A_366 : f32 to vector<2000x128xf32>
    %lt3A_368 = arith.cmpf olt, %max3A_346, %lt3A_367 : vector<2000x128xf32>
    %select_n3A_369 = arith.select %lt3A_368, %mul3A_351, %add3A_365 : vector<2000x128xi1>, vector<2000x128xf32>
    %get3A_370 = arith.constant 2 : index
    %get3A_371 = arith.constant 0 : index
    %get3A_372 = arith.constant 0 : index
    %get3A_373 = vector.load %arg9[%get3A_370, %get3A_371, %get3A_372] : memref<8x128x2xf32, #tpu.memory_space<vmem>>, vector<1x128x2xf32>
    %get3A_374 = vector.shape_cast %get3A_373 : vector<1x128x2xf32> to vector<128x2xf32>
    %dot_general3A_375 = arith.constant dense<0.000000e+00> : vector<2000x2xf32>
    %dot_general3A_376 = tpu.matmul %select_n3A_369, %get3A_374, %dot_general3A_375 {dimension_numbers = #tpu.dot_dimension_numbers<[1], [0], [0], [1], [0, 0, 1, 1], [], []>, transpose_lhs_hint = false} : vector<2000x128xf32>, vector<128x2xf32>, vector<2000x2xf32> -> vector<2000x2xf32>
    %add3A_377 = arith.addf %add3A_336, %dot_general3A_376 : vector<2000x2xf32>
    %add3A_378 = arith.constant 5.000000e-01 : f32
    %add3A_379 = vector.broadcast %add3A_378 : f32 to vector<2000x128xf32>
    %add3A_380 = arith.addf %mul3A_257, %add3A_379 : vector<2000x128xf32>
    %abs3A_381 = math.absf %add3A_380 : vector<2000x128xf32>
    %sub3A_382 = arith.constant 2.000000e+00 : f32
    %sub3A_383 = vector.broadcast %sub3A_382 : f32 to vector<2000x128xf32>
    %sub3A_384 = arith.subf %sub3A_383, %abs3A_381 : vector<2000x128xf32>
    %max3A_385 = arith.constant 0.000000e+00 : f32
    %max3A_386 = vector.broadcast %max3A_385 : f32 to vector<2000x128xf32>
    %max3A_387 = arith.maximumf %sub3A_384, %max3A_386 : vector<2000x128xf32>
    %mul3A_388 = arith.mulf %max3A_387, %max3A_387 : vector<2000x128xf32>
    %mul3A_389 = arith.mulf %mul3A_388, %max3A_387 : vector<2000x128xf32>
    %mul3A_390 = arith.constant 0.166666672 : f32
    %mul3A_391 = vector.broadcast %mul3A_390 : f32 to vector<2000x128xf32>
    %mul3A_392 = arith.mulf %mul3A_389, %mul3A_391 : vector<2000x128xf32>
    %mul3A_393 = arith.constant -5.000000e-01 : f32
    %mul3A_394 = vector.broadcast %mul3A_393 : f32 to vector<2000x128xf32>
    %mul3A_395 = arith.mulf %mul3A_394, %max3A_387 : vector<2000x128xf32>
    %add3A_396 = arith.constant 2.000000e+00 : f32
    %add3A_397 = vector.broadcast %add3A_396 : f32 to vector<2000x128xf32>
    %add3A_398 = arith.addf %mul3A_395, %add3A_397 : vector<2000x128xf32>
    %mul3A_399 = arith.mulf %add3A_398, %max3A_387 : vector<2000x128xf32>
    %sub3A_400 = arith.constant 2.000000e+00 : f32
    %sub3A_401 = vector.broadcast %sub3A_400 : f32 to vector<2000x128xf32>
    %sub3A_402 = arith.subf %mul3A_399, %sub3A_401 : vector<2000x128xf32>
    %mul3A_403 = arith.mulf %sub3A_402, %max3A_387 : vector<2000x128xf32>
    %add3A_404 = arith.constant 0.666666686 : f32
    %add3A_405 = vector.broadcast %add3A_404 : f32 to vector<2000x128xf32>
    %add3A_406 = arith.addf %mul3A_403, %add3A_405 : vector<2000x128xf32>
    %lt3A_407 = arith.constant 1.000000e+00 : f32
    %lt3A_408 = vector.broadcast %lt3A_407 : f32 to vector<2000x128xf32>
    %lt3A_409 = arith.cmpf olt, %max3A_387, %lt3A_408 : vector<2000x128xf32>
    %select_n3A_410 = arith.select %lt3A_409, %mul3A_392, %add3A_406 : vector<2000x128xi1>, vector<2000x128xf32>
    %get3A_411 = arith.constant 3 : index
    %get3A_412 = arith.constant 0 : index
    %get3A_413 = arith.constant 0 : index
    %get3A_414 = vector.load %arg9[%get3A_411, %get3A_412, %get3A_413] : memref<8x128x2xf32, #tpu.memory_space<vmem>>, vector<1x128x2xf32>
    %get3A_415 = vector.shape_cast %get3A_414 : vector<1x128x2xf32> to vector<128x2xf32>
    %dot_general3A_416 = arith.constant dense<0.000000e+00> : vector<2000x2xf32>
    %dot_general3A_417 = tpu.matmul %select_n3A_410, %get3A_415, %dot_general3A_416 {dimension_numbers = #tpu.dot_dimension_numbers<[1], [0], [0], [1], [0, 0, 1, 1], [], []>, transpose_lhs_hint = false} : vector<2000x128xf32>, vector<128x2xf32>, vector<2000x2xf32> -> vector<2000x2xf32>
    %add3A_418 = arith.addf %add3A_377, %dot_general3A_417 : vector<2000x2xf32>
    %add3A_419 = arith.constant -5.000000e-01 : f32
    %add3A_420 = vector.broadcast %add3A_419 : f32 to vector<2000x128xf32>
    %add3A_421 = arith.addf %mul3A_257, %add3A_420 : vector<2000x128xf32>
    %abs3A_422 = math.absf %add3A_421 : vector<2000x128xf32>
    %sub3A_423 = arith.constant 2.000000e+00 : f32
    %sub3A_424 = vector.broadcast %sub3A_423 : f32 to vector<2000x128xf32>
    %sub3A_425 = arith.subf %sub3A_424, %abs3A_422 : vector<2000x128xf32>
    %max3A_426 = arith.constant 0.000000e+00 : f32
    %max3A_427 = vector.broadcast %max3A_426 : f32 to vector<2000x128xf32>
    %max3A_428 = arith.maximumf %sub3A_425, %max3A_427 : vector<2000x128xf32>
    %mul3A_429 = arith.mulf %max3A_428, %max3A_428 : vector<2000x128xf32>
    %mul3A_430 = arith.mulf %mul3A_429, %max3A_428 : vector<2000x128xf32>
    %mul3A_431 = arith.constant 0.166666672 : f32
    %mul3A_432 = vector.broadcast %mul3A_431 : f32 to vector<2000x128xf32>
    %mul3A_433 = arith.mulf %mul3A_430, %mul3A_432 : vector<2000x128xf32>
    %mul3A_434 = arith.constant -5.000000e-01 : f32
    %mul3A_435 = vector.broadcast %mul3A_434 : f32 to vector<2000x128xf32>
    %mul3A_436 = arith.mulf %mul3A_435, %max3A_428 : vector<2000x128xf32>
    %add3A_437 = arith.constant 2.000000e+00 : f32
    %add3A_438 = vector.broadcast %add3A_437 : f32 to vector<2000x128xf32>
    %add3A_439 = arith.addf %mul3A_436, %add3A_438 : vector<2000x128xf32>
    %mul3A_440 = arith.mulf %add3A_439, %max3A_428 : vector<2000x128xf32>
    %sub3A_441 = arith.constant 2.000000e+00 : f32
    %sub3A_442 = vector.broadcast %sub3A_441 : f32 to vector<2000x128xf32>
    %sub3A_443 = arith.subf %mul3A_440, %sub3A_442 : vector<2000x128xf32>
    %mul3A_444 = arith.mulf %sub3A_443, %max3A_428 : vector<2000x128xf32>
    %add3A_445 = arith.constant 0.666666686 : f32
    %add3A_446 = vector.broadcast %add3A_445 : f32 to vector<2000x128xf32>
    %add3A_447 = arith.addf %mul3A_444, %add3A_446 : vector<2000x128xf32>
    %lt3A_448 = arith.constant 1.000000e+00 : f32
    %lt3A_449 = vector.broadcast %lt3A_448 : f32 to vector<2000x128xf32>
    %lt3A_450 = arith.cmpf olt, %max3A_428, %lt3A_449 : vector<2000x128xf32>
    %select_n3A_451 = arith.select %lt3A_450, %mul3A_433, %add3A_447 : vector<2000x128xi1>, vector<2000x128xf32>
    %get3A_452 = arith.constant 4 : index
    %get3A_453 = arith.constant 0 : index
    %get3A_454 = arith.constant 0 : index
    %get3A_455 = vector.load %arg9[%get3A_452, %get3A_453, %get3A_454] : memref<8x128x2xf32, #tpu.memory_space<vmem>>, vector<1x128x2xf32>
    %get3A_456 = vector.shape_cast %get3A_455 : vector<1x128x2xf32> to vector<128x2xf32>
    %dot_general3A_457 = arith.constant dense<0.000000e+00> : vector<2000x2xf32>
    %dot_general3A_458 = tpu.matmul %select_n3A_451, %get3A_456, %dot_general3A_457 {dimension_numbers = #tpu.dot_dimension_numbers<[1], [0], [0], [1], [0, 0, 1, 1], [], []>, transpose_lhs_hint = false} : vector<2000x128xf32>, vector<128x2xf32>, vector<2000x2xf32> -> vector<2000x2xf32>
    %add3A_459 = arith.addf %add3A_418, %dot_general3A_458 : vector<2000x2xf32>
    %add3A_460 = arith.constant -1.500000e+00 : f32
    %add3A_461 = vector.broadcast %add3A_460 : f32 to vector<2000x128xf32>
    %add3A_462 = arith.addf %mul3A_257, %add3A_461 : vector<2000x128xf32>
    %abs3A_463 = math.absf %add3A_462 : vector<2000x128xf32>
    %sub3A_464 = arith.constant 2.000000e+00 : f32
    %sub3A_465 = vector.broadcast %sub3A_464 : f32 to vector<2000x128xf32>
    %sub3A_466 = arith.subf %sub3A_465, %abs3A_463 : vector<2000x128xf32>
    %max3A_467 = arith.constant 0.000000e+00 : f32
    %max3A_468 = vector.broadcast %max3A_467 : f32 to vector<2000x128xf32>
    %max3A_469 = arith.maximumf %sub3A_466, %max3A_468 : vector<2000x128xf32>
    %mul3A_470 = arith.mulf %max3A_469, %max3A_469 : vector<2000x128xf32>
    %mul3A_471 = arith.mulf %mul3A_470, %max3A_469 : vector<2000x128xf32>
    %mul3A_472 = arith.constant 0.166666672 : f32
    %mul3A_473 = vector.broadcast %mul3A_472 : f32 to vector<2000x128xf32>
    %mul3A_474 = arith.mulf %mul3A_471, %mul3A_473 : vector<2000x128xf32>
    %mul3A_475 = arith.constant -5.000000e-01 : f32
    %mul3A_476 = vector.broadcast %mul3A_475 : f32 to vector<2000x128xf32>
    %mul3A_477 = arith.mulf %mul3A_476, %max3A_469 : vector<2000x128xf32>
    %add3A_478 = arith.constant 2.000000e+00 : f32
    %add3A_479 = vector.broadcast %add3A_478 : f32 to vector<2000x128xf32>
    %add3A_480 = arith.addf %mul3A_477, %add3A_479 : vector<2000x128xf32>
    %mul3A_481 = arith.mulf %add3A_480, %max3A_469 : vector<2000x128xf32>
    %sub3A_482 = arith.constant 2.000000e+00 : f32
    %sub3A_483 = vector.broadcast %sub3A_482 : f32 to vector<2000x128xf32>
    %sub3A_484 = arith.subf %mul3A_481, %sub3A_483 : vector<2000x128xf32>
    %mul3A_485 = arith.mulf %sub3A_484, %max3A_469 : vector<2000x128xf32>
    %add3A_486 = arith.constant 0.666666686 : f32
    %add3A_487 = vector.broadcast %add3A_486 : f32 to vector<2000x128xf32>
    %add3A_488 = arith.addf %mul3A_485, %add3A_487 : vector<2000x128xf32>
    %lt3A_489 = arith.constant 1.000000e+00 : f32
    %lt3A_490 = vector.broadcast %lt3A_489 : f32 to vector<2000x128xf32>
    %lt3A_491 = arith.cmpf olt, %max3A_469, %lt3A_490 : vector<2000x128xf32>
    %select_n3A_492 = arith.select %lt3A_491, %mul3A_474, %add3A_488 : vector<2000x128xi1>, vector<2000x128xf32>
    %get3A_493 = arith.constant 5 : index
    %get3A_494 = arith.constant 0 : index
    %get3A_495 = arith.constant 0 : index
    %get3A_496 = vector.load %arg9[%get3A_493, %get3A_494, %get3A_495] : memref<8x128x2xf32, #tpu.memory_space<vmem>>, vector<1x128x2xf32>
    %get3A_497 = vector.shape_cast %get3A_496 : vector<1x128x2xf32> to vector<128x2xf32>
    %dot_general3A_498 = arith.constant dense<0.000000e+00> : vector<2000x2xf32>
    %dot_general3A_499 = tpu.matmul %select_n3A_492, %get3A_497, %dot_general3A_498 {dimension_numbers = #tpu.dot_dimension_numbers<[1], [0], [0], [1], [0, 0, 1, 1], [], []>, transpose_lhs_hint = false} : vector<2000x128xf32>, vector<128x2xf32>, vector<2000x2xf32> -> vector<2000x2xf32>
    %add3A_500 = arith.addf %add3A_459, %dot_general3A_499 : vector<2000x2xf32>
    %add3A_501 = arith.constant -2.500000e+00 : f32
    %add3A_502 = vector.broadcast %add3A_501 : f32 to vector<2000x128xf32>
    %add3A_503 = arith.addf %mul3A_257, %add3A_502 : vector<2000x128xf32>
    %abs3A_504 = math.absf %add3A_503 : vector<2000x128xf32>
    %sub3A_505 = arith.constant 2.000000e+00 : f32
    %sub3A_506 = vector.broadcast %sub3A_505 : f32 to vector<2000x128xf32>
    %sub3A_507 = arith.subf %sub3A_506, %abs3A_504 : vector<2000x128xf32>
    %max3A_508 = arith.constant 0.000000e+00 : f32
    %max3A_509 = vector.broadcast %max3A_508 : f32 to vector<2000x128xf32>
    %max3A_510 = arith.maximumf %sub3A_507, %max3A_509 : vector<2000x128xf32>
    %mul3A_511 = arith.mulf %max3A_510, %max3A_510 : vector<2000x128xf32>
    %mul3A_512 = arith.mulf %mul3A_511, %max3A_510 : vector<2000x128xf32>
    %mul3A_513 = arith.constant 0.166666672 : f32
    %mul3A_514 = vector.broadcast %mul3A_513 : f32 to vector<2000x128xf32>
    %mul3A_515 = arith.mulf %mul3A_512, %mul3A_514 : vector<2000x128xf32>
    %mul3A_516 = arith.constant -5.000000e-01 : f32
    %mul3A_517 = vector.broadcast %mul3A_516 : f32 to vector<2000x128xf32>
    %mul3A_518 = arith.mulf %mul3A_517, %max3A_510 : vector<2000x128xf32>
    %add3A_519 = arith.constant 2.000000e+00 : f32
    %add3A_520 = vector.broadcast %add3A_519 : f32 to vector<2000x128xf32>
    %add3A_521 = arith.addf %mul3A_518, %add3A_520 : vector<2000x128xf32>
    %mul3A_522 = arith.mulf %add3A_521, %max3A_510 : vector<2000x128xf32>
    %sub3A_523 = arith.constant 2.000000e+00 : f32
    %sub3A_524 = vector.broadcast %sub3A_523 : f32 to vector<2000x128xf32>
    %sub3A_525 = arith.subf %mul3A_522, %sub3A_524 : vector<2000x128xf32>
    %mul3A_526 = arith.mulf %sub3A_525, %max3A_510 : vector<2000x128xf32>
    %add3A_527 = arith.constant 0.666666686 : f32
    %add3A_528 = vector.broadcast %add3A_527 : f32 to vector<2000x128xf32>
    %add3A_529 = arith.addf %mul3A_526, %add3A_528 : vector<2000x128xf32>
    %lt3A_530 = arith.constant 1.000000e+00 : f32
    %lt3A_531 = vector.broadcast %lt3A_530 : f32 to vector<2000x128xf32>
    %lt3A_532 = arith.cmpf olt, %max3A_510, %lt3A_531 : vector<2000x128xf32>
    %select_n3A_533 = arith.select %lt3A_532, %mul3A_515, %add3A_529 : vector<2000x128xi1>, vector<2000x128xf32>
    %get3A_534 = arith.constant 6 : index
    %get3A_535 = arith.constant 0 : index
    %get3A_536 = arith.constant 0 : index
    %get3A_537 = vector.load %arg9[%get3A_534, %get3A_535, %get3A_536] : memref<8x128x2xf32, #tpu.memory_space<vmem>>, vector<1x128x2xf32>
    %get3A_538 = vector.shape_cast %get3A_537 : vector<1x128x2xf32> to vector<128x2xf32>
    %dot_general3A_539 = arith.constant dense<0.000000e+00> : vector<2000x2xf32>
    %dot_general3A_540 = tpu.matmul %select_n3A_533, %get3A_538, %dot_general3A_539 {dimension_numbers = #tpu.dot_dimension_numbers<[1], [0], [0], [1], [0, 0, 1, 1], [], []>, transpose_lhs_hint = false} : vector<2000x128xf32>, vector<128x2xf32>, vector<2000x2xf32> -> vector<2000x2xf32>
    %add3A_541 = arith.addf %add3A_500, %dot_general3A_540 : vector<2000x2xf32>
    %add3A_542 = arith.constant -3.500000e+00 : f32
    %add3A_543 = vector.broadcast %add3A_542 : f32 to vector<2000x128xf32>
    %add3A_544 = arith.addf %mul3A_257, %add3A_543 : vector<2000x128xf32>
    %abs3A_545 = math.absf %add3A_544 : vector<2000x128xf32>
    %sub3A_546 = arith.constant 2.000000e+00 : f32
    %sub3A_547 = vector.broadcast %sub3A_546 : f32 to vector<2000x128xf32>
    %sub3A_548 = arith.subf %sub3A_547, %abs3A_545 : vector<2000x128xf32>
    %max3A_549 = arith.constant 0.000000e+00 : f32
    %max3A_550 = vector.broadcast %max3A_549 : f32 to vector<2000x128xf32>
    %max3A_551 = arith.maximumf %sub3A_548, %max3A_550 : vector<2000x128xf32>
    %mul3A_552 = arith.mulf %max3A_551, %max3A_551 : vector<2000x128xf32>
    %mul3A_553 = arith.mulf %mul3A_552, %max3A_551 : vector<2000x128xf32>
    %mul3A_554 = arith.constant 0.166666672 : f32
    %mul3A_555 = vector.broadcast %mul3A_554 : f32 to vector<2000x128xf32>
    %mul3A_556 = arith.mulf %mul3A_553, %mul3A_555 : vector<2000x128xf32>
    %mul3A_557 = arith.constant -5.000000e-01 : f32
    %mul3A_558 = vector.broadcast %mul3A_557 : f32 to vector<2000x128xf32>
    %mul3A_559 = arith.mulf %mul3A_558, %max3A_551 : vector<2000x128xf32>
    %add3A_560 = arith.constant 2.000000e+00 : f32
    %add3A_561 = vector.broadcast %add3A_560 : f32 to vector<2000x128xf32>
    %add3A_562 = arith.addf %mul3A_559, %add3A_561 : vector<2000x128xf32>
    %mul3A_563 = arith.mulf %add3A_562, %max3A_551 : vector<2000x128xf32>
    %sub3A_564 = arith.constant 2.000000e+00 : f32
    %sub3A_565 = vector.broadcast %sub3A_564 : f32 to vector<2000x128xf32>
    %sub3A_566 = arith.subf %mul3A_563, %sub3A_565 : vector<2000x128xf32>
    %mul3A_567 = arith.mulf %sub3A_566, %max3A_551 : vector<2000x128xf32>
    %add3A_568 = arith.constant 0.666666686 : f32
    %add3A_569 = vector.broadcast %add3A_568 : f32 to vector<2000x128xf32>
    %add3A_570 = arith.addf %mul3A_567, %add3A_569 : vector<2000x128xf32>
    %lt3A_571 = arith.constant 1.000000e+00 : f32
    %lt3A_572 = vector.broadcast %lt3A_571 : f32 to vector<2000x128xf32>
    %lt3A_573 = arith.cmpf olt, %max3A_551, %lt3A_572 : vector<2000x128xf32>
    %select_n3A_574 = arith.select %lt3A_573, %mul3A_556, %add3A_570 : vector<2000x128xi1>, vector<2000x128xf32>
    %get3A_575 = arith.constant 7 : index
    %get3A_576 = arith.constant 0 : index
    %get3A_577 = arith.constant 0 : index
    %get3A_578 = vector.load %arg9[%get3A_575, %get3A_576, %get3A_577] : memref<8x128x2xf32, #tpu.memory_space<vmem>>, vector<1x128x2xf32>
    %get3A_579 = vector.shape_cast %get3A_578 : vector<1x128x2xf32> to vector<128x2xf32>
    %dot_general3A_580 = arith.constant dense<0.000000e+00> : vector<2000x2xf32>
    %dot_general3A_581 = tpu.matmul %select_n3A_574, %get3A_579, %dot_general3A_580 {dimension_numbers = #tpu.dot_dimension_numbers<[1], [0], [0], [1], [0, 0, 1, 1], [], []>, transpose_lhs_hint = false} : vector<2000x128xf32>, vector<128x2xf32>, vector<2000x2xf32> -> vector<2000x2xf32>
    %add3A_582 = arith.addf %add3A_541, %dot_general3A_581 : vector<2000x2xf32>
    %swap3A = arith.constant 0 : index
    %swap3A_583 = arith.constant 0 : index
    %swap3A_584 = vector.load %arg10[%swap3A, %swap3A_583] : memref<2000x2xf32, #tpu.memory_space<vmem>>, vector<2000x2xf32>
    tpu.vector_store %arg10[%swap3A, %swap3A_583], %add3A_582 {strides = array<i32>} : memref<2000x2xf32, #tpu.memory_space<vmem>>, vector<2000x2xf32>,
    return
  }
  func.func @transform_0(%arg0: i32) -> (i32, i32) {
    %c0_i32 = arith.constant 0 : i32
    %c0_i32_0 = arith.constant 0 : i32
    return %arg0, %c0_i32 : i32, i32
  }
  func.func @transform_1(%arg0: i32) -> (i32, i32, i32, i32) {
    %c0_i32 = arith.constant 0 : i32
    %c0_i32_0 = arith.constant 0 : i32
    %c0_i32_1 = arith.constant 0 : i32
    %c0_i32_2 = arith.constant 0 : i32
    return %c0_i32, %arg0, %c0_i32_0, %c0_i32_1 : i32, i32, i32, i32
  }
  func.func @transform_2(%arg0: i32) -> (i32, i32) {
    %c0_i32 = arith.constant 0 : i32
    %c0_i32_0 = arith.constant 0 : i32
    %c0_i32_1 = arith.constant 0 : i32
    return %c0_i32, %c0_i32_0 : i32, i32
  }
  func.func @transform_3(%arg0: i32) -> (i32, i32) {
    %c0_i32 = arith.constant 0 : i32
    %c0_i32_0 = arith.constant 0 : i32
    %c0_i32_1 = arith.constant 0 : i32
    return %c0_i32, %c0_i32_0 : i32, i32
  }
  func.func @transform_4(%arg0: i32) -> (i32, i32) {
    %c0_i32 = arith.constant 0 : i32
    %c0_i32_0 = arith.constant 0 : i32
    %c0_i32_1 = arith.constant 0 : i32
    return %c0_i32, %c0_i32_0 : i32, i32
  }
  func.func @transform_5(%arg0: i32) -> (i32, i32) {
    %c0_i32 = arith.constant 0 : i32
    %c0_i32_0 = arith.constant 0 : i32
    %c0_i32_1 = arith.constant 0 : i32
    return %c0_i32, %c0_i32_0 : i32, i32
  }
  func.func @transform_6(%arg0: i32) -> (i32, i32) {
    %c0_i32 = arith.constant 0 : i32
    %c0_i32_0 = arith.constant 0 : i32
    %c0_i32_1 = arith.constant 0 : i32
    return %c0_i32, %c0_i32_0 : i32, i32
  }
  func.func @transform_7(%arg0: i32) -> (i32, i32) {
    %c0_i32 = arith.constant 0 : i32
    %c0_i32_0 = arith.constant 0 : i32
    %c0_i32_1 = arith.constant 0 : i32
    return %c0_i32, %c0_i32_0 : i32, i32
  }
  func.func @transform_8(%arg0: i32) -> (i32, i32, i32) {
    %c0_i32 = arith.constant 0 : i32
    %c0_i32_0 = arith.constant 0 : i32
    %c0_i32_1 = arith.constant 0 : i32
    %c0_i32_2 = arith.constant 0 : i32
    return %c0_i32, %c0_i32_0, %c0_i32_1 : i32, i32, i32
  }
  func.func @transform_9(%arg0: i32) -> (i32, i32) {
    %c0_i32 = arith.constant 0 : i32
    %c0_i32_0 = arith.constant 0 : i32
    return %arg0, %c0_i32 : i32, i32
  }
}

</mosaic_0001>

<sc_bundles>
// kernel: kernel.5.cloned.1.call-start
scs
__scs_entry_jumppad:
0x0: {  	(pc) =	sbr.rel $0x88, $3  }
0x1: {  	(tag) =	ssettag $0x0;
	lr =	simm.s32 $0x1  }
0x2: {  	[smem:$0x3F8E] =	sst lr;
	_ =	strace $0xD0000000  }
0x3: {  	_ = 	snop  }
0x4: {  	_ = 	snop  }
0x5: {  	_ = 	snop  }
0x6: {  	_ = 	snop  }
0x7: {  	_ = 	snop  }
__scs_overlays_trampoline_lowered:
0x8: {  	[smem:$0x3F9D] =	sst s0  }
0x9: {  	[smem:$0x3F9E] =	sst s1  }
0xa: {  	[smem:$0x3F9F] =	sst s2  }
0xb: {  	[smem:$0x3FA0] =	sst s3  }
0xc: {  	[smem:$0x3FA1] =	sst s4  }
0xd: {  	[smem:$0x3FA2] =	sst s5  }
0xe: {  	[smem:$0x3FA3] =	sst s6  }
0xf: {  	[smem:$0x3FA4] =	sst s7  }
0x10: {  	[smem:$0x3FA5] =	sst s8  }
0x11: {  	[smem:$0x3FA6] =	sst s9;
	s0 =	simm.s32 @!p0 $0x0  }
0x12: {  	s1 =	sld [smem:$0x3F8C];
	s0 =	simm.s32 @p0 $0x1  }
0x13: {  	[smem:$0x3FA7] =	sst s0;
	s0 =	simm.s32 @!p1 $0x0  }
0x14: {  	s2 =	sld [smem:$0x3F8B];
	s0 =	simm.s32 @p1 $0x1  }
0x15: {  	[smem:$0x3FA8] =	sst s0;
	s0 =	simm.s32 @!p2 $0x0  }
0x16: {  	s3 =	sld [smem:$0x3FDB];
	s0 =	simm.s32 @p2 $0x1  }
0x17: {  	s4 =	simm.s32 $0x1BF5;
	[smem:$0x3FAA] =	sst s0  }
0x18: {  	s0 =	sld [smem:$0x3F8D];
	_ =	swait.ge [sflag:s4], $0x0  }
0x19: {  	s7 =	sld [smem:$0x3F8E]  }
0x1a: {  	s8 =	sadd.s32 $0xFFFFE003, lr  }
0x1b: {  	s9 =	sadd.s32 $0xFFFFFEF7, lr;
	s5 =	simm.s32 $0xFFFFFFFF;
	p2 =	slt.u32 s8, $0xFFFFF086  }
0x1c: {  	p1 =	slt.u32 s9, $0xF7A;
	s5 =	simm.s32 @!p2 $0x0  }
0x1d: {  	s5 =	simm.s32 @p1 $0x1;
	p0 =	seq.s32 s7, s2  }
0x1e: {  	s7 =	smul.u32 @!p0 $0xF7A, s2;
	p2 =	seq.s32 @!p0 s5, $0x0  }
0x1f: {  	s9 =	smul.u32 $0xF7A, s1;
	s8 =	simm.s32 @!p0 $0x1BF5;
	p2 =	por !p2, p0  }
0x20: {  	[sflag:s8] =	ssyncset.s32 @!p0 $0xFFFFF086;
	s6 =	sadd.s32 @!p0 s3, s7;
	s7 =	simm.s32 @!p0 $0x108  }
0x21: {  	s3 =	sadd.s32 s3, s9;
	s6 =	sadd.s32 @!p0 $0x88, s6;
	s7 =	simm.s32 @p2 $0x1082  }
0x22: {  	[simem:s7], [sflag:s8] =	dma.local @!p0 [hbm:s6], $0xF7A  }
0x23: {  	s9 =	sor.u32 $0xD0000000, s2;
	s6 =	simm.s32 $0x108;
	_ =	swait.ge @!p0 [sflag:s8], $0x0  }
0x24: {  	s3 =	sadd.s32 $0x88, s3;
	s6 =	simm.s32 @!p1 $0x1082;
	[sflag:s4] =	ssyncset.s32 $0xFFFFF086  }
0x25: {  	[simem:s6], [sflag:s4] =	dma.local [hbm:s3], $0xF7A  }
0x26: {  	[smem:$0x3F8E] =	sst s1;
	(tag) =	ssettag s2;
	_ =	strace s9  }
0x27: {  	s1 =	sld [smem:$0x3F9E]  }
0x28: {  	s2 =	sld [smem:$0x3F9F]  }
0x29: {  	s4 =	sld [smem:$0x3FA1]  }
0x2a: {  	p0 =	seq.s32 s5, $0x0;
	s5 =	sld [smem:$0x3FA2]  }
0x2b: {  	s6 =	sld [smem:$0x3FA3]  }
0x2c: {  	s7 =	sld [smem:$0x3FA4]  }
0x2d: {  	s3 =	simm.s32 $0x108;
	s8 =	sld [smem:$0x3FA5]  }
0x2e: {  	s3 =	simm.s32 @!p0 $0x1082;
	s9 =	sld [smem:$0x3FA6]  }
0x2f: {  	lr =	sadd.s32 s0, s3;
	s0 =	sld [smem:$0x3F9D]  }
0x30: {  	s3 =	sld [smem:$0x3FA0]  }
0x31: {  	[smem:$0x3FA9] =	sst s10  }
0x32: {  	s10 =	sld [smem:$0x3FA7];
	_ =	sdelay $0x3  }
0x33: {  	p0 =	seq.s32 s10, $0x1;
	s10 =	sld [smem:$0x3FA9];
	_ =	sdelay $0x3  }
0x34: {  	[smem:$0x3FA9] =	sst s10  }
0x35: {  	s10 =	sld [smem:$0x3FA8];
	_ =	sdelay $0x3  }
0x36: {  	p1 =	seq.s32 s10, $0x1;
	s10 =	sld [smem:$0x3FA9];
	_ =	sdelay $0x3  }
0x37: {  	[smem:$0x3FA9] =	sst s10  }
0x38: {  	s10 =	sld [smem:$0x3FAA]  }
0x39: {  	_ = 	snop;
	(pc) =	sbr.ind lr, $3  }
0x3a: {  	_ = 	snop  }
0x3b: {  	_ = 	snop  }
0x3c: {  	p2 =	seq.s32 s10, $0x1;
	s10 =	sld [smem:$0x3FA9]  }
0x3d: {  	_ =	shalt  }
0x3e: {  	_ =	shalt  }
0x3f: {  	_ =	shalt  }
0x40: {  	_ =	shalt  }
0x41: {  	_ =	shalt  }
0x42: {  	_ =	shalt  }
0x43: {  	_ =	shalt  }
0x44: {  	_ =	shalt  }
0x45: {  	_ =	shalt  }
0x46: {  	_ =	shalt  }
0x47: {  	_ =	shalt  }
0x48: {  	_ =	shalt  }
0x49: {  	_ =	shalt  }
0x4a: {  	_ =	shalt  }
0x4b: {  	_ =	shalt  }
0x4c: {  	_ =	shalt  }
0x4d: {  	_ =	shalt  }
0x4e: {  	_ =	shalt  }
0x4f: {  	_ =	shalt  }
0x50: {  	_ =	shalt  }
0x51: {  	_ =	shalt  }
0x52: {  	_ =	shalt  }
0x53: {  	_ =	shalt  }
0x54: {  	_ =	shalt  }
0x55: {  	_ =	shalt  }
0x56: {  	_ =	shalt  }
0x57: {  	_ =	shalt  }
0x58: {  	_ =	shalt  }
0x59: {  	_ =	shalt  }
0x5a: {  	_ =	shalt  }
0x5b: {  	_ =	shalt  }
0x5c: {  	_ =	shalt  }
0x5d: {  	_ =	shalt  }
0x5e: {  	_ =	shalt  }
0x5f: {  	_ =	shalt  }
0x60: {  	_ =	shalt  }
0x61: {  	_ =	shalt  }
0x62: {  	_ =	shalt  }
0x63: {  	_ =	shalt  }
0x64: {  	_ =	shalt  }
0x65: {  	_ =	shalt  }
0x66: {  	_ =	shalt  }
0x67: {  	_ =	shalt  }
0x68: {  	_ =	shalt  }
0x69: {  	_ =	shalt  }
0x6a: {  	_ =	shalt  }
0x6b: {  	_ =	shalt  }
0x6c: {  	_ =	shalt  }
0x6d: {  	_ =	shalt  }
0x6e: {  	_ =	shalt  }
0x6f: {  	_ =	shalt  }
0x70: {  	_ =	shalt  }
0x71: {  	_ =	shalt  }
0x72: {  	_ =	shalt  }
0x73: {  	_ =	shalt  }
0x74: {  	_ =	shalt  }
0x75: {  	_ =	shalt  }
0x76: {  	_ =	shalt  }
0x77: {  	_ =	shalt  }
0x78: {  	_ =	shalt  }
0x79: {  	_ =	shalt  }
0x7a: {  	_ =	shalt  }
0x7b: {  	_ =	shalt  }
0x7c: {  	_ =	shalt  }
0x7d: {  	_ =	shalt  }
0x7e: {  	_ =	shalt  }
0x7f: {  	_ =	shalt  }
0x80: {  	_ =	shalt  }
0x81: {  	_ =	shalt  }
0x82: {  	_ =	shalt  }
0x83: {  	_ =	shalt  }
0x84: {  	_ =	shalt  }
0x85: {  	_ =	shalt  }
0x86: {  	_ =	shalt  }
0x87: {  	_ =	shalt  }
.Lfunc_end0:
.L_simem_size_0:
called_computation_lowered:
.L_overlay_start_0:
0x88: {  	s2 =	sld [smem:$0x3FD9]  }
0x89: {  	s3 =	sld [smem:$0x3FFE];
	_ =	sdelay $0x1  }
0x8a: {  	s1 =	srdreg.scid  }
0x8b: {  	s0 =	sand.u32 $0x1, s1  }
0x8c: {  	s17 =	sshll.u32 s0, $0xA;
	s2 =	sadd.s32 s3, s2  }
0x8d: {  	s2 =	sadd.s32 s2, s17  }
0x8e: {  	[smem:$0x3FB5] =	sst s2  }
0x8f: {  	_ = 	snop  }
0x90: {  	s2 =	sld [smem:$0x3FD0];
	(tm) =	ssettm $0x1  }
0x91: {  	s18 =	sld [smem:$0x3FFB];
	_ =	sdelay $0x3  }
0x92: {  	_ =	strace s18  }
0x93: {  	s3 =	sld [smem:$0x3FFC];
	_ =	sdelay $0x3  }
0x94: {  	_ =	strace s3  }
0x95: {  	s3 =	sld [smem:$0x3FFD];
	_ =	sdelay $0x3  }
0x96: {  	_ =	strace s3  }
0x97: {  	_ =	strace $0x8FFFFFFF  }
0x98: {  	s19 =	sld [smem:$0x3FDB];
	_ =	sdelay $0x1  }
0x99: {  	s4 =	simm.s32 $_scs_section_size  }
0x9a: {  	s5 =	simm.s32 $_size__tile_overlayer_lowered;
	s6 =	simm.s32 $_tile_overlayer_lowered  }
0x9b: {  	s22 =	simm.s32 $0x1BFF;
	s21 =	sshll.u32 s6, $0x1;
	s3 =	sadd.s32 s4, s19  }
0x9c: {  	s7 =	simm.s32 $0x0;
	s20 =	sshll.u32 s5, $0x1;
	s5 =	sadd.s32 s21, s3  }
0x9d: {  	[timem:s7], [sflag:s22] =	dma.local [hbm:s5], s20  }
0x9e: {  	_ =	swait.ge [sflag:s22], s20  }
0x9f: {  	s4 =	ssub.s32 $0x0, s20;
	[sflag:s22] =	ssyncset.done $0x0  }
0xa0: {  	[sflag:s22] =	ssyncadd.s32 s4;
	_ =	sdelay $0x1  }
0xa1: {  	s23 =	simm.s32 $0x1B8B  }
0xa2: {  	_ =	swait.ge [sflag:s23], $0x1  }
0xa3: {  	[sflag:s23] =	ssyncset.done $0x0  }
0xa4: {  	s25 =	simm.s32 $0x1B8E;
	s24 =	sld [smem:$0x3FFE];
	[sflag:s23] =	ssyncadd.s32 $0xFFFFFFFF  }
0xa5: {  	s26 =	simm.s32 $execute0_lowered;
	[smem:$0x3FD2] =	sst s25  }
0xa6: {  	s5 =	sshll.u32 s26, $0x1;
	_ =	strace $0x80000046;
	[dreg:$0x1] =	wrdreg $0xFFFFFFFF  }
0xa7: {  	s28 =	simm.s32 $_size_execute0_lowered;
	s3 =	sadd.s32 s3, s5;
	[dreg:$0x0] =	wrdreg $0x0  }
0xa8: {  	s5 =	sshll.u32 s28, $0x1;
	[dreg:$0x2] =	wrdreg s3  }
0xa9: {  	[dreg:$0x3] =	wrdreg s5  }
0xaa: {  	[dreg:$0x4] =	wrdreg $0xC0  }
0xab: {  	_ =	task [dreg:s7], $0x5FFFF  }
0xac: {  	[dreg:$0x1] =	wrdreg $0xFFFFFFFF  }
0xad: {  	[dreg:$0x0] =	wrdreg $0x60  }
0xae: {  	[dreg:$0x2] =	wrdreg s24  }
0xaf: {  	[dreg:$0x3] =	wrdreg s2  }
0xb0: {  	[dreg:$0x4] =	wrdreg $0x9C000  }
0xb1: {  	[dreg:$0x5] =	wrdreg $0x9  }
0xb2: {  	_ =	task.clear_ibuf [dreg:s7], $0x6FFFF;
	_ =	strace $0x90000046  }
0xb3: {  	s29 =	simm.s32 $0x9;
	_ =	strace $0x80000048  }
0xb4: {  	_ =	swait.ge [sflag:s29], $0x1  }
0xb5: {  	[sflag:s29] =	ssyncadd.s32 $0xFFFFFFFF  }
0xb6: {  	_ =	strace $0x90000048  }
0xb7: {  	_ =	sfence  }
0xb8: {  	s30 =	sld [smem:$0x0];
	_ =	sdelay $0x2  }
0xb9: {  	s31 =	sshll.u32 s1, $0xD;
	s1 =	sshrl.u32 s1, $0x2  }
0xba: {  	s3 =	sand.u32 $0x4000, s31;
	s1 =	sadd.s32 s1, s30  }
0xbb: {  	s0 =	sor.u32 s3, s0;
	s1 =	sshll.u32 s1, $0x11  }
0xbc: {  	s0 =	sor.u32 s1, s0  }
0xbd: {  	s0 =	sadd.s32 $0x8F2B, s0  }
0xbe: {  	[sflag:s0] =	ssyncadd.remote.s32 $0x1  }
0xbf: {  	_ =	sfence.sel $0xFFFF  }
0xc0: {  	[dreg:$0x0] =	wrdreg $0xFFFFFFFF;
	(pc) =	sbr.abs _section_cstart, $3  }
0xc1: {  	[dreg:$0x1] =	wrdreg $0xFFFFFFFF  }
0xc2: {  	_ =	task.clear_ibuf [dreg:s7], $0x2FFFF;
	_ =	strace $0x9FFFFFFF  }
0xc3: {  	(tm) =	ssettm $0x7FFFFFFF  }
tec
execute0_lowered:
.L_overlay_start_1:
0x0: {  	(tag) =	ssettag $0x1  }
0x1: {  	s0 =	srdreg.scid;
	s1 =	rddreg [dreg:$0x0]  }
0x2: {  	s10 =	stileid.u32;
	s3 =	rddreg [dreg:$0x2];
	s5 =	simm.s32 $0x0  }
0x3: {  	s19 =	simm.s32 $0x80;
	s20 =	simm.s32 $0x5C00;
	s21 =	simm.s32 $0x6400  }
0x4: {  	s28 =	simm.s32 $0x7C00;
	s30 =	simm.s32 $0x8400;
	s16 =	simm.s32 $0x1  }
0x5: {  	s18 =	simm.s32 $0x2;
	s29 =	simm.s32 $0x6;
	s31 =	simm.s32 $0x7  }
0x6: {  	s17 =	simm.s32 $0xA;
	s11 =	simm.s32 $0xD;
	s12 =	simm.s32 $0xE  }
0x7: {  	s13 =	simm.s32 $0xF;
	s15 =	simm.s32 $0x0;
	s0 =	sand.u32 $0x1, s0  }
0x8: {  	s2 =	sshll.u32 s10, $0x1;
	s7 =	smul.u32 $0xCB20, s10;
	[smem:$0x7FF] =	sst s5  }
0x9: {  	s5 =	sadd.s32 $0x1800, s1;
	s22 =	sshll.u32 s10, $0x6;
	s10 =	simm.s32 $0xC  }
0xa: {  	s2 =	sor.u32 s0, s2;
	s6 =	smul.u32 $0xCB200, s0;
	_ =	strace $0x80000047  }
0xb: {  	s0 =	ssub.s32 $0x2, s0;
	s4 =	smul.u32 $0x1C0, s2;
	s2 =	sshll.u32 s2, $0xA  }
0xc: {  	s9 =	sshrl.u32 s0, $0x1;
	s2 =	sadd.s32 s2, s1;
	s8 =	sadd.s32 s7, s6  }
0xd: {  	s6 =	sadd.s32 $0x1A000, s1;
	s0 =	ssub.s32 s0, s9;
	s7 =	sadd.s32 s7, s3  }
0xe: {  	s9 =	simm.s32 $0xB;
	s4 =	sadd.s32 s4, s1;
	s23 =	sadd.s32 $0x2A800, s2  }
0xf: {  	s8 =	sshrl.u32 s8, $0x3;
	s2 =	sadd.s32 $0x1F000, s2;
	[dreg:$0x5] =	wrdreg s23  }
0x10: {  	s0 =	smax.u32 s0, $0x1;
	s26 =	sshrl.u32 s7, $0x3;
	[dreg:$0x6] =	wrdreg s2  }
0x11: {  	s7 =	simm.s32 $0x10;
	s1 =	sadd.s32 s8, s1;
	[dreg:$0xa] =	wrdreg s0  }
0x12: {  	s8 =	sor.u32 $0x1C11, s22;
	s24 =	sadd.s32 $0x32800, s4;
	[dreg:$0xb] =	wrdreg s26  }
0x13: {  	s25 =	sadd.s32 $0x27000, s4;
	s23 =	simm.s32 $0x6C00;
	[dreg:$0x4] =	wrdreg s8  }
0x14: {  	s2 =	simm.s32 $0x9400;
	s22 =	simm.s32 $0x3;
	[dreg:$0x7] =	wrdreg s24  }
0x15: {  	s26 =	simm.s32 $0x5;
	s0 =	simm.s32 $0x8;
	[dreg:$0x8] =	wrdreg s25  }
0x16: {  	s1 =	sadd.s32 $0x36000, s1;
	s25 =	simm.s32 $0x7400;
	s24 =	simm.s32 $0x4  }
0x17: {  	s8 =	simm.s32 $0x9;
	[dreg:$0x9] =	wrdreg s1;
	s1 =	simm.s32 $0x8C00  }
.LBB2_1:
0x18: {  	[dreg:$0xc] =	wrdreg s15  }
0x19: {  	s4 =	rddreg [dreg:$0x1]  }
0x1a: {  	s14 =	rddreg [dreg:$0xb]  }
0x1b: {  	s15 =	rddreg [dreg:$0x4]  }
0x1c: {  	[spmem:s14], [sflag:s15] =	dma.local [hbm:s4], $0x1964  }
0x1d: {  	s15 =	simm.s32 $0x11  }
0x1e: {  	_ =	swait.ge [sflag:s15], $0x1964  }
0x1f: {  	[sflag:s15] =	ssyncset.done $0x0  }
0x20: {  	s4 =	simm.s32 $0x0;
	s14 =	rddreg [dreg:$0x5];
	[sflag:s15] =	ssyncadd.s32 $0xFFFFE69C  }
0x21: {  	[tilespmem:s4], [sflag:$0x11] =	stream.linear.gather [hbm4b:s14+s4], $0x2000, $0x38;
	[tilespmem:$0x16720] =	vst v63  }
0x22: {  	_ =	swait.ge [sflag:s15], $0x2000  }
0x23: {  	s4 =	simm.s32 $0x2000;
	[sflag:s15] =	ssyncset.done $0x0  }
0x24: {  	s14 =	rddreg [dreg:$0x6];
	[sflag:s15] =	ssyncadd.s32 $0xFFFFE000;
	s15 =	simm.s32 $0x0  }
0x25: {  	[tilespmem:s4], [sflag:$0x11] =	stream.linear.gather [hbm4b:s14+s15], $0x2000, $0x38;
	[tilespmem:$0x16720] =	vst v63  }
0x26: {  	s15 =	simm.s32 $0x11  }
0x27: {  	_ =	swait.ge [sflag:s15], $0x2000  }
0x28: {  	s4 =	simm.s32 $0x4000;
	[sflag:s15] =	ssyncset.done $0x0  }
0x29: {  	s14 =	rddreg [dreg:$0x7];
	[sflag:s15] =	ssyncadd.s32 $0xFFFFE000;
	s15 =	simm.s32 $0x0  }
0x2a: {  	[tilespmem:s4], [sflag:$0x11] =	stream.linear.gather [hbm4b:s14+s15], $0xE00, $0x38;
	[tilespmem:$0x16720] =	vst v63  }
0x2b: {  	s14 =	simm.s32 $0x11  }
0x2c: {  	_ =	swait.ge [sflag:s14], $0xE00  }
0x2d: {  	s4 =	simm.s32 $0x4E00;
	[sflag:s14] =	ssyncset.done $0x0  }
0x2e: {  	s15 =	simm.s32 $0x0;
	[sflag:s14] =	ssyncadd.s32 $0xFFFFF200;
	s14 =	rddreg [dreg:$0x8]  }
0x2f: {  	[tilespmem:s4], [sflag:$0x11] =	stream.linear.gather [hbm4b:s14+s15], $0xE00, $0x38;
	[tilespmem:$0x16720] =	vst v63  }
0x30: {  	s15 =	simm.s32 $0x11  }
0x31: {  	_ =	swait.ge [sflag:s15], $0xE00  }
0x32: {  	[sflag:s15] =	ssyncset.done $0x0  }
0x33: {  	[sflag:s15] =	ssyncadd.s32 $0xFFFFF200  }
0x34: {  	s14 =	simm.s32 $0x0;
	[bflag:$0x0] =	sbarrier.arrive $0xFFFF  }
0x35: {  	[tilespmem:s20], [sflag:$0x1] =	stream.indirect.gather [hbm4b:s5+s19], $0x10, s14, s19, $0xb8;
	[tilespmem:$0x16720] =	vst v63  }
0x36: {  	_ = 	snop  }
0x37: {  	[tilespmem:s21], [sflag:$0x2] =	stream.indirect.gather [hbm4b:s5+s19], $0x10, s19, s19, $0xb8;
	[tilespmem:$0x16720] =	vst v63  }
0x38: {  	s15 =	simm.s32 $0x100  }
0x39: {  	[tilespmem:s23], [sflag:$0x3] =	stream.indirect.gather [hbm4b:s5+s19], $0x10, s15, s19, $0xb8;
	[tilespmem:$0x16720] =	vst v63  }
0x3a: {  	s14 =	simm.s32 $0x180  }
0x3b: {  	[tilespmem:s25], [sflag:$0x4] =	stream.indirect.gather [hbm4b:s5+s19], $0x10, s14, s19, $0xb8;
	[tilespmem:$0x16720] =	vst v63  }
0x3c: {  	s15 =	simm.s32 $0x200  }
0x3d: {  	[tilespmem:s28], [sflag:$0x5] =	stream.indirect.gather [hbm4b:s5+s19], $0x10, s15, s19, $0xb8;
	[tilespmem:$0x16720] =	vst v63  }
0x3e: {  	s14 =	simm.s32 $0x280  }
0x3f: {  	[tilespmem:s30], [sflag:$0x6] =	stream.indirect.gather [hbm4b:s5+s19], $0x10, s14, s19, $0xb8;
	[tilespmem:$0x16720] =	vst v63  }
0x40: {  	s15 =	simm.s32 $0x300  }
0x41: {  	[tilespmem:s1], [sflag:$0x7] =	stream.indirect.gather [hbm4b:s5+s19], $0x10, s15, s19, $0xb8;
	[tilespmem:$0x16720] =	vst v63  }
0x42: {  	s14 =	simm.s32 $0x380  }
0x43: {  	[tilespmem:s2], [sflag:$0x8] =	stream.indirect.gather [hbm4b:s5+s19], $0x10, s14, s19, $0xb8;
	[tilespmem:$0x16720] =	vst v63  }
0x44: {  	_ =	swait.ge [sflag:s16], $0x800  }
0x45: {  	[sflag:s16] =	ssyncset.done $0x0  }
0x46: {  	s15 =	simm.s32 $0x2000;
	[sflag:s16] =	ssyncadd.s32 $0xFFFFF800  }
0x47: {  	[spmem:s3] =	stream.indirect.scatter.add.f32 [tilespmem:s20], [sflag:$0x9], $0x10, s15, s19, $0xb8;
	[tilespmem:$0x16720] =	vst v63  }
0x48: {  	_ =	swait.ge [sflag:s18], $0x800  }
0x49: {  	[sflag:s18] =	ssyncset.done $0x0  }
0x4a: {  	s14 =	simm.s32 $0x2080;
	[sflag:s18] =	ssyncadd.s32 $0xFFFFF800  }
0x4b: {  	[spmem:s3] =	stream.indirect.scatter.add.f32 [tilespmem:s21], [sflag:$0xA], $0x10, s14, s19, $0xb8;
	[tilespmem:$0x16720] =	vst v63  }
0x4c: {  	_ =	swait.ge [sflag:s22], $0x800  }
0x4d: {  	[sflag:s22] =	ssyncset.done $0x0  }
0x4e: {  	s15 =	simm.s32 $0x2100;
	[sflag:s22] =	ssyncadd.s32 $0xFFFFF800  }
0x4f: {  	[spmem:s3] =	stream.indirect.scatter.add.f32 [tilespmem:s23], [sflag:$0xB], $0x10, s15, s19, $0xb8;
	[tilespmem:$0x16720] =	vst v63  }
0x50: {  	_ =	swait.ge [sflag:s24], $0x800  }
0x51: {  	[sflag:s24] =	ssyncset.done $0x0  }
0x52: {  	s14 =	simm.s32 $0x2180;
	[sflag:s24] =	ssyncadd.s32 $0xFFFFF800  }
0x53: {  	[spmem:s3] =	stream.indirect.scatter.add.f32 [tilespmem:s25], [sflag:$0xC], $0x10, s14, s19, $0xb8;
	[tilespmem:$0x16720] =	vst v63  }
0x54: {  	_ =	swait.ge [sflag:s26], $0x800  }
0x55: {  	[sflag:s26] =	ssyncset.done $0x0  }
0x56: {  	s15 =	simm.s32 $0x2200;
	[sflag:s26] =	ssyncadd.s32 $0xFFFFF800  }
0x57: {  	[spmem:s3] =	stream.indirect.scatter.add.f32 [tilespmem:s28], [sflag:$0xD], $0x10, s15, s19, $0xb8;
	[tilespmem:$0x16720] =	vst v63  }
0x58: {  	_ =	swait.ge [sflag:s29], $0x800  }
0x59: {  	[sflag:s29] =	ssyncset.done $0x0  }
0x5a: {  	s14 =	simm.s32 $0x2280;
	[sflag:s29] =	ssyncadd.s32 $0xFFFFF800  }
0x5b: {  	[spmem:s3] =	stream.indirect.scatter.add.f32 [tilespmem:s30], [sflag:$0xE], $0x10, s14, s19, $0xb8;
	[tilespmem:$0x16720] =	vst v63  }
0x5c: {  	_ =	swait.ge [sflag:s31], $0x800  }
0x5d: {  	[sflag:s31] =	ssyncset.done $0x0  }
0x5e: {  	s15 =	simm.s32 $0x2300;
	[sflag:s31] =	ssyncadd.s32 $0xFFFFF800  }
0x5f: {  	[spmem:s3] =	stream.indirect.scatter.add.f32 [tilespmem:s1], [sflag:$0xF], $0x10, s15, s19, $0xb8;
	[tilespmem:$0x16720] =	vst v63  }
0x60: {  	_ =	swait.ge [sflag:s0], $0x800  }
0x61: {  	[sflag:s0] =	ssyncset.done $0x0  }
0x62: {  	s14 =	simm.s32 $0x2380;
	[sflag:s0] =	ssyncadd.s32 $0xFFFFF800  }
0x63: {  	[spmem:s3] =	stream.indirect.scatter.add.f32 [tilespmem:s2], [sflag:$0x10], $0x10, s14, s19, $0xb8;
	[tilespmem:$0x16720] =	vst v63  }
0x64: {  	_ =	swait.ge [sflag:s8], $0x800  }
0x65: {  	[sflag:s8] =	ssyncset.done $0x0  }
0x66: {  	s15 =	simm.s32 $0x400;
	[sflag:s8] =	ssyncadd.s32 $0xFFFFF800  }
0x67: {  	[tilespmem:s20], [sflag:$0x1] =	stream.indirect.gather [hbm4b:s5+s19], $0x10, s15, s19, $0xb8;
	[tilespmem:$0x16720] =	vst v63  }
0x68: {  	_ =	swait.ge [sflag:s17], $0x800  }
0x69: {  	[sflag:s17] =	ssyncset.done $0x0  }
0x6a: {  	s14 =	simm.s32 $0x480;
	[sflag:s17] =	ssyncadd.s32 $0xFFFFF800  }
0x6b: {  	[tilespmem:s21], [sflag:$0x2] =	stream.indirect.gather [hbm4b:s5+s19], $0x10, s14, s19, $0xb8;
	[tilespmem:$0x16720] =	vst v63  }
0x6c: {  	_ =	swait.ge [sflag:s9], $0x800  }
0x6d: {  	[sflag:s9] =	ssyncset.done $0x0  }
0x6e: {  	s15 =	simm.s32 $0x500;
	[sflag:s9] =	ssyncadd.s32 $0xFFFFF800  }
0x6f: {  	[tilespmem:s23], [sflag:$0x3] =	stream.indirect.gather [hbm4b:s5+s19], $0x10, s15, s19, $0xb8;
	[tilespmem:$0x16720] =	vst v63  }
0x70: {  	_ =	swait.ge [sflag:s10], $0x800  }
0x71: {  	[sflag:s10] =	ssyncset.done $0x0  }
0x72: {  	s14 =	simm.s32 $0x580;
	[sflag:s10] =	ssyncadd.s32 $0xFFFFF800  }
0x73: {  	[tilespmem:s25], [sflag:$0x4] =	stream.indirect.gather [hbm4b:s5+s19], $0x10, s14, s19, $0xb8;
	[tilespmem:$0x16720] =	vst v63  }
0x74: {  	_ =	swait.ge [sflag:s11], $0x800  }
0x75: {  	[sflag:s11] =	ssyncset.done $0x0  }
0x76: {  	s15 =	simm.s32 $0x600;
	[sflag:s11] =	ssyncadd.s32 $0xFFFFF800  }
0x77: {  	[tilespmem:s28], [sflag:$0x5] =	stream.indirect.gather [hbm4b:s5+s19], $0x10, s15, s19, $0xb8;
	[tilespmem:$0x16720] =	vst v63  }
0x78: {  	_ =	swait.ge [sflag:s12], $0x800  }
0x79: {  	[sflag:s12] =	ssyncset.done $0x0  }
0x7a: {  	s14 =	simm.s32 $0x680;
	[sflag:s12] =	ssyncadd.s32 $0xFFFFF800  }
0x7b: {  	[tilespmem:s30], [sflag:$0x6] =	stream.indirect.gather [hbm4b:s5+s19], $0x10, s14, s19, $0xb8;
	[tilespmem:$0x16720] =	vst v63  }
0x7c: {  	_ =	swait.ge [sflag:s13], $0x800  }
0x7d: {  	[sflag:s13] =	ssyncset.done $0x0  }
0x7e: {  	s15 =	simm.s32 $0x700;
	[sflag:s13] =	ssyncadd.s32 $0xFFFFF800  }
0x7f: {  	[tilespmem:s1], [sflag:$0x7] =	stream.indirect.gather [hbm4b:s5+s19], $0x10, s15, s19, $0xb8;
	[tilespmem:$0x16720] =	vst v63  }
0x80: {  	_ =	swait.ge [sflag:s7], $0x800  }
0x81: {  	[sflag:s7] =	ssyncset.done $0x0  }
0x82: {  	s4 =	simm.s32 $0x1000;
	s14 =	simm.s32 $0x780;
	[sflag:s7] =	ssyncadd.s32 $0xFFFFF800  }
.LBB2_2:
0x83: {  	[tilespmem:s2], [sflag:$0x8] =	stream.indirect.gather [hbm4b:s5+s19], $0x10, s14, s19, $0xb8;
	[tilespmem:$0x16720] =	vst v63  }
0x84: {  	s14 =	smov.u32 s4  }
0x85: {  	p0 =	sne.s32 s4, $0x6000;
	s4 =	sadd.s32 $0x1000, s4;
	_ =	swait.ge [sflag:s16], $0x800  }
0x86: {  	s14 =	sshra.s32 s14, $0x2;
	[sflag:s16] =	ssyncset.done $0x0  }
0x87: {  	s15 =	sadd.s32 $0x2000, s14;
	[sflag:s16] =	ssyncadd.s32 $0xFFFFF800  }
0x88: {  	[spmem:s3] =	stream.indirect.scatter.add.f32 [tilespmem:s20], [sflag:$0x9], $0x10, s15, s19, $0xb8;
	[tilespmem:$0x16720] =	vst v63  }
0x89: {  	_ =	swait.ge [sflag:s18], $0x800  }
0x8a: {  	[sflag:s18] =	ssyncset.done $0x0  }
0x8b: {  	s15 =	sadd.s32 $0x2080, s14;
	[sflag:s18] =	ssyncadd.s32 $0xFFFFF800  }
0x8c: {  	[spmem:s3] =	stream.indirect.scatter.add.f32 [tilespmem:s21], [sflag:$0xA], $0x10, s15, s19, $0xb8;
	[tilespmem:$0x16720] =	vst v63  }
0x8d: {  	_ =	swait.ge [sflag:s22], $0x800  }
0x8e: {  	[sflag:s22] =	ssyncset.done $0x0  }
0x8f: {  	s15 =	sadd.s32 $0x2100, s14;
	[sflag:s22] =	ssyncadd.s32 $0xFFFFF800  }
0x90: {  	[spmem:s3] =	stream.indirect.scatter.add.f32 [tilespmem:s23], [sflag:$0xB], $0x10, s15, s19, $0xb8;
	[tilespmem:$0x16720] =	vst v63  }
0x91: {  	_ =	swait.ge [sflag:s24], $0x800  }
0x92: {  	[sflag:s24] =	ssyncset.done $0x0  }
0x93: {  	s15 =	sadd.s32 $0x2180, s14;
	[sflag:s24] =	ssyncadd.s32 $0xFFFFF800  }
0x94: {  	[spmem:s3] =	stream.indirect.scatter.add.f32 [tilespmem:s25], [sflag:$0xC], $0x10, s15, s19, $0xb8;
	[tilespmem:$0x16720] =	vst v63  }
0x95: {  	_ =	swait.ge [sflag:s26], $0x800  }
0x96: {  	[sflag:s26] =	ssyncset.done $0x0  }
0x97: {  	s15 =	sadd.s32 $0x2200, s14;
	[sflag:s26] =	ssyncadd.s32 $0xFFFFF800  }
0x98: {  	[spmem:s3] =	stream.indirect.scatter.add.f32 [tilespmem:s28], [sflag:$0xD], $0x10, s15, s19, $0xb8;
	[tilespmem:$0x16720] =	vst v63  }
0x99: {  	_ =	swait.ge [sflag:s29], $0x800  }
0x9a: {  	[sflag:s29] =	ssyncset.done $0x0  }
0x9b: {  	s15 =	sadd.s32 $0x2280, s14;
	[sflag:s29] =	ssyncadd.s32 $0xFFFFF800  }
0x9c: {  	[spmem:s3] =	stream.indirect.scatter.add.f32 [tilespmem:s30], [sflag:$0xE], $0x10, s15, s19, $0xb8;
	[tilespmem:$0x16720] =	vst v63  }
0x9d: {  	_ =	swait.ge [sflag:s31], $0x800  }
0x9e: {  	[sflag:s31] =	ssyncset.done $0x0  }
0x9f: {  	s15 =	sadd.s32 $0x2300, s14;
	[sflag:s31] =	ssyncadd.s32 $0xFFFFF800  }
0xa0: {  	[spmem:s3] =	stream.indirect.scatter.add.f32 [tilespmem:s1], [sflag:$0xF], $0x10, s15, s19, $0xb8;
	[tilespmem:$0x16720] =	vst v63  }
0xa1: {  	_ =	swait.ge [sflag:s0], $0x800  }
0xa2: {  	[sflag:s0] =	ssyncset.done $0x0  }
0xa3: {  	s15 =	sadd.s32 $0x2380, s14;
	[sflag:s0] =	ssyncadd.s32 $0xFFFFF800  }
0xa4: {  	[spmem:s3] =	stream.indirect.scatter.add.f32 [tilespmem:s2], [sflag:$0x10], $0x10, s15, s19, $0xb8;
	[tilespmem:$0x16720] =	vst v63  }
0xa5: {  	_ =	swait.ge [sflag:s8], $0x800  }
0xa6: {  	[sflag:s8] =	ssyncset.done $0x0  }
0xa7: {  	s15 =	sadd.s32 $0x400, s14;
	[sflag:s8] =	ssyncadd.s32 $0xFFFFF800  }
0xa8: {  	[tilespmem:s20], [sflag:$0x1] =	stream.indirect.gather [hbm4b:s5+s19], $0x10, s15, s19, $0xb8;
	[tilespmem:$0x16720] =	vst v63  }
0xa9: {  	_ =	swait.ge [sflag:s17], $0x800  }
0xaa: {  	[sflag:s17] =	ssyncset.done $0x0  }
0xab: {  	s15 =	sadd.s32 $0x480, s14;
	[sflag:s17] =	ssyncadd.s32 $0xFFFFF800  }
0xac: {  	[tilespmem:s21], [sflag:$0x2] =	stream.indirect.gather [hbm4b:s5+s19], $0x10, s15, s19, $0xb8;
	[tilespmem:$0x16720] =	vst v63  }
0xad: {  	_ =	swait.ge [sflag:s9], $0x800  }
0xae: {  	[sflag:s9] =	ssyncset.done $0x0  }
0xaf: {  	s15 =	sadd.s32 $0x500, s14;
	[sflag:s9] =	ssyncadd.s32 $0xFFFFF800  }
0xb0: {  	[tilespmem:s23], [sflag:$0x3] =	stream.indirect.gather [hbm4b:s5+s19], $0x10, s15, s19, $0xb8;
	[tilespmem:$0x16720] =	vst v63  }
0xb1: {  	_ =	swait.ge [sflag:s10], $0x800  }
0xb2: {  	[sflag:s10] =	ssyncset.done $0x0  }
0xb3: {  	s15 =	sadd.s32 $0x580, s14;
	[sflag:s10] =	ssyncadd.s32 $0xFFFFF800  }
0xb4: {  	[tilespmem:s25], [sflag:$0x4] =	stream.indirect.gather [hbm4b:s5+s19], $0x10, s15, s19, $0xb8;
	[tilespmem:$0x16720] =	vst v63  }
0xb5: {  	_ =	swait.ge [sflag:s11], $0x800  }
0xb6: {  	[sflag:s11] =	ssyncset.done $0x0  }
0xb7: {  	s15 =	sadd.s32 $0x600, s14;
	[sflag:s11] =	ssyncadd.s32 $0xFFFFF800  }
0xb8: {  	[tilespmem:s28], [sflag:$0x5] =	stream.indirect.gather [hbm4b:s5+s19], $0x10, s15, s19, $0xb8;
	[tilespmem:$0x16720] =	vst v63  }
0xb9: {  	_ =	swait.ge [sflag:s12], $0x800  }
0xba: {  	[sflag:s12] =	ssyncset.done $0x0  }
0xbb: {  	s15 =	sadd.s32 $0x680, s14;
	[sflag:s12] =	ssyncadd.s32 $0xFFFFF800  }
0xbc: {  	[tilespmem:s30], [sflag:$0x6] =	stream.indirect.gather [hbm4b:s5+s19], $0x10, s15, s19, $0xb8;
	[tilespmem:$0x16720] =	vst v63  }
0xbd: {  	_ =	swait.ge [sflag:s13], $0x800  }
0xbe: {  	[sflag:s13] =	ssyncset.done $0x0  }
.Ltmp0:
0xbf: {  	s15 =	sadd.s32 $0x700, s14;
	[sflag:s13] =	ssyncadd.s32 $0xFFFFF800;
	(pc) =	sbr.rel @p0 .LBB2_2-.Ltmp0, $4  }
0xc0: {  	[tilespmem:s1], [sflag:$0x7] =	stream.indirect.gather [hbm4b:s5+s19], $0x10, s15, s19, $0xb8;
	[tilespmem:$0x16720] =	vst v63  }
0xc1: {  	_ =	swait.ge [sflag:s7], $0x800  }
0xc2: {  	[sflag:s7] =	ssyncset.done $0x0  }
0xc3: {  	s14 =	sadd.s32 $0x780, s14;
	[sflag:s7] =	ssyncadd.s32 $0xFFFFF800  }
0xc4: {  	[tilespmem:s2], [sflag:$0x8] =	stream.indirect.gather [hbm4b:s5+s19], $0x10, s14, s19, $0xb8;
	[tilespmem:$0x16720] =	vst v63  }
0xc5: {  	_ =	swait.ge [sflag:s16], $0x800  }
0xc6: {  	[sflag:s16] =	ssyncset.done $0x0  }
0xc7: {  	s4 =	simm.s32 $0x3C00;
	[sflag:s16] =	ssyncadd.s32 $0xFFFFF800  }
0xc8: {  	[spmem:s3] =	stream.indirect.scatter.add.f32 [tilespmem:s20], [sflag:$0x9], $0x10, s4, s19, $0xb8;
	[tilespmem:$0x16720] =	vst v63  }
0xc9: {  	_ =	swait.ge [sflag:s18], $0x800  }
0xca: {  	[sflag:s18] =	ssyncset.done $0x0  }
0xcb: {  	s14 =	simm.s32 $0x3C80;
	[sflag:s18] =	ssyncadd.s32 $0xFFFFF800  }
0xcc: {  	[spmem:s3] =	stream.indirect.scatter.add.f32 [tilespmem:s21], [sflag:$0xA], $0x10, s14, s19, $0xb8;
	[tilespmem:$0x16720] =	vst v63  }
0xcd: {  	_ =	swait.ge [sflag:s22], $0x800  }
0xce: {  	[sflag:s22] =	ssyncset.done $0x0  }
0xcf: {  	s15 =	simm.s32 $0x3D00;
	[sflag:s22] =	ssyncadd.s32 $0xFFFFF800  }
0xd0: {  	[spmem:s3] =	stream.indirect.scatter.add.f32 [tilespmem:s23], [sflag:$0xB], $0x10, s15, s19, $0xb8;
	[tilespmem:$0x16720] =	vst v63  }
0xd1: {  	_ =	swait.ge [sflag:s24], $0x800  }
0xd2: {  	[sflag:s24] =	ssyncset.done $0x0  }
0xd3: {  	s14 =	simm.s32 $0x3D80;
	[sflag:s24] =	ssyncadd.s32 $0xFFFFF800  }
0xd4: {  	[spmem:s3] =	stream.indirect.scatter.add.f32 [tilespmem:s25], [sflag:$0xC], $0x10, s14, s19, $0xb8;
	[tilespmem:$0x16720] =	vst v63  }
0xd5: {  	_ =	swait.ge [sflag:s26], $0x800  }
0xd6: {  	[sflag:s26] =	ssyncset.done $0x0  }
0xd7: {  	s15 =	simm.s32 $0x3E00;
	[sflag:s26] =	ssyncadd.s32 $0xFFFFF800  }
0xd8: {  	[spmem:s3] =	stream.indirect.scatter.add.f32 [tilespmem:s28], [sflag:$0xD], $0x10, s15, s19, $0xb8;
	[tilespmem:$0x16720] =	vst v63  }
0xd9: {  	_ =	swait.ge [sflag:s29], $0x800  }
0xda: {  	[sflag:s29] =	ssyncset.done $0x0  }
0xdb: {  	s14 =	simm.s32 $0x3E80;
	[sflag:s29] =	ssyncadd.s32 $0xFFFFF800  }
0xdc: {  	[spmem:s3] =	stream.indirect.scatter.add.f32 [tilespmem:s30], [sflag:$0xE], $0x10, s14, s19, $0xb8;
	[tilespmem:$0x16720] =	vst v63  }
0xdd: {  	_ =	swait.ge [sflag:s31], $0x800  }
0xde: {  	[sflag:s31] =	ssyncset.done $0x0  }
0xdf: {  	s15 =	simm.s32 $0x3F00;
	[sflag:s31] =	ssyncadd.s32 $0xFFFFF800  }
0xe0: {  	[spmem:s3] =	stream.indirect.scatter.add.f32 [tilespmem:s1], [sflag:$0xF], $0x10, s15, s19, $0xb8;
	[tilespmem:$0x16720] =	vst v63  }
0xe1: {  	_ =	swait.ge [sflag:s0], $0x800  }
0xe2: {  	[sflag:s0] =	ssyncset.done $0x0  }
0xe3: {  	s14 =	simm.s32 $0x3F80;
	[sflag:s0] =	ssyncadd.s32 $0xFFFFF800  }
0xe4: {  	[spmem:s3] =	stream.indirect.scatter.add.f32 [tilespmem:s2], [sflag:$0x10], $0x10, s14, s19, $0xb8;
	[tilespmem:$0x16720] =	vst v63  }
0xe5: {  	_ =	swait.ge [sflag:s8], $0x800  }
0xe6: {  	[sflag:s8] =	ssyncset.done $0x0  }
0xe7: {  	[sflag:s8] =	ssyncadd.s32 $0xFFFFF800  }
0xe8: {  	_ =	swait.ge [sflag:s17], $0x800  }
0xe9: {  	[sflag:s17] =	ssyncset.done $0x0  }
0xea: {  	[sflag:s17] =	ssyncadd.s32 $0xFFFFF800  }
0xeb: {  	_ =	swait.ge [sflag:s9], $0x800  }
0xec: {  	[sflag:s9] =	ssyncset.done $0x0  }
0xed: {  	[sflag:s9] =	ssyncadd.s32 $0xFFFFF800  }
0xee: {  	_ =	swait.ge [sflag:s10], $0x800  }
0xef: {  	[sflag:s10] =	ssyncset.done $0x0  }
0xf0: {  	[sflag:s10] =	ssyncadd.s32 $0xFFFFF800  }
0xf1: {  	_ =	swait.ge [sflag:s11], $0x800  }
0xf2: {  	[sflag:s11] =	ssyncset.done $0x0  }
0xf3: {  	[sflag:s11] =	ssyncadd.s32 $0xFFFFF800  }
0xf4: {  	_ =	swait.ge [sflag:s12], $0x800  }
0xf5: {  	[sflag:s12] =	ssyncset.done $0x0  }
0xf6: {  	[sflag:s12] =	ssyncadd.s32 $0xFFFFF800  }
0xf7: {  	_ =	swait.ge [sflag:s13], $0x800  }
0xf8: {  	[sflag:s13] =	ssyncset.done $0x0  }
0xf9: {  	[sflag:s13] =	ssyncadd.s32 $0xFFFFF800  }
0xfa: {  	_ =	swait.ge [sflag:s7], $0x800  }
0xfb: {  	[sflag:s7] =	ssyncset.done $0x0  }
0xfc: {  	s15 =	simm.s32 $0x4000;
	[sflag:s7] =	ssyncadd.s32 $0xFFFFF800  }
0xfd: {  	[tilespmem:s20], [sflag:$0x1] =	stream.indirect.gather [hbm4b:s6+s19], $0x10, s15, s19, $0xb8;
	[tilespmem:$0x16720] =	vst v63  }
0xfe: {  	s14 =	simm.s32 $0x4080  }
0xff: {  	[tilespmem:s21], [sflag:$0x2] =	stream.indirect.gather [hbm4b:s6+s19], $0x10, s14, s19, $0xb8;
	[tilespmem:$0x16720] =	vst v63  }
0x100: {  	s15 =	simm.s32 $0x4100  }
0x101: {  	[tilespmem:s23], [sflag:$0x3] =	stream.indirect.gather [hbm4b:s6+s19], $0x10, s15, s19, $0xb8;
	[tilespmem:$0x16720] =	vst v63  }
0x102: {  	s14 =	simm.s32 $0x4180  }
0x103: {  	[tilespmem:s25], [sflag:$0x4] =	stream.indirect.gather [hbm4b:s6+s19], $0x10, s14, s19, $0xb8;
	[tilespmem:$0x16720] =	vst v63  }
0x104: {  	_ =	swait.ge [sflag:s16], $0x800  }
0x105: {  	[sflag:s16] =	ssyncset.done $0x0  }
0x106: {  	s15 =	simm.s32 $0x4E00;
	[sflag:s16] =	ssyncadd.s32 $0xFFFFF800  }
0x107: {  	[spmem:s3] =	stream.indirect.scatter.add.f32 [tilespmem:s20], [sflag:$0x9], $0x10, s15, s19, $0xb8;
	[tilespmem:$0x16720] =	vst v63  }
0x108: {  	_ =	swait.ge [sflag:s18], $0x800  }
0x109: {  	[sflag:s18] =	ssyncset.done $0x0  }
0x10a: {  	s14 =	simm.s32 $0x4E80;
	[sflag:s18] =	ssyncadd.s32 $0xFFFFF800  }
0x10b: {  	[spmem:s3] =	stream.indirect.scatter.add.f32 [tilespmem:s21], [sflag:$0xA], $0x10, s14, s19, $0xb8;
	[tilespmem:$0x16720] =	vst v63  }
0x10c: {  	_ =	swait.ge [sflag:s22], $0x800  }
0x10d: {  	[sflag:s22] =	ssyncset.done $0x0  }
0x10e: {  	s15 =	simm.s32 $0x4F00;
	[sflag:s22] =	ssyncadd.s32 $0xFFFFF800  }
0x10f: {  	[spmem:s3] =	stream.indirect.scatter.add.f32 [tilespmem:s23], [sflag:$0xB], $0x10, s15, s19, $0xb8;
	[tilespmem:$0x16720] =	vst v63  }
0x110: {  	_ =	swait.ge [sflag:s24], $0x800  }
0x111: {  	[sflag:s24] =	ssyncset.done $0x0  }
0x112: {  	s14 =	simm.s32 $0x4F80;
	[sflag:s24] =	ssyncadd.s32 $0xFFFFF800  }
0x113: {  	[spmem:s3] =	stream.indirect.scatter.add.f32 [tilespmem:s25], [sflag:$0xC], $0x10, s14, s19, $0xb8;
	[tilespmem:$0x16720] =	vst v63  }
0x114: {  	_ =	swait.ge [sflag:s8], $0x800  }
0x115: {  	[sflag:s8] =	ssyncset.done $0x0  }
0x116: {  	s15 =	simm.s32 $0x4200;
	[sflag:s8] =	ssyncadd.s32 $0xFFFFF800  }
0x117: {  	[tilespmem:s20], [sflag:$0x1] =	stream.indirect.gather [hbm4b:s6+s19], $0x10, s15, s19, $0xb8;
	[tilespmem:$0x16720] =	vst v63  }
0x118: {  	_ =	swait.ge [sflag:s17], $0x800  }
0x119: {  	[sflag:s17] =	ssyncset.done $0x0  }
0x11a: {  	s14 =	simm.s32 $0x4280;
	[sflag:s17] =	ssyncadd.s32 $0xFFFFF800  }
0x11b: {  	[tilespmem:s21], [sflag:$0x2] =	stream.indirect.gather [hbm4b:s6+s19], $0x10, s14, s19, $0xb8;
	[tilespmem:$0x16720] =	vst v63  }
0x11c: {  	_ =	swait.ge [sflag:s9], $0x800  }
0x11d: {  	[sflag:s9] =	ssyncset.done $0x0  }
0x11e: {  	s15 =	simm.s32 $0x4300;
	[sflag:s9] =	ssyncadd.s32 $0xFFFFF800  }
0x11f: {  	[tilespmem:s23], [sflag:$0x3] =	stream.indirect.gather [hbm4b:s6+s19], $0x10, s15, s19, $0xb8;
	[tilespmem:$0x16720] =	vst v63  }
0x120: {  	_ =	swait.ge [sflag:s10], $0x800  }
0x121: {  	[sflag:s10] =	ssyncset.done $0x0  }
0x122: {  	s4 =	simm.s32 $0x800;
	s14 =	simm.s32 $0x4380;
	[sflag:s10] =	ssyncadd.s32 $0xFFFFF800  }
.LBB2_4:
0x123: {  	[tilespmem:s25], [sflag:$0x4] =	stream.indirect.gather [hbm4b:s6+s19], $0x10, s14, s19, $0xb8;
	[tilespmem:$0x16720] =	vst v63  }
0x124: {  	s14 =	smov.u32 s4  }
0x125: {  	p0 =	sne.s32 s4, $0x2800;
	s4 =	sadd.s32 $0x800, s4;
	_ =	swait.ge [sflag:s16], $0x800  }
0x126: {  	s14 =	sshra.s32 s14, $0x2;
	[sflag:s16] =	ssyncset.done $0x0  }
0x127: {  	s15 =	sadd.s32 $0x4E00, s14;
	[sflag:s16] =	ssyncadd.s32 $0xFFFFF800  }
0x128: {  	[spmem:s3] =	stream.indirect.scatter.add.f32 [tilespmem:s20], [sflag:$0x9], $0x10, s15, s19, $0xb8;
	[tilespmem:$0x16720] =	vst v63  }
0x129: {  	_ =	swait.ge [sflag:s18], $0x800  }
0x12a: {  	[sflag:s18] =	ssyncset.done $0x0  }
0x12b: {  	s15 =	sadd.s32 $0x4E80, s14;
	[sflag:s18] =	ssyncadd.s32 $0xFFFFF800  }
0x12c: {  	[spmem:s3] =	stream.indirect.scatter.add.f32 [tilespmem:s21], [sflag:$0xA], $0x10, s15, s19, $0xb8;
	[tilespmem:$0x16720] =	vst v63  }
0x12d: {  	_ =	swait.ge [sflag:s22], $0x800  }
0x12e: {  	[sflag:s22] =	ssyncset.done $0x0  }
0x12f: {  	s15 =	sadd.s32 $0x4F00, s14;
	[sflag:s22] =	ssyncadd.s32 $0xFFFFF800  }
0x130: {  	[spmem:s3] =	stream.indirect.scatter.add.f32 [tilespmem:s23], [sflag:$0xB], $0x10, s15, s19, $0xb8;
	[tilespmem:$0x16720] =	vst v63  }
0x131: {  	_ =	swait.ge [sflag:s24], $0x800  }
0x132: {  	[sflag:s24] =	ssyncset.done $0x0  }
0x133: {  	s15 =	sadd.s32 $0x4F80, s14;
	[sflag:s24] =	ssyncadd.s32 $0xFFFFF800  }
0x134: {  	[spmem:s3] =	stream.indirect.scatter.add.f32 [tilespmem:s25], [sflag:$0xC], $0x10, s15, s19, $0xb8;
	[tilespmem:$0x16720] =	vst v63  }
0x135: {  	_ =	swait.ge [sflag:s8], $0x800  }
0x136: {  	[sflag:s8] =	ssyncset.done $0x0  }
0x137: {  	s15 =	sadd.s32 $0x4200, s14;
	[sflag:s8] =	ssyncadd.s32 $0xFFFFF800  }
0x138: {  	[tilespmem:s20], [sflag:$0x1] =	stream.indirect.gather [hbm4b:s6+s19], $0x10, s15, s19, $0xb8;
	[tilespmem:$0x16720] =	vst v63  }
0x139: {  	_ =	swait.ge [sflag:s17], $0x800  }
0x13a: {  	[sflag:s17] =	ssyncset.done $0x0  }
0x13b: {  	s15 =	sadd.s32 $0x4280, s14;
	[sflag:s17] =	ssyncadd.s32 $0xFFFFF800  }
0x13c: {  	[tilespmem:s21], [sflag:$0x2] =	stream.indirect.gather [hbm4b:s6+s19], $0x10, s15, s19, $0xb8;
	[tilespmem:$0x16720] =	vst v63  }
0x13d: {  	_ =	swait.ge [sflag:s9], $0x800  }
0x13e: {  	[sflag:s9] =	ssyncset.done $0x0  }
.Ltmp1:
0x13f: {  	s15 =	sadd.s32 $0x4300, s14;
	[sflag:s9] =	ssyncadd.s32 $0xFFFFF800;
	(pc) =	sbr.rel @p0 .LBB2_4-.Ltmp1, $4  }
0x140: {  	[tilespmem:s23], [sflag:$0x3] =	stream.indirect.gather [hbm4b:s6+s19], $0x10, s15, s19, $0xb8;
	[tilespmem:$0x16720] =	vst v63  }
0x141: {  	_ =	swait.ge [sflag:s10], $0x800  }
0x142: {  	[sflag:s10] =	ssyncset.done $0x0  }
0x143: {  	s14 =	sadd.s32 $0x4380, s14;
	[sflag:s10] =	ssyncadd.s32 $0xFFFFF800  }
0x144: {  	[tilespmem:s25], [sflag:$0x4] =	stream.indirect.gather [hbm4b:s6+s19], $0x10, s14, s19, $0xb8;
	[tilespmem:$0x16720] =	vst v63  }
0x145: {  	_ =	swait.ge [sflag:s16], $0x800  }
0x146: {  	[sflag:s16] =	ssyncset.done $0x0  }
0x147: {  	s4 =	simm.s32 $0x5A00;
	[sflag:s16] =	ssyncadd.s32 $0xFFFFF800  }
0x148: {  	[spmem:s3] =	stream.indirect.scatter.add.f32 [tilespmem:s20], [sflag:$0x9], $0x10, s4, s19, $0xb8;
	[tilespmem:$0x16720] =	vst v63  }
0x149: {  	_ =	swait.ge [sflag:s18], $0x800  }
0x14a: {  	[sflag:s18] =	ssyncset.done $0x0  }
0x14b: {  	s15 =	simm.s32 $0x5A80;
	[sflag:s18] =	ssyncadd.s32 $0xFFFFF800  }
0x14c: {  	[spmem:s3] =	stream.indirect.scatter.add.f32 [tilespmem:s21], [sflag:$0xA], $0x10, s15, s19, $0xb8;
	[tilespmem:$0x16720] =	vst v63  }
0x14d: {  	_ =	swait.ge [sflag:s22], $0x800  }
0x14e: {  	[sflag:s22] =	ssyncset.done $0x0  }
0x14f: {  	s14 =	simm.s32 $0x5B00;
	[sflag:s22] =	ssyncadd.s32 $0xFFFFF800  }
0x150: {  	[spmem:s3] =	stream.indirect.scatter.add.f32 [tilespmem:s23], [sflag:$0xB], $0x10, s14, s19, $0xb8;
	[tilespmem:$0x16720] =	vst v63  }
0x151: {  	_ =	swait.ge [sflag:s24], $0x800  }
0x152: {  	[sflag:s24] =	ssyncset.done $0x0  }
0x153: {  	s15 =	simm.s32 $0x5B80;
	[sflag:s24] =	ssyncadd.s32 $0xFFFFF800  }
0x154: {  	[spmem:s3] =	stream.indirect.scatter.add.f32 [tilespmem:s25], [sflag:$0xC], $0x10, s15, s19, $0xb8;
	[tilespmem:$0x16720] =	vst v63  }
0x155: {  	_ =	swait.ge [sflag:s8], $0x800  }
0x156: {  	[sflag:s8] =	ssyncset.done $0x0  }
0x157: {  	[sflag:s8] =	ssyncadd.s32 $0xFFFFF800  }
0x158: {  	_ =	swait.ge [sflag:s17], $0x800  }
0x159: {  	[sflag:s17] =	ssyncset.done $0x0  }
0x15a: {  	[sflag:s17] =	ssyncadd.s32 $0xFFFFF800  }
0x15b: {  	_ =	swait.ge [sflag:s9], $0x800  }
0x15c: {  	[sflag:s9] =	ssyncset.done $0x0  }
0x15d: {  	[sflag:s9] =	ssyncadd.s32 $0xFFFFF800  }
0x15e: {  	_ =	swait.ge [sflag:s10], $0x800  }
0x15f: {  	[sflag:s10] =	ssyncset.done $0x0  }
0x160: {  	[sflag:s10] =	ssyncadd.s32 $0xFFFFF800  }
0x161: {  	[bflag:$0x0] =	sbarrier.arrive $0xFFFF  }
0x162: {  	s14 =	rddreg [dreg:$0x4]  }
0x163: {  	s4 =	rddreg [dreg:$0x9]  }
0x164: {  	s15 =	rddreg [dreg:$0xb]  }
0x165: {  	[hbm:s4], [sflag:s14] =	dma.local [spmem:s15], $0x1964  }
0x166: {  	s4 =	simm.s32 $0x11  }
0x167: {  	_ =	swait.ge [sflag:s4], $0x1964  }
0x168: {  	s14 =	rddreg [dreg:$0xc]  }
0x169: {  	s15 =	sadd.s32 $0x1, s14;
	s14 =	rddreg [dreg:$0xa]  }
0x16a: {  	p0 =	sne.s32 s15, s14  }
.Ltmp2:
0x16b: {  	_ = 	snop;
	(pc) =	sbr.rel @p0 .LBB2_1-.Ltmp2, $3  }
0x16c: {  	_ =	sdelay $0x1  }
0x16d: {  	[sflag:s4] =	ssyncset.done $0x0;
	s14 =	simm.s32 $0x11  }
0x16e: {  	[sflag:s14] =	ssyncadd.s32 $0xFFFFE69C  }
0x16f: {  	_ =	sfence.sel $0x180000  }
0x170: {  	[bflag:$0x0] =	sbarrier.arrive $0xFFFF  }
0x171: {  	_ =	strace $0x90000047  }
0x172: {  	s0 =	stileid.u32;
	[bflag:$0x2] =	sbarrier.arrive $0xFFFF  }
0x173: {  	p0 =	sne.s32 s0, $0x0;
	s0 =	rddreg [dreg:$0x3]  }
0x174: {  	s0 =	sadd.s32 @!p0 $0x100000, s0  }
0x175: {  	[sflag:s0] =	ssyncadd.tile.s32 @!p0 $0x1;
	_ =	shalt  }
.Lfunc_end2:
_tile_overlayer_lowered:
.L_overlay_start_2:
0x176: {  	(tag) =	ssettag $0x2  }
0x177: {  	s0 =	rddreg [dreg:$0x0];
	s2 =	stileid.u32  }
0x178: {  	s1 =	rddreg [dreg:$0x1];
	p0 =	sne.s32 s2, $0x0  }
0x179: {  	s3 =	rddreg [dreg:$0x2];
	[bflag:$0x3] =	sbarrier.arrive $0xFFFF;
	s2 =	simm.s32 @!p0 $0x1C11  }
0x17a: {  	[timem:s3], [sflag:s2] =	dma.local @!p0 [hbm:s0], s1  }
0x17b: {  	s0 =	simm.s32 @!p0 $0x11  }
0x17c: {  	_ =	swait.ge @!p0 [sflag:s0], s1  }
0x17d: {  	s1 =	ssub.s32 @!p0 $0x0, s1;
	[sflag:s0] =	ssyncset.done @!p0 $0x0  }
0x17e: {  	[sflag:s0] =	ssyncadd.s32 @!p0 s1  }
0x17f: {  	[bflag:$0x3] =	sbarrier.arrive $0xFFFF  }
0x180: {  	_ =	shalt  }

</sc_bundles>
